<compile_context>
chip_gen: v7x
topology: tpu7x:2x2x1
jax: 0.10.2.dev20260603
libtpu: 0.0.44.dev20260713+nightly
codegen_flags: <defaults>
</compile_context>

<pallas_src>
import functools

import jax
import jax.numpy as jnp
from jax import lax
from jax.experimental import pallas as pl
from jax.experimental.pallas import tpu as pltpu
from jax.experimental.pallas import tpu_sc as plsc

E = 8
DIM = 1024
INTER = 2048
LT_DIM = 768
TOKENS = 2048
SH = 2 * INTER

TM = 256
TN = 1024
P = TOKENS + E * TM
NTP = P // TM
NK = INTER // TN
NTS = TOKENS // TM
NKS = SH // TN
TRASH = TOKENS

NC = 2
NS = 16
NW = NC * NS
TPW = TOKENS // NS
SPW = P // NW


def _silu(v):
    return v * jax.nn.sigmoid(v)


def _route_body(lt_ref, emb_ref, idx_ref):
    emb = emb_ref[...]
    enorm = jnp.sqrt(jnp.sum(emb * emb, axis=-1, keepdims=True))
    emb = emb / jnp.maximum(enorm, 1e-12)
    lt = lt_ref[...]
    tnorm = jnp.sqrt(jnp.sum(lt * lt, axis=-1, keepdims=True))
    lt = lt / jnp.maximum(tnorm, 1e-12)
    sims = lax.dot_general(lt, emb, (((1,), (1,)), ((), ())),
                           preferred_element_type=jnp.float32)
    idx_ref[...] = jnp.argmax(sims, axis=-1).astype(jnp.int32)


def _route(language_token, routing_embeddings):
    return pl.pallas_call(
        _route_body,
        grid=(1,),
        in_specs=[
            pl.BlockSpec((TOKENS, LT_DIM), lambda i: (0, 0)),
            pl.BlockSpec((E, LT_DIM), lambda i: (0, 0)),
        ],
        out_specs=pl.BlockSpec((TOKENS,), lambda i: (0,)),
        out_shape=jax.ShapeDtypeStruct((TOKENS,), jnp.int32),
    )(language_token, routing_embeddings)


PPW = P // NW
NCHUNK = TOKENS // 16


def _sort_body(idx_hbm, perm_hbm, texp_hbm, tvalid_hbm, stats_hbm,
               idx_v, chunk_v, meta_v, sem):
    cid = lax.axis_index("c")
    sid = lax.axis_index("s")
    w = sid * NC + cid
    base = w * PPW
    pltpu.sync_copy(idx_hbm, idx_v)
    lanes = lax.iota(jnp.int32, 16)

    def hist_step(i, counts):
        vec = idx_v[pl.ds(i * 16, 16)]
        for e in range(E):
            m = (vec == e).astype(jnp.int32)
            counts = counts + jnp.where(lanes == e, m * 0 + jnp.full(
                (16,), jnp.sum(m), jnp.int32), jnp.zeros((16,), jnp.int32))
        return counts
    totals = lax.fori_loop(0, NCHUNK, hist_step, jnp.zeros((16,), jnp.int32))

    padded = jnp.bitwise_and(totals + (TM - 1), -TM)
    incl = plsc.cumsum(padded)
    seg = incl - padded
    total_padded = jnp.max(incl)

    for i in range(PPW // 16):
        chunk_v[pl.ds(i * 16, 16)] = jnp.full((16,), TRASH, jnp.int32)
    lo = jnp.full((16,), base, jnp.int32)
    hi = jnp.full((16,), base + PPW, jnp.int32)

    def slot_step(i, cur):
        vec = idx_v[pl.ds(i * 16, 16)]
        svec = jnp.zeros((16,), jnp.int32)
        ncur = []
        for e in range(E):
            m = vec == e
            pos = plsc.cumsum(m.astype(jnp.int32))
            cvec = jnp.full((16,), cur[e], jnp.int32)
            svec = jnp.where(m, cvec + pos - 1, svec)
            ncur.append(cur[e] + pos[15])
        ids = lanes + jnp.full((16,), i * 16, jnp.int32)
        keep = jnp.logical_and(svec >= lo, svec < hi)
        plsc.store_scatter(chunk_v, [svec - lo], ids, mask=keep)
        return tuple(ncur)
    lax.fori_loop(0, NCHUNK, slot_step,
                  tuple(seg[e] for e in range(E)), unroll=2)

    pltpu.sync_copy(chunk_v, perm_hbm.at[pl.ds(base, PPW)])

    @pl.when(w == 0)
    def _meta():
        tp = jnp.full((16,), total_padded, jnp.int32)
        tile_starts = lax.iota(jnp.int32, 16) * TM
        valid = (tile_starts < tp).astype(jnp.int32)
        eff = jnp.minimum(tile_starts, tp - TM)
        acc = jnp.full((16,), -1, jnp.int32)
        for e in range(E):
            acc = acc + (eff >= jnp.full((16,), seg[e], jnp.int32)
                         ).astype(jnp.int32)
        meta_v[...] = acc
        pltpu.sync_copy(meta_v, texp_hbm)
        meta_v[...] = valid
        pltpu.sync_copy(meta_v, tvalid_hbm)
        meta_v[...] = tp
        pltpu.sync_copy(meta_v, stats_hbm)


def _sort(idx):
    mesh = plsc.VectorSubcoreMesh(core_axis_name="c", subcore_axis_name="s",
                                  num_cores=NC, num_subcores=NS)
    return pl.kernel(
        _sort_body,
        out_type=(
            jax.ShapeDtypeStruct((P,), jnp.int32),
            jax.ShapeDtypeStruct((16,), jnp.int32),
            jax.ShapeDtypeStruct((16,), jnp.int32),
            jax.ShapeDtypeStruct((16,), jnp.int32),
        ),
        mesh=mesh,
        compiler_params=pltpu.CompilerParams(needs_layout_passes=False),
        scratch_types=[
            pltpu.VMEM((TOKENS,), jnp.int32),
            pltpu.VMEM((PPW,), jnp.int32),
            pltpu.VMEM((16,), jnp.int32),
            pltpu.SemaphoreType.DMA,
        ],
    )(idx)


CH = 32
NCH = SPW // CH
NBUF = 3


def _gather_body(perm_hbm, x_hbm, stats_hbm, xs_hbm,
                 pidx_v, stat_v, ra_v, rb_v, rc_v, gsem, wsem):
    cid = lax.axis_index("c")
    sid = lax.axis_index("s")
    w = sid * NC + cid
    base = w * SPW
    pltpu.sync_copy(stats_hbm, stat_v)
    tp = stat_v[...][0]

    @pl.when(base < tp)
    def _():
        pltpu.sync_copy(perm_hbm.at[pl.ds(base, SPW)], pidx_v)
        for i in range(SPW // 16):
            pidx_v[pl.ds(i * 16, 16)] = jnp.minimum(
                pidx_v[pl.ds(i * 16, 16)], TOKENS - 1)
        bufs = (ra_v, rb_v, rc_v)
        gd = [None] * NCH
        wd = [None] * NCH
        for c in range(min(NBUF, NCH)):
            gd[c] = pltpu.async_copy(
                x_hbm.at[pidx_v.at[pl.ds(c * CH, CH)]], bufs[c % NBUF], gsem)
        for c in range(NCH):
            gd[c].wait()
            wd[c] = pltpu.async_copy(
                bufs[c % NBUF], xs_hbm.at[pl.ds(base + c * CH, CH)], wsem)
            if c + NBUF < NCH:
                wd[c].wait()
                gd[c + NBUF] = pltpu.async_copy(
                    x_hbm.at[pidx_v.at[pl.ds((c + NBUF) * CH, CH)]],
                    bufs[c % NBUF], gsem)
        for c in range(max(0, NCH - NBUF), NCH):
            wd[c].wait()


def _gather(perm, x, stats):
    mesh = plsc.VectorSubcoreMesh(core_axis_name="c", subcore_axis_name="s",
                                  num_cores=NC, num_subcores=NS)
    return pl.kernel(
        _gather_body,
        out_type=jax.ShapeDtypeStruct((P, DIM), jnp.float32),
        mesh=mesh,
        compiler_params=pltpu.CompilerParams(needs_layout_passes=False),
        scratch_types=[
            pltpu.VMEM((SPW,), jnp.int32),
            pltpu.VMEM((16,), jnp.int32),
            pltpu.VMEM((CH, DIM), jnp.float32),
            pltpu.VMEM((CH, DIM), jnp.float32),
            pltpu.VMEM((CH, DIM), jnp.float32),
            pltpu.SemaphoreType.DMA,
            pltpu.SemaphoreType.DMA,
        ],
    )(perm, x, stats)


def _gmm_body(texp_ref, tvalid_ref, xs_ref, ew_ref,
              w1_ref, b1_ref, w3_ref, b3_ref, w2_ref, b2_ref, out_ref):
    t2 = pl.program_id(0)
    k = pl.program_id(1)
    jj = pl.program_id(2)

    for j in range(2):
        @pl.when(jnp.logical_and(jj == j, tvalid_ref[2 * t2 + j] == 1))
        def _compute():
            x = xs_ref[j * TM:(j + 1) * TM, :]
            a = lax.dot_general(x, w1_ref[0], (((1,), (0,)), ((), ())),
                                preferred_element_type=jnp.float32
                                ) + b1_ref[0, 0]
            g = lax.dot_general(x, w3_ref[0], (((1,), (0,)), ((), ())),
                                preferred_element_type=jnp.float32
                                ) + b3_ref[0, 0]
            h = _silu(a) * g
            o = lax.dot_general(h, w2_ref[0], (((1,), (0,)), ((), ())),
                                preferred_element_type=jnp.float32)

            @pl.when(k == 0)
            def _wb():
                out_ref[j * TM:(j + 1) * TM, :] = o + b2_ref[0, 0]

            @pl.when(k != 0)
            def _nb():
                out_ref[j * TM:(j + 1) * TM, :] += o

            @pl.when(k == NK - 1)
            def _sc():
                out_ref[j * TM:(j + 1) * TM, :] *= ew_ref[
                    texp_ref[2 * t2 + j]]


def _gmm(texp, tvalid, xs, expert_weights, w1, b1, w3, b3, w2, b2):
    grid_spec = pltpu.PrefetchScalarGridSpec(
        num_scalar_prefetch=2,
        grid=(NTP // 2, NK, 2),
        in_specs=[
            pl.BlockSpec((2 * TM, DIM), lambda t2, k, j, te, tv: (t2, 0)),
            pl.BlockSpec(memory_space=pltpu.SMEM),
            pl.BlockSpec((1, DIM, TN),
                         lambda t2, k, j, te, tv: (te[2 * t2 + j], 0, k)),
            pl.BlockSpec((1, 1, TN),
                         lambda t2, k, j, te, tv: (te[2 * t2 + j], 0, k)),
            pl.BlockSpec((1, DIM, TN),
                         lambda t2, k, j, te, tv: (te[2 * t2 + j], 0, k)),
            pl.BlockSpec((1, 1, TN),
                         lambda t2, k, j, te, tv: (te[2 * t2 + j], 0, k)),
            pl.BlockSpec((1, TN, DIM),
                         lambda t2, k, j, te, tv: (te[2 * t2 + j], k, 0)),
            pl.BlockSpec((1, 1, DIM),
                         lambda t2, k, j, te, tv: (te[2 * t2 + j], 0, 0)),
        ],
        out_specs=pl.BlockSpec((2 * TM, DIM), lambda t2, k, j, te, tv: (t2, 0)),
    )
    return pl.pallas_call(
        _gmm_body,
        grid_spec=grid_spec,
        out_shape=jax.ShapeDtypeStruct((P, DIM), jnp.float32),
    )(texp, tvalid, xs, expert_weights,
      w1, b1.reshape(E, 1, INTER), w3, b3.reshape(E, 1, INTER),
      w2, b2.reshape(E, 1, DIM))


def _scatter_body(ys_hbm, perm_hbm, stats_hbm, yb_hbm,
                  i0_v, i1_v, i2_v, i3_v, stat_v, ra_v, rb_v, rc_v,
                  lsem, ssem):
    cid = lax.axis_index("c")
    sid = lax.axis_index("s")
    w = sid * NC + cid
    base = w * SPW
    pltpu.sync_copy(stats_hbm, stat_v)
    tp = stat_v[...][0]

    @pl.when(base < tp)
    def _():
        idxs = (i0_v, i1_v, i2_v, i3_v)
        for c in range(NCH):
            pltpu.sync_copy(perm_hbm.at[pl.ds(base + c * CH, CH)], idxs[c])
        bufs = (ra_v, rb_v, rc_v)
        ld = [None] * NCH
        sd = [None] * NCH
        for c in range(min(NBUF, NCH)):
            ld[c] = pltpu.async_copy(
                ys_hbm.at[pl.ds(base + c * CH, CH)], bufs[c % NBUF], lsem)
        for c in range(NCH):
            ld[c].wait()
            sd[c] = pltpu.async_copy(bufs[c % NBUF], yb_hbm.at[idxs[c]], ssem)
            if c + NBUF < NCH:
                sd[c].wait()
                ld[c + NBUF] = pltpu.async_copy(
                    ys_hbm.at[pl.ds(base + (c + NBUF) * CH, CH)],
                    bufs[c % NBUF], lsem)
        for c in range(max(0, NCH - NBUF), NCH):
            sd[c].wait()


def _scatter(y_sorted, perm, stats):
    mesh = plsc.VectorSubcoreMesh(core_axis_name="c", subcore_axis_name="s",
                                  num_cores=NC, num_subcores=NS)
    return pl.kernel(
        _scatter_body,
        out_type=jax.ShapeDtypeStruct((TOKENS + 8, DIM), jnp.float32),
        mesh=mesh,
        compiler_params=pltpu.CompilerParams(needs_layout_passes=False),
        scratch_types=[
            pltpu.VMEM((CH,), jnp.int32),
            pltpu.VMEM((CH,), jnp.int32),
            pltpu.VMEM((CH,), jnp.int32),
            pltpu.VMEM((CH,), jnp.int32),
            pltpu.VMEM((16,), jnp.int32),
            pltpu.VMEM((CH, DIM), jnp.float32),
            pltpu.VMEM((CH, DIM), jnp.float32),
            pltpu.VMEM((CH, DIM), jnp.float32),
            pltpu.SemaphoreType.DMA,
            pltpu.SemaphoreType.DMA,
        ],
    )(y_sorted, perm, stats)


def _shared_body(x_ref, y_ref, ws1_ref, bs1_ref, ws2_ref, bs2_ref, out_ref):
    k = pl.program_id(1)

    @pl.when(k == 0)
    def _init():
        out_ref[...] = y_ref[...] + bs2_ref[...]

    a = lax.dot_general(x_ref[...], ws1_ref[...], (((1,), (0,)), ((), ())),
                        preferred_element_type=jnp.float32) + bs1_ref[...]
    h = _silu(a).astype(jnp.bfloat16)
    out_ref[...] += lax.dot_general(h, ws2_ref[...],
                                    (((1,), (0,)), ((), ())),
                                    preferred_element_type=jnp.float32)


def _shared(x, ybuf, ws1, bs1, ws2, bs2):
    return pl.pallas_call(
        _shared_body,
        grid=(NTS, NKS),
        in_specs=[
            pl.BlockSpec((TM, DIM), lambda t, k: (t, 0)),
            pl.BlockSpec((TM, DIM), lambda t, k: (t, 0)),
            pl.BlockSpec((DIM, TN), lambda t, k: (0, k)),
            pl.BlockSpec((1, TN), lambda t, k: (0, k)),
            pl.BlockSpec((TN, DIM), lambda t, k: (k, 0)),
            pl.BlockSpec((1, DIM), lambda t, k: (0, 0)),
        ],
        out_specs=pl.BlockSpec((TM, DIM), lambda t, k: (t, 0)),
        out_shape=jax.ShapeDtypeStruct((TOKENS, DIM), jnp.float32),
    )(x.astype(jnp.bfloat16), ybuf, ws1.astype(jnp.bfloat16),
      bs1.reshape(1, SH), ws2.astype(jnp.bfloat16), bs2.reshape(1, DIM))


def _add_body(z_ref, y_ref, out_ref):
    out_ref[...] = z_ref[...] + y_ref[...]


def _final_add(z, ybuf):
    return pl.pallas_call(
        _add_body,
        grid=(NTS,),
        in_specs=[
            pl.BlockSpec((TM, DIM), lambda t: (t, 0)),
            pl.BlockSpec((TM, DIM), lambda t: (t, 0)),
        ],
        out_specs=pl.BlockSpec((TM, DIM), lambda t: (t, 0)),
        out_shape=jax.ShapeDtypeStruct((TOKENS, DIM), jnp.float32),
    )(z, ybuf)


def kernel(x, language_token, routing_embeddings, expert_weights,
           w1, b1, w2, b2, w3, b3, ws1, bs1, ws2, bs2):
    idx = _route(language_token, routing_embeddings)
    perm, texp, tvalid, stats = _sort(idx)
    xs = _gather(perm, x, stats)
    ys = _gmm(texp, tvalid, xs, expert_weights, w1, b1, w3, b3, w2, b2)
    ybuf = _scatter(ys, perm, stats)
    return _shared(x, ybuf, ws1, bs1, ws2, bs2)

# --- scband reference (transcript-rebuilt; emitter-appended) ---
"""Pipeline reference for scband-mo-e-38242388803777 (READ-ONLY COPY).

The authoritative reference and input builder live on the scoring server;
editing this copy changes nothing except your own understanding.
"""

import jax, jax.numpy as jnp
import numpy as np

E = 8
DIM = 1024
INTER = 2048
LT_DIM = 768
TOKENS = 2048
N_SHARED = 2
EXPERT_SCALE = 0.1


def setup_inputs(seed: int = 0) -> dict:
    key = jax.random.key(seed)
    ks = jax.random.split(key, 16)
    inp = {}
    inp['x'] = jax.random.normal(ks[0], (TOKENS, DIM), dtype=jnp.float32)
    inp['language_token'] = jax.random.normal(ks[1], (TOKENS, LT_DIM), dtype=jnp.float32)
    # learned / buffer parameters
    inp['routing_embeddings'] = jax.random.normal(ks[2], (E, LT_DIM), dtype=jnp.float32)
    inp['expert_weights'] = jnp.ones((E,), dtype=jnp.float32) * EXPERT_SCALE
    s1 = 1.0 / np.sqrt(DIM)
    s2 = 1.0 / np.sqrt(INTER)
    inp['w1'] = jax.random.uniform(ks[3], (E, DIM, INTER), jnp.float32, -s1, s1)
    inp['b1'] = jax.random.uniform(ks[4], (E, INTER), jnp.float32, -s1, s1)
    inp['w2'] = jax.random.uniform(ks[5], (E, INTER, DIM), jnp.float32, -s2, s2)
    inp['b2'] = jax.random.uniform(ks[6], (E, DIM), jnp.float32, -s2, s2)
    inp['w3'] = jax.random.uniform(ks[7], (E, DIM, INTER), jnp.float32, -s1, s1)
    inp['b3'] = jax.random.uniform(ks[8], (E, INTER), jnp.float32, -s1, s1)
    SH = N_SHARED * INTER
    s3 = 1.0 / np.sqrt(SH)
    inp['ws1'] = jax.random.uniform(ks[9], (DIM, SH), jnp.float32, -s1, s1)
    inp['bs1'] = jax.random.uniform(ks[10], (SH,), jnp.float32, -s1, s1)
    inp['ws2'] = jax.random.uniform(ks[11], (SH, DIM), jnp.float32, -s3, s3)
    inp['bs2'] = jax.random.uniform(ks[12], (DIM,), jnp.float32, -s3, s3)
    return inp


def _silu(v):
    return v * jax.nn.sigmoid(v)


def reference(x, language_token, routing_embeddings, expert_weights, w1, b1, w2, b2, w3, b3, ws1, bs1, ws2, bs2):
    # PrototypeTaskGate: cosine-similarity top-1 routing
    norm_tokens = language_token / jnp.clip(jnp.linalg.norm(language_token, axis=-1, keepdims=True), 1e-12)
    norm_emb = routing_embeddings / jnp.clip(jnp.linalg.norm(routing_embeddings, axis=-1, keepdims=True), 1e-12)
    similarities = norm_tokens @ norm_emb.T  # [B, E]
    indices = jnp.argmax(similarities, axis=-1)  # [B]

    # Routed experts: masked dense dispatch (math-identical to per-index gather/scatter)
    y = jnp.zeros_like(x)
    for i in range(E):
        mask = (indices == i).astype(x.dtype)[:, None]
        h = _silu(x @ w1[i] + b1[i]) * (x @ w3[i] + b3[i])
        out = h @ w2[i] + b2[i]
        y = y + mask * (expert_weights[i] * out)

    # Shared experts: Linear -> SiLU -> Linear
    z = _silu(x @ ws1 + bs1) @ ws2 + bs2
    return (y + z).reshape(x.shape)

if __name__ == "__main__":
    import jax
    _d = setup_inputs()
    print(jax.jit(kernel)(*tuple(_d.values())))

</pallas_src>

<mosaic_0001>
#map = affine_map<(d0, d1) -> (0)>
module attributes {stable_mosaic.version = 14 : i64} {
  func.func @_sort_body(%arg0: i32, %arg1: i32, %arg2: memref<2048xi32, #tpu.memory_space<hbm>>, %arg3: memref<4096xi32, #tpu.memory_space<hbm>>, %arg4: memref<16xi32, #tpu.memory_space<hbm>>, %arg5: memref<16xi32, #tpu.memory_space<hbm>>, %arg6: memref<16xi32, #tpu.memory_space<hbm>>, %arg7: memref<2048xi32, #tpu.memory_space<vmem>>, %arg8: memref<128xi32, #tpu.memory_space<vmem>>, %arg9: memref<16xi32, #tpu.memory_space<vmem>>, %arg10: memref<!tpu.dma_semaphore, #tpu.memory_space<semaphore_mem>>) attributes {dimension_semantics = [#tpu.dimension_semantics<core_parallel>, #tpu.dimension_semantics<subcore_parallel>], iteration_bounds = array<i64: 2, 16>, scalar_prefetch = 0 : i64, scratch_operands = 4 : i64, tpu.core_type = #tpu.core_type<sc_vector_subcore>, window_params = [{transform_indices = #map}, {transform_indices = #map}, {transform_indices = #map}, {transform_indices = #map}, {transform_indices = #map}]} {
    %mul3A = arith.constant 2 : i32
    %mul3A_0 = arith.muli %arg1, %mul3A : i32
    %add3A = arith.addi %mul3A_0, %arg0 : i32
    %mul3A_1 = arith.constant 128 : i32
    %mul3A_2 = arith.muli %add3A, %mul3A_1 : i32
    "tpu.region"() ({
      %run_scoped3A = tpu.sem_alloc : memref<!tpu.dma_semaphore, #tpu.memory_space<semaphore_mem>>
      tpu.enqueue_dma source(%arg2 : memref<2048xi32, #tpu.memory_space<hbm>>) target(%arg7 : memref<2048xi32, #tpu.memory_space<vmem>>) target_semaphore(%run_scoped3A : memref<!tpu.dma_semaphore, #tpu.memory_space<semaphore_mem>>)
      tpu.wait_dma2 semaphore(%run_scoped3A : memref<!tpu.dma_semaphore, #tpu.memory_space<semaphore_mem>>) src(%arg2 : memref<2048xi32, #tpu.memory_space<hbm>>) dst(%arg7 : memref<2048xi32, #tpu.memory_space<vmem>>)
      tpu.yield
    }) : () -> ()
    %iota3A = tpu.iota {dimensions = array<i32: 0>} : vector<16xi32>
    %broadcast_in_dim3A = arith.constant 0 : i32
    %broadcast_in_dim3A_3 = vector.broadcast %broadcast_in_dim3A : i32 to vector<16xi32>
    %scan3A = arith.constant 0 : i32
    %scan3A_4 = arith.constant 128 : i32
    %scan3A_5 = arith.addi %scan3A, %scan3A_4 : i32
    %scan3A_6 = arith.constant 1 : i32
    %scan3A_7 = scf.for %scan3A_80 = %scan3A to %scan3A_5 step %scan3A_6 iter_args(%scan3A_81 = %broadcast_in_dim3A_3) -> (vector<16xi32>)  : i32 {
      %mul3A_82 = arith.constant 16 : i32
      %mul3A_83 = arith.muli %scan3A_80, %mul3A_82 : i32
      %get3A = arith.index_cast %mul3A_83 : i32 to index
      %get3A_84 = tpu.vector_load %arg7[%get3A] {strides = array<i32>} : memref<2048xi32, #tpu.memory_space<vmem>>, vector<16xi32>,
      %eq3A_85 = arith.constant 0 : i32
      %eq3A_86 = vector.broadcast %eq3A_85 : i32 to vector<16xi32>
      %eq3A_87 = arith.cmpi eq, %get3A_84, %eq3A_86 : vector<16xi32>
      %convert_element_type3A_88 = arith.extui %eq3A_87 : vector<16xi1> to vector<16xi32>
      %eq3A_89 = arith.constant 0 : i32
      %eq3A_90 = vector.broadcast %eq3A_89 : i32 to vector<16xi32>
      %eq3A_91 = arith.cmpi eq, %iota3A, %eq3A_90 : vector<16xi32>
      %mul3A_92 = arith.constant 0 : i32
      %mul3A_93 = vector.broadcast %mul3A_92 : i32 to vector<16xi32>
      %mul3A_94 = arith.muli %convert_element_type3A_88, %mul3A_93 : vector<16xi32>
      %reduce_sum3A = arith.constant true
      %reduce_sum3A_95 = vector.broadcast %reduce_sum3A : i1 to vector<16xi1>
      %reduce_sum3A_96 = tpu.scan <sum>, %convert_element_type3A_88 masked %reduce_sum3A_95 : vector<16xi32>, vector<16xi1> -> vector<16xi32>
      %reduce_sum3A_97 = vector.extract %reduce_sum3A_96[15] : i32 from vector<16xi32>
      %broadcast_in_dim3A_98 = vector.broadcast %reduce_sum3A_97 : i32 to vector<16xi32>
      %add3A_99 = arith.addi %mul3A_94, %broadcast_in_dim3A_98 : vector<16xi32>
      %broadcast_in_dim3A_100 = arith.constant 0 : i32
      %broadcast_in_dim3A_101 = vector.broadcast %broadcast_in_dim3A_100 : i32 to vector<16xi32>
      %select_n3A = arith.select %eq3A_91, %add3A_99, %broadcast_in_dim3A_101 : vector<16xi1>, vector<16xi32>
      %add3A_102 = arith.addi %scan3A_81, %select_n3A : vector<16xi32>
      %eq3A_103 = arith.constant 1 : i32
      %eq3A_104 = vector.broadcast %eq3A_103 : i32 to vector<16xi32>
      %eq3A_105 = arith.cmpi eq, %get3A_84, %eq3A_104 : vector<16xi32>
      %convert_element_type3A_106 = arith.extui %eq3A_105 : vector<16xi1> to vector<16xi32>
      %eq3A_107 = arith.constant 1 : i32
      %eq3A_108 = vector.broadcast %eq3A_107 : i32 to vector<16xi32>
      %eq3A_109 = arith.cmpi eq, %iota3A, %eq3A_108 : vector<16xi32>
      %mul3A_110 = arith.constant 0 : i32
      %mul3A_111 = vector.broadcast %mul3A_110 : i32 to vector<16xi32>
      %mul3A_112 = arith.muli %convert_element_type3A_106, %mul3A_111 : vector<16xi32>
      %reduce_sum3A_113 = arith.constant true
      %reduce_sum3A_114 = vector.broadcast %reduce_sum3A_113 : i1 to vector<16xi1>
      %reduce_sum3A_115 = tpu.scan <sum>, %convert_element_type3A_106 masked %reduce_sum3A_114 : vector<16xi32>, vector<16xi1> -> vector<16xi32>
      %reduce_sum3A_116 = vector.extract %reduce_sum3A_115[15] : i32 from vector<16xi32>
      %broadcast_in_dim3A_117 = vector.broadcast %reduce_sum3A_116 : i32 to vector<16xi32>
      %add3A_118 = arith.addi %mul3A_112, %broadcast_in_dim3A_117 : vector<16xi32>
      %broadcast_in_dim3A_119 = arith.constant 0 : i32
      %broadcast_in_dim3A_120 = vector.broadcast %broadcast_in_dim3A_119 : i32 to vector<16xi32>
      %select_n3A_121 = arith.select %eq3A_109, %add3A_118, %broadcast_in_dim3A_120 : vector<16xi1>, vector<16xi32>
      %add3A_122 = arith.addi %add3A_102, %select_n3A_121 : vector<16xi32>
      %eq3A_123 = arith.constant 2 : i32
      %eq3A_124 = vector.broadcast %eq3A_123 : i32 to vector<16xi32>
      %eq3A_125 = arith.cmpi eq, %get3A_84, %eq3A_124 : vector<16xi32>
      %convert_element_type3A_126 = arith.extui %eq3A_125 : vector<16xi1> to vector<16xi32>
      %eq3A_127 = arith.constant 2 : i32
      %eq3A_128 = vector.broadcast %eq3A_127 : i32 to vector<16xi32>
      %eq3A_129 = arith.cmpi eq, %iota3A, %eq3A_128 : vector<16xi32>
      %mul3A_130 = arith.constant 0 : i32
      %mul3A_131 = vector.broadcast %mul3A_130 : i32 to vector<16xi32>
      %mul3A_132 = arith.muli %convert_element_type3A_126, %mul3A_131 : vector<16xi32>
      %reduce_sum3A_133 = arith.constant true
      %reduce_sum3A_134 = vector.broadcast %reduce_sum3A_133 : i1 to vector<16xi1>
      %reduce_sum3A_135 = tpu.scan <sum>, %convert_element_type3A_126 masked %reduce_sum3A_134 : vector<16xi32>, vector<16xi1> -> vector<16xi32>
      %reduce_sum3A_136 = vector.extract %reduce_sum3A_135[15] : i32 from vector<16xi32>
      %broadcast_in_dim3A_137 = vector.broadcast %reduce_sum3A_136 : i32 to vector<16xi32>
      %add3A_138 = arith.addi %mul3A_132, %broadcast_in_dim3A_137 : vector<16xi32>
      %broadcast_in_dim3A_139 = arith.constant 0 : i32
      %broadcast_in_dim3A_140 = vector.broadcast %broadcast_in_dim3A_139 : i32 to vector<16xi32>
      %select_n3A_141 = arith.select %eq3A_129, %add3A_138, %broadcast_in_dim3A_140 : vector<16xi1>, vector<16xi32>
      %add3A_142 = arith.addi %add3A_122, %select_n3A_141 : vector<16xi32>
      %eq3A_143 = arith.constant 3 : i32
      %eq3A_144 = vector.broadcast %eq3A_143 : i32 to vector<16xi32>
      %eq3A_145 = arith.cmpi eq, %get3A_84, %eq3A_144 : vector<16xi32>
      %convert_element_type3A_146 = arith.extui %eq3A_145 : vector<16xi1> to vector<16xi32>
      %eq3A_147 = arith.constant 3 : i32
      %eq3A_148 = vector.broadcast %eq3A_147 : i32 to vector<16xi32>
      %eq3A_149 = arith.cmpi eq, %iota3A, %eq3A_148 : vector<16xi32>
      %mul3A_150 = arith.constant 0 : i32
      %mul3A_151 = vector.broadcast %mul3A_150 : i32 to vector<16xi32>
      %mul3A_152 = arith.muli %convert_element_type3A_146, %mul3A_151 : vector<16xi32>
      %reduce_sum3A_153 = arith.constant true
      %reduce_sum3A_154 = vector.broadcast %reduce_sum3A_153 : i1 to vector<16xi1>
      %reduce_sum3A_155 = tpu.scan <sum>, %convert_element_type3A_146 masked %reduce_sum3A_154 : vector<16xi32>, vector<16xi1> -> vector<16xi32>
      %reduce_sum3A_156 = vector.extract %reduce_sum3A_155[15] : i32 from vector<16xi32>
      %broadcast_in_dim3A_157 = vector.broadcast %reduce_sum3A_156 : i32 to vector<16xi32>
      %add3A_158 = arith.addi %mul3A_152, %broadcast_in_dim3A_157 : vector<16xi32>
      %broadcast_in_dim3A_159 = arith.constant 0 : i32
      %broadcast_in_dim3A_160 = vector.broadcast %broadcast_in_dim3A_159 : i32 to vector<16xi32>
      %select_n3A_161 = arith.select %eq3A_149, %add3A_158, %broadcast_in_dim3A_160 : vector<16xi1>, vector<16xi32>
      %add3A_162 = arith.addi %add3A_142, %select_n3A_161 : vector<16xi32>
      %eq3A_163 = arith.constant 4 : i32
      %eq3A_164 = vector.broadcast %eq3A_163 : i32 to vector<16xi32>
      %eq3A_165 = arith.cmpi eq, %get3A_84, %eq3A_164 : vector<16xi32>
      %convert_element_type3A_166 = arith.extui %eq3A_165 : vector<16xi1> to vector<16xi32>
      %eq3A_167 = arith.constant 4 : i32
      %eq3A_168 = vector.broadcast %eq3A_167 : i32 to vector<16xi32>
      %eq3A_169 = arith.cmpi eq, %iota3A, %eq3A_168 : vector<16xi32>
      %mul3A_170 = arith.constant 0 : i32
      %mul3A_171 = vector.broadcast %mul3A_170 : i32 to vector<16xi32>
      %mul3A_172 = arith.muli %convert_element_type3A_166, %mul3A_171 : vector<16xi32>
      %reduce_sum3A_173 = arith.constant true
      %reduce_sum3A_174 = vector.broadcast %reduce_sum3A_173 : i1 to vector<16xi1>
      %reduce_sum3A_175 = tpu.scan <sum>, %convert_element_type3A_166 masked %reduce_sum3A_174 : vector<16xi32>, vector<16xi1> -> vector<16xi32>
      %reduce_sum3A_176 = vector.extract %reduce_sum3A_175[15] : i32 from vector<16xi32>
      %broadcast_in_dim3A_177 = vector.broadcast %reduce_sum3A_176 : i32 to vector<16xi32>
      %add3A_178 = arith.addi %mul3A_172, %broadcast_in_dim3A_177 : vector<16xi32>
      %broadcast_in_dim3A_179 = arith.constant 0 : i32
      %broadcast_in_dim3A_180 = vector.broadcast %broadcast_in_dim3A_179 : i32 to vector<16xi32>
      %select_n3A_181 = arith.select %eq3A_169, %add3A_178, %broadcast_in_dim3A_180 : vector<16xi1>, vector<16xi32>
      %add3A_182 = arith.addi %add3A_162, %select_n3A_181 : vector<16xi32>
      %eq3A_183 = arith.constant 5 : i32
      %eq3A_184 = vector.broadcast %eq3A_183 : i32 to vector<16xi32>
      %eq3A_185 = arith.cmpi eq, %get3A_84, %eq3A_184 : vector<16xi32>
      %convert_element_type3A_186 = arith.extui %eq3A_185 : vector<16xi1> to vector<16xi32>
      %eq3A_187 = arith.constant 5 : i32
      %eq3A_188 = vector.broadcast %eq3A_187 : i32 to vector<16xi32>
      %eq3A_189 = arith.cmpi eq, %iota3A, %eq3A_188 : vector<16xi32>
      %mul3A_190 = arith.constant 0 : i32
      %mul3A_191 = vector.broadcast %mul3A_190 : i32 to vector<16xi32>
      %mul3A_192 = arith.muli %convert_element_type3A_186, %mul3A_191 : vector<16xi32>
      %reduce_sum3A_193 = arith.constant true
      %reduce_sum3A_194 = vector.broadcast %reduce_sum3A_193 : i1 to vector<16xi1>
      %reduce_sum3A_195 = tpu.scan <sum>, %convert_element_type3A_186 masked %reduce_sum3A_194 : vector<16xi32>, vector<16xi1> -> vector<16xi32>
      %reduce_sum3A_196 = vector.extract %reduce_sum3A_195[15] : i32 from vector<16xi32>
      %broadcast_in_dim3A_197 = vector.broadcast %reduce_sum3A_196 : i32 to vector<16xi32>
      %add3A_198 = arith.addi %mul3A_192, %broadcast_in_dim3A_197 : vector<16xi32>
      %broadcast_in_dim3A_199 = arith.constant 0 : i32
      %broadcast_in_dim3A_200 = vector.broadcast %broadcast_in_dim3A_199 : i32 to vector<16xi32>
      %select_n3A_201 = arith.select %eq3A_189, %add3A_198, %broadcast_in_dim3A_200 : vector<16xi1>, vector<16xi32>
      %add3A_202 = arith.addi %add3A_182, %select_n3A_201 : vector<16xi32>
      %eq3A_203 = arith.constant 6 : i32
      %eq3A_204 = vector.broadcast %eq3A_203 : i32 to vector<16xi32>
      %eq3A_205 = arith.cmpi eq, %get3A_84, %eq3A_204 : vector<16xi32>
      %convert_element_type3A_206 = arith.extui %eq3A_205 : vector<16xi1> to vector<16xi32>
      %eq3A_207 = arith.constant 6 : i32
      %eq3A_208 = vector.broadcast %eq3A_207 : i32 to vector<16xi32>
      %eq3A_209 = arith.cmpi eq, %iota3A, %eq3A_208 : vector<16xi32>
      %mul3A_210 = arith.constant 0 : i32
      %mul3A_211 = vector.broadcast %mul3A_210 : i32 to vector<16xi32>
      %mul3A_212 = arith.muli %convert_element_type3A_206, %mul3A_211 : vector<16xi32>
      %reduce_sum3A_213 = arith.constant true
      %reduce_sum3A_214 = vector.broadcast %reduce_sum3A_213 : i1 to vector<16xi1>
      %reduce_sum3A_215 = tpu.scan <sum>, %convert_element_type3A_206 masked %reduce_sum3A_214 : vector<16xi32>, vector<16xi1> -> vector<16xi32>
      %reduce_sum3A_216 = vector.extract %reduce_sum3A_215[15] : i32 from vector<16xi32>
      %broadcast_in_dim3A_217 = vector.broadcast %reduce_sum3A_216 : i32 to vector<16xi32>
      %add3A_218 = arith.addi %mul3A_212, %broadcast_in_dim3A_217 : vector<16xi32>
      %broadcast_in_dim3A_219 = arith.constant 0 : i32
      %broadcast_in_dim3A_220 = vector.broadcast %broadcast_in_dim3A_219 : i32 to vector<16xi32>
      %select_n3A_221 = arith.select %eq3A_209, %add3A_218, %broadcast_in_dim3A_220 : vector<16xi1>, vector<16xi32>
      %add3A_222 = arith.addi %add3A_202, %select_n3A_221 : vector<16xi32>
      %eq3A_223 = arith.constant 7 : i32
      %eq3A_224 = vector.broadcast %eq3A_223 : i32 to vector<16xi32>
      %eq3A_225 = arith.cmpi eq, %get3A_84, %eq3A_224 : vector<16xi32>
      %convert_element_type3A_226 = arith.extui %eq3A_225 : vector<16xi1> to vector<16xi32>
      %eq3A_227 = arith.constant 7 : i32
      %eq3A_228 = vector.broadcast %eq3A_227 : i32 to vector<16xi32>
      %eq3A_229 = arith.cmpi eq, %iota3A, %eq3A_228 : vector<16xi32>
      %mul3A_230 = arith.constant 0 : i32
      %mul3A_231 = vector.broadcast %mul3A_230 : i32 to vector<16xi32>
      %mul3A_232 = arith.muli %convert_element_type3A_226, %mul3A_231 : vector<16xi32>
      %reduce_sum3A_233 = arith.constant true
      %reduce_sum3A_234 = vector.broadcast %reduce_sum3A_233 : i1 to vector<16xi1>
      %reduce_sum3A_235 = tpu.scan <sum>, %convert_element_type3A_226 masked %reduce_sum3A_234 : vector<16xi32>, vector<16xi1> -> vector<16xi32>
      %reduce_sum3A_236 = vector.extract %reduce_sum3A_235[15] : i32 from vector<16xi32>
      %broadcast_in_dim3A_237 = vector.broadcast %reduce_sum3A_236 : i32 to vector<16xi32>
      %add3A_238 = arith.addi %mul3A_232, %broadcast_in_dim3A_237 : vector<16xi32>
      %broadcast_in_dim3A_239 = arith.constant 0 : i32
      %broadcast_in_dim3A_240 = vector.broadcast %broadcast_in_dim3A_239 : i32 to vector<16xi32>
      %select_n3A_241 = arith.select %eq3A_229, %add3A_238, %broadcast_in_dim3A_240 : vector<16xi1>, vector<16xi32>
      %add3A_242 = arith.addi %add3A_222, %select_n3A_241 : vector<16xi32>
      scf.yield %add3A_242 : vector<16xi32>
    }
    %scan3A_8 = arith.constant 128 : i32
    %add3A_9 = arith.constant 255 : i32
    %add3A_10 = vector.broadcast %add3A_9 : i32 to vector<16xi32>
    %add3A_11 = arith.addi %scan3A_7, %add3A_10 : vector<16xi32>
    %and3A = arith.constant -256 : i32
    %and3A_12 = vector.broadcast %and3A : i32 to vector<16xi32>
    %and3A_13 = arith.andi %add3A_11, %and3A_12 : vector<16xi32>
    %broadcast_in_dim3A_14 = arith.constant true
    %broadcast_in_dim3A_15 = vector.broadcast %broadcast_in_dim3A_14 : i1 to vector<16xi1>
    %masked_cumsum3A = tpu.scan <sum>, %and3A_13 masked %broadcast_in_dim3A_15 : vector<16xi32>, vector<16xi1> -> vector<16xi32>
    %sub3A = arith.subi %masked_cumsum3A, %and3A_13 : vector<16xi32>
    %reduce_max3A = arith.constant true
    %reduce_max3A_16 = vector.broadcast %reduce_max3A : i1 to vector<16xi1>
    %reduce_max3A_17 = arith.constant -2147483648 : i32
    %reduce_max3A_18 = vector.broadcast %reduce_max3A_17 : i32 to vector<16xi32>
    %reduce_max3A_19 = arith.xori %masked_cumsum3A, %reduce_max3A_18 : vector<16xi32>
    %reduce_max3A_20 = tpu.scan <max>, %reduce_max3A_19 masked %reduce_max3A_16 : vector<16xi32>, vector<16xi1> -> vector<16xi32>
    %reduce_max3A_21 = arith.xori %reduce_max3A_20, %reduce_max3A_18 : vector<16xi32>
    %reduce_max3A_22 = vector.extract %reduce_max3A_21[15] : i32 from vector<16xi32>
    %broadcast_in_dim3A_23 = arith.constant 2048 : i32
    %broadcast_in_dim3A_24 = vector.broadcast %broadcast_in_dim3A_23 : i32 to vector<16xi32>
    %swap3A = arith.constant 0 : index
    %swap3A_25 = tpu.vector_load %arg8[%swap3A] {strides = array<i32>} : memref<128xi32, #tpu.memory_space<vmem>>, vector<16xi32>,
    tpu.vector_store %arg8[%swap3A], %broadcast_in_dim3A_24 {strides = array<i32>} : memref<128xi32, #tpu.memory_space<vmem>>, vector<16xi32>,
    %broadcast_in_dim3A_26 = arith.constant 2048 : i32
    %broadcast_in_dim3A_27 = vector.broadcast %broadcast_in_dim3A_26 : i32 to vector<16xi32>
    %swap3A_28 = arith.constant 16 : index
    %swap3A_29 = tpu.vector_load %arg8[%swap3A_28] {strides = array<i32>} : memref<128xi32, #tpu.memory_space<vmem>>, vector<16xi32>,
    tpu.vector_store %arg8[%swap3A_28], %broadcast_in_dim3A_27 {strides = array<i32>} : memref<128xi32, #tpu.memory_space<vmem>>, vector<16xi32>,
    %broadcast_in_dim3A_30 = arith.constant 2048 : i32
    %broadcast_in_dim3A_31 = vector.broadcast %broadcast_in_dim3A_30 : i32 to vector<16xi32>
    %swap3A_32 = arith.constant 32 : index
    %swap3A_33 = tpu.vector_load %arg8[%swap3A_32] {strides = array<i32>} : memref<128xi32, #tpu.memory_space<vmem>>, vector<16xi32>,
    tpu.vector_store %arg8[%swap3A_32], %broadcast_in_dim3A_31 {strides = array<i32>} : memref<128xi32, #tpu.memory_space<vmem>>, vector<16xi32>,
    %broadcast_in_dim3A_34 = arith.constant 2048 : i32
    %broadcast_in_dim3A_35 = vector.broadcast %broadcast_in_dim3A_34 : i32 to vector<16xi32>
    %swap3A_36 = arith.constant 48 : index
    %swap3A_37 = tpu.vector_load %arg8[%swap3A_36] {strides = array<i32>} : memref<128xi32, #tpu.memory_space<vmem>>, vector<16xi32>,
    tpu.vector_store %arg8[%swap3A_36], %broadcast_in_dim3A_35 {strides = array<i32>} : memref<128xi32, #tpu.memory_space<vmem>>, vector<16xi32>,
    %broadcast_in_dim3A_38 = arith.constant 2048 : i32
    %broadcast_in_dim3A_39 = vector.broadcast %broadcast_in_dim3A_38 : i32 to vector<16xi32>
    %swap3A_40 = arith.constant 64 : index
    %swap3A_41 = tpu.vector_load %arg8[%swap3A_40] {strides = array<i32>} : memref<128xi32, #tpu.memory_space<vmem>>, vector<16xi32>,
    tpu.vector_store %arg8[%swap3A_40], %broadcast_in_dim3A_39 {strides = array<i32>} : memref<128xi32, #tpu.memory_space<vmem>>, vector<16xi32>,
    %broadcast_in_dim3A_42 = arith.constant 2048 : i32
    %broadcast_in_dim3A_43 = vector.broadcast %broadcast_in_dim3A_42 : i32 to vector<16xi32>
    %swap3A_44 = arith.constant 80 : index
    %swap3A_45 = tpu.vector_load %arg8[%swap3A_44] {strides = array<i32>} : memref<128xi32, #tpu.memory_space<vmem>>, vector<16xi32>,
    tpu.vector_store %arg8[%swap3A_44], %broadcast_in_dim3A_43 {strides = array<i32>} : memref<128xi32, #tpu.memory_space<vmem>>, vector<16xi32>,
    %broadcast_in_dim3A_46 = arith.constant 2048 : i32
    %broadcast_in_dim3A_47 = vector.broadcast %broadcast_in_dim3A_46 : i32 to vector<16xi32>
    %swap3A_48 = arith.constant 96 : index
    %swap3A_49 = tpu.vector_load %arg8[%swap3A_48] {strides = array<i32>} : memref<128xi32, #tpu.memory_space<vmem>>, vector<16xi32>,
    tpu.vector_store %arg8[%swap3A_48], %broadcast_in_dim3A_47 {strides = array<i32>} : memref<128xi32, #tpu.memory_space<vmem>>, vector<16xi32>,
    %broadcast_in_dim3A_50 = arith.constant 2048 : i32
    %broadcast_in_dim3A_51 = vector.broadcast %broadcast_in_dim3A_50 : i32 to vector<16xi32>
    %swap3A_52 = arith.constant 112 : index
    %swap3A_53 = tpu.vector_load %arg8[%swap3A_52] {strides = array<i32>} : memref<128xi32, #tpu.memory_space<vmem>>, vector<16xi32>,
    tpu.vector_store %arg8[%swap3A_52], %broadcast_in_dim3A_51 {strides = array<i32>} : memref<128xi32, #tpu.memory_space<vmem>>, vector<16xi32>,
    %broadcast_in_dim3A_54 = vector.broadcast %mul3A_2 : i32 to vector<16xi32>
    %add3A_55 = arith.constant 128 : i32
    %add3A_56 = arith.addi %mul3A_2, %add3A_55 : i32
    %broadcast_in_dim3A_57 = vector.broadcast %add3A_56 : i32 to vector<16xi32>
    %slice3A = vector.extract_strided_slice %sub3A {offsets = [0], sizes = [1], strides = [1]} : vector<16xi32> to vector<1xi32>
    %squeeze3A = vector.extract %slice3A[0] : i32 from vector<1xi32>
    %slice3A_58 = vector.extract_strided_slice %sub3A {offsets = [1], sizes = [1], strides = [1]} : vector<16xi32> to vector<1xi32>
    %squeeze3A_59 = vector.extract %slice3A_58[0] : i32 from vector<1xi32>
    %slice3A_60 = vector.extract_strided_slice %sub3A {offsets = [2], sizes = [1], strides = [1]} : vector<16xi32> to vector<1xi32>
    %squeeze3A_61 = vector.extract %slice3A_60[0] : i32 from vector<1xi32>
    %slice3A_62 = vector.extract_strided_slice %sub3A {offsets = [3], sizes = [1], strides = [1]} : vector<16xi32> to vector<1xi32>
    %squeeze3A_63 = vector.extract %slice3A_62[0] : i32 from vector<1xi32>
    %slice3A_64 = vector.extract_strided_slice %sub3A {offsets = [4], sizes = [1], strides = [1]} : vector<16xi32> to vector<1xi32>
    %squeeze3A_65 = vector.extract %slice3A_64[0] : i32 from vector<1xi32>
    %slice3A_66 = vector.extract_strided_slice %sub3A {offsets = [5], sizes = [1], strides = [1]} : vector<16xi32> to vector<1xi32>
    %squeeze3A_67 = vector.extract %slice3A_66[0] : i32 from vector<1xi32>
    %slice3A_68 = vector.extract_strided_slice %sub3A {offsets = [6], sizes = [1], strides = [1]} : vector<16xi32> to vector<1xi32>
    %squeeze3A_69 = vector.extract %slice3A_68[0] : i32 from vector<1xi32>
    %slice3A_70 = vector.extract_strided_slice %sub3A {offsets = [7], sizes = [1], strides = [1]} : vector<16xi32> to vector<1xi32>
    %squeeze3A_71 = vector.extract %slice3A_70[0] : i32 from vector<1xi32>
    %scan3A_72 = arith.constant 0 : i32
    %scan3A_73 = arith.constant 128 : i32
    %scan3A_74 = arith.addi %scan3A_72, %scan3A_73 : i32
    %scan3A_75 = arith.constant 2 : i32
    %scan3A_76:8 = scf.for %scan3A_80 = %scan3A_72 to %scan3A_74 step %scan3A_75 iter_args(%scan3A_81 = %squeeze3A, %scan3A_82 = %squeeze3A_59, %scan3A_83 = %squeeze3A_61, %scan3A_84 = %squeeze3A_63, %scan3A_85 = %squeeze3A_65, %scan3A_86 = %squeeze3A_67, %scan3A_87 = %squeeze3A_69, %scan3A_88 = %squeeze3A_71) -> (i32, i32, i32, i32, i32, i32, i32, i32)  : i32 {
      %mul3A_89 = arith.constant 16 : i32
      %mul3A_90 = arith.muli %scan3A_80, %mul3A_89 : i32
      %get3A = arith.index_cast %mul3A_90 : i32 to index
      %get3A_91 = tpu.vector_load %arg7[%get3A] {strides = array<i32>} : memref<2048xi32, #tpu.memory_space<vmem>>, vector<16xi32>,
      %broadcast_in_dim3A_92 = arith.constant 0 : i32
      %broadcast_in_dim3A_93 = vector.broadcast %broadcast_in_dim3A_92 : i32 to vector<16xi32>
      %eq3A_94 = arith.constant 0 : i32
      %eq3A_95 = vector.broadcast %eq3A_94 : i32 to vector<16xi32>
      %eq3A_96 = arith.cmpi eq, %get3A_91, %eq3A_95 : vector<16xi32>
      %convert_element_type3A_97 = arith.extui %eq3A_96 : vector<16xi1> to vector<16xi32>
      %broadcast_in_dim3A_98 = arith.constant true
      %broadcast_in_dim3A_99 = vector.broadcast %broadcast_in_dim3A_98 : i1 to vector<16xi1>
      %masked_cumsum3A_100 = tpu.scan <sum>, %convert_element_type3A_97 masked %broadcast_in_dim3A_99 : vector<16xi32>, vector<16xi1> -> vector<16xi32>
      %broadcast_in_dim3A_101 = vector.broadcast %scan3A_81 : i32 to vector<16xi32>
      %add3A_102 = arith.addi %broadcast_in_dim3A_101, %masked_cumsum3A_100 : vector<16xi32>
      %sub3A_103 = arith.constant 1 : i32
      %sub3A_104 = vector.broadcast %sub3A_103 : i32 to vector<16xi32>
      %sub3A_105 = arith.subi %add3A_102, %sub3A_104 : vector<16xi32>
      %select_n3A = arith.select %eq3A_96, %sub3A_105, %broadcast_in_dim3A_93 : vector<16xi1>, vector<16xi32>
      %slice3A_106 = vector.extract_strided_slice %masked_cumsum3A_100 {offsets = [15], sizes = [1], strides = [1]} : vector<16xi32> to vector<1xi32>
      %squeeze3A_107 = vector.extract %slice3A_106[0] : i32 from vector<1xi32>
      %add3A_108 = arith.addi %scan3A_81, %squeeze3A_107 : i32
      %eq3A_109 = arith.constant 1 : i32
      %eq3A_110 = vector.broadcast %eq3A_109 : i32 to vector<16xi32>
      %eq3A_111 = arith.cmpi eq, %get3A_91, %eq3A_110 : vector<16xi32>
      %convert_element_type3A_112 = arith.extui %eq3A_111 : vector<16xi1> to vector<16xi32>
      %broadcast_in_dim3A_113 = arith.constant true
      %broadcast_in_dim3A_114 = vector.broadcast %broadcast_in_dim3A_113 : i1 to vector<16xi1>
      %masked_cumsum3A_115 = tpu.scan <sum>, %convert_element_type3A_112 masked %broadcast_in_dim3A_114 : vector<16xi32>, vector<16xi1> -> vector<16xi32>
      %broadcast_in_dim3A_116 = vector.broadcast %scan3A_82 : i32 to vector<16xi32>
      %add3A_117 = arith.addi %broadcast_in_dim3A_116, %masked_cumsum3A_115 : vector<16xi32>
      %sub3A_118 = arith.constant 1 : i32
      %sub3A_119 = vector.broadcast %sub3A_118 : i32 to vector<16xi32>
      %sub3A_120 = arith.subi %add3A_117, %sub3A_119 : vector<16xi32>
      %select_n3A_121 = arith.select %eq3A_111, %sub3A_120, %select_n3A : vector<16xi1>, vector<16xi32>
      %slice3A_122 = vector.extract_strided_slice %masked_cumsum3A_115 {offsets = [15], sizes = [1], strides = [1]} : vector<16xi32> to vector<1xi32>
      %squeeze3A_123 = vector.extract %slice3A_122[0] : i32 from vector<1xi32>
      %add3A_124 = arith.addi %scan3A_82, %squeeze3A_123 : i32
      %eq3A_125 = arith.constant 2 : i32
      %eq3A_126 = vector.broadcast %eq3A_125 : i32 to vector<16xi32>
      %eq3A_127 = arith.cmpi eq, %get3A_91, %eq3A_126 : vector<16xi32>
      %convert_element_type3A_128 = arith.extui %eq3A_127 : vector<16xi1> to vector<16xi32>
      %broadcast_in_dim3A_129 = arith.constant true
      %broadcast_in_dim3A_130 = vector.broadcast %broadcast_in_dim3A_129 : i1 to vector<16xi1>
      %masked_cumsum3A_131 = tpu.scan <sum>, %convert_element_type3A_128 masked %broadcast_in_dim3A_130 : vector<16xi32>, vector<16xi1> -> vector<16xi32>
      %broadcast_in_dim3A_132 = vector.broadcast %scan3A_83 : i32 to vector<16xi32>
      %add3A_133 = arith.addi %broadcast_in_dim3A_132, %masked_cumsum3A_131 : vector<16xi32>
      %sub3A_134 = arith.constant 1 : i32
      %sub3A_135 = vector.broadcast %sub3A_134 : i32 to vector<16xi32>
      %sub3A_136 = arith.subi %add3A_133, %sub3A_135 : vector<16xi32>
      %select_n3A_137 = arith.select %eq3A_127, %sub3A_136, %select_n3A_121 : vector<16xi1>, vector<16xi32>
      %slice3A_138 = vector.extract_strided_slice %masked_cumsum3A_131 {offsets = [15], sizes = [1], strides = [1]} : vector<16xi32> to vector<1xi32>
      %squeeze3A_139 = vector.extract %slice3A_138[0] : i32 from vector<1xi32>
      %add3A_140 = arith.addi %scan3A_83, %squeeze3A_139 : i32
      %eq3A_141 = arith.constant 3 : i32
      %eq3A_142 = vector.broadcast %eq3A_141 : i32 to vector<16xi32>
      %eq3A_143 = arith.cmpi eq, %get3A_91, %eq3A_142 : vector<16xi32>
      %convert_element_type3A_144 = arith.extui %eq3A_143 : vector<16xi1> to vector<16xi32>
      %broadcast_in_dim3A_145 = arith.constant true
      %broadcast_in_dim3A_146 = vector.broadcast %broadcast_in_dim3A_145 : i1 to vector<16xi1>
      %masked_cumsum3A_147 = tpu.scan <sum>, %convert_element_type3A_144 masked %broadcast_in_dim3A_146 : vector<16xi32>, vector<16xi1> -> vector<16xi32>
      %broadcast_in_dim3A_148 = vector.broadcast %scan3A_84 : i32 to vector<16xi32>
      %add3A_149 = arith.addi %broadcast_in_dim3A_148, %masked_cumsum3A_147 : vector<16xi32>
      %sub3A_150 = arith.constant 1 : i32
      %sub3A_151 = vector.broadcast %sub3A_150 : i32 to vector<16xi32>
      %sub3A_152 = arith.subi %add3A_149, %sub3A_151 : vector<16xi32>
      %select_n3A_153 = arith.select %eq3A_143, %sub3A_152, %select_n3A_137 : vector<16xi1>, vector<16xi32>
      %slice3A_154 = vector.extract_strided_slice %masked_cumsum3A_147 {offsets = [15], sizes = [1], strides = [1]} : vector<16xi32> to vector<1xi32>
      %squeeze3A_155 = vector.extract %slice3A_154[0] : i32 from vector<1xi32>
      %add3A_156 = arith.addi %scan3A_84, %squeeze3A_155 : i32
      %eq3A_157 = arith.constant 4 : i32
      %eq3A_158 = vector.broadcast %eq3A_157 : i32 to vector<16xi32>
      %eq3A_159 = arith.cmpi eq, %get3A_91, %eq3A_158 : vector<16xi32>
      %convert_element_type3A_160 = arith.extui %eq3A_159 : vector<16xi1> to vector<16xi32>
      %broadcast_in_dim3A_161 = arith.constant true
      %broadcast_in_dim3A_162 = vector.broadcast %broadcast_in_dim3A_161 : i1 to vector<16xi1>
      %masked_cumsum3A_163 = tpu.scan <sum>, %convert_element_type3A_160 masked %broadcast_in_dim3A_162 : vector<16xi32>, vector<16xi1> -> vector<16xi32>
      %broadcast_in_dim3A_164 = vector.broadcast %scan3A_85 : i32 to vector<16xi32>
      %add3A_165 = arith.addi %broadcast_in_dim3A_164, %masked_cumsum3A_163 : vector<16xi32>
      %sub3A_166 = arith.constant 1 : i32
      %sub3A_167 = vector.broadcast %sub3A_166 : i32 to vector<16xi32>
      %sub3A_168 = arith.subi %add3A_165, %sub3A_167 : vector<16xi32>
      %select_n3A_169 = arith.select %eq3A_159, %sub3A_168, %select_n3A_153 : vector<16xi1>, vector<16xi32>
      %slice3A_170 = vector.extract_strided_slice %masked_cumsum3A_163 {offsets = [15], sizes = [1], strides = [1]} : vector<16xi32> to vector<1xi32>
      %squeeze3A_171 = vector.extract %slice3A_170[0] : i32 from vector<1xi32>
      %add3A_172 = arith.addi %scan3A_85, %squeeze3A_171 : i32
      %eq3A_173 = arith.constant 5 : i32
      %eq3A_174 = vector.broadcast %eq3A_173 : i32 to vector<16xi32>
      %eq3A_175 = arith.cmpi eq, %get3A_91, %eq3A_174 : vector<16xi32>
      %convert_element_type3A_176 = arith.extui %eq3A_175 : vector<16xi1> to vector<16xi32>
      %broadcast_in_dim3A_177 = arith.constant true
      %broadcast_in_dim3A_178 = vector.broadcast %broadcast_in_dim3A_177 : i1 to vector<16xi1>
      %masked_cumsum3A_179 = tpu.scan <sum>, %convert_element_type3A_176 masked %broadcast_in_dim3A_178 : vector<16xi32>, vector<16xi1> -> vector<16xi32>
      %broadcast_in_dim3A_180 = vector.broadcast %scan3A_86 : i32 to vector<16xi32>
      %add3A_181 = arith.addi %broadcast_in_dim3A_180, %masked_cumsum3A_179 : vector<16xi32>
      %sub3A_182 = arith.constant 1 : i32
      %sub3A_183 = vector.broadcast %sub3A_182 : i32 to vector<16xi32>
      %sub3A_184 = arith.subi %add3A_181, %sub3A_183 : vector<16xi32>
      %select_n3A_185 = arith.select %eq3A_175, %sub3A_184, %select_n3A_169 : vector<16xi1>, vector<16xi32>
      %slice3A_186 = vector.extract_strided_slice %masked_cumsum3A_179 {offsets = [15], sizes = [1], strides = [1]} : vector<16xi32> to vector<1xi32>
      %squeeze3A_187 = vector.extract %slice3A_186[0] : i32 from vector<1xi32>
      %add3A_188 = arith.addi %scan3A_86, %squeeze3A_187 : i32
      %eq3A_189 = arith.constant 6 : i32
      %eq3A_190 = vector.broadcast %eq3A_189 : i32 to vector<16xi32>
      %eq3A_191 = arith.cmpi eq, %get3A_91, %eq3A_190 : vector<16xi32>
      %convert_element_type3A_192 = arith.extui %eq3A_191 : vector<16xi1> to vector<16xi32>
      %broadcast_in_dim3A_193 = arith.constant true
      %broadcast_in_dim3A_194 = vector.broadcast %broadcast_in_dim3A_193 : i1 to vector<16xi1>
      %masked_cumsum3A_195 = tpu.scan <sum>, %convert_element_type3A_192 masked %broadcast_in_dim3A_194 : vector<16xi32>, vector<16xi1> -> vector<16xi32>
      %broadcast_in_dim3A_196 = vector.broadcast %scan3A_87 : i32 to vector<16xi32>
      %add3A_197 = arith.addi %broadcast_in_dim3A_196, %masked_cumsum3A_195 : vector<16xi32>
      %sub3A_198 = arith.constant 1 : i32
      %sub3A_199 = vector.broadcast %sub3A_198 : i32 to vector<16xi32>
      %sub3A_200 = arith.subi %add3A_197, %sub3A_199 : vector<16xi32>
      %select_n3A_201 = arith.select %eq3A_191, %sub3A_200, %select_n3A_185 : vector<16xi1>, vector<16xi32>
      %slice3A_202 = vector.extract_strided_slice %masked_cumsum3A_195 {offsets = [15], sizes = [1], strides = [1]} : vector<16xi32> to vector<1xi32>
      %squeeze3A_203 = vector.extract %slice3A_202[0] : i32 from vector<1xi32>
      %add3A_204 = arith.addi %scan3A_87, %squeeze3A_203 : i32
      %eq3A_205 = arith.constant 7 : i32
      %eq3A_206 = vector.broadcast %eq3A_205 : i32 to vector<16xi32>
      %eq3A_207 = arith.cmpi eq, %get3A_91, %eq3A_206 : vector<16xi32>
      %convert_element_type3A_208 = arith.extui %eq3A_207 : vector<16xi1> to vector<16xi32>
      %broadcast_in_dim3A_209 = arith.constant true
      %broadcast_in_dim3A_210 = vector.broadcast %broadcast_in_dim3A_209 : i1 to vector<16xi1>
      %masked_cumsum3A_211 = tpu.scan <sum>, %convert_element_type3A_208 masked %broadcast_in_dim3A_210 : vector<16xi32>, vector<16xi1> -> vector<16xi32>
      %broadcast_in_dim3A_212 = vector.broadcast %scan3A_88 : i32 to vector<16xi32>
      %add3A_213 = arith.addi %broadcast_in_dim3A_212, %masked_cumsum3A_211 : vector<16xi32>
      %sub3A_214 = arith.constant 1 : i32
      %sub3A_215 = vector.broadcast %sub3A_214 : i32 to vector<16xi32>
      %sub3A_216 = arith.subi %add3A_213, %sub3A_215 : vector<16xi32>
      %select_n3A_217 = arith.select %eq3A_207, %sub3A_216, %select_n3A_201 : vector<16xi1>, vector<16xi32>
      %slice3A_218 = vector.extract_strided_slice %masked_cumsum3A_211 {offsets = [15], sizes = [1], strides = [1]} : vector<16xi32> to vector<1xi32>
      %squeeze3A_219 = vector.extract %slice3A_218[0] : i32 from vector<1xi32>
      %add3A_220 = arith.addi %scan3A_88, %squeeze3A_219 : i32
      %mul3A_221 = arith.constant 16 : i32
      %mul3A_222 = arith.muli %scan3A_80, %mul3A_221 : i32
      %broadcast_in_dim3A_223 = vector.broadcast %mul3A_222 : i32 to vector<16xi32>
      %add3A_224 = arith.addi %iota3A, %broadcast_in_dim3A_223 : vector<16xi32>
      %ge3A = arith.cmpi sge, %select_n3A_217, %broadcast_in_dim3A_54 : vector<16xi32>
      %lt3A = arith.cmpi slt, %select_n3A_217, %broadcast_in_dim3A_57 : vector<16xi32>
      %and3A_225 = arith.andi %ge3A, %lt3A : vector<16xi1>
      %sub3A_226 = arith.subi %select_n3A_217, %broadcast_in_dim3A_54 : vector<16xi32>
      tpu.vector_store_idx %arg8[%sub3A_226], %add3A_224 masked %and3A_225 : memref<128xi32, #tpu.memory_space<vmem>>[vector<16xi32>], vector<16xi32>, vector<16xi1>
      %scan3A_227 = arith.constant 1 : i32
      %scan3A_228 = arith.addi %scan3A_80, %scan3A_227 : i32
      %mul3A_229 = arith.constant 16 : i32
      %mul3A_230 = arith.muli %scan3A_228, %mul3A_229 : i32
      %get3A_231 = arith.index_cast %mul3A_230 : i32 to index
      %get3A_232 = tpu.vector_load %arg7[%get3A_231] {strides = array<i32>} : memref<2048xi32, #tpu.memory_space<vmem>>, vector<16xi32>,
      %broadcast_in_dim3A_233 = arith.constant 0 : i32
      %broadcast_in_dim3A_234 = vector.broadcast %broadcast_in_dim3A_233 : i32 to vector<16xi32>
      %eq3A_235 = arith.constant 0 : i32
      %eq3A_236 = vector.broadcast %eq3A_235 : i32 to vector<16xi32>
      %eq3A_237 = arith.cmpi eq, %get3A_232, %eq3A_236 : vector<16xi32>
      %convert_element_type3A_238 = arith.extui %eq3A_237 : vector<16xi1> to vector<16xi32>
      %broadcast_in_dim3A_239 = arith.constant true
      %broadcast_in_dim3A_240 = vector.broadcast %broadcast_in_dim3A_239 : i1 to vector<16xi1>
      %masked_cumsum3A_241 = tpu.scan <sum>, %convert_element_type3A_238 masked %broadcast_in_dim3A_240 : vector<16xi32>, vector<16xi1> -> vector<16xi32>
      %broadcast_in_dim3A_242 = vector.broadcast %add3A_108 : i32 to vector<16xi32>
      %add3A_243 = arith.addi %broadcast_in_dim3A_242, %masked_cumsum3A_241 : vector<16xi32>
      %sub3A_244 = arith.constant 1 : i32
      %sub3A_245 = vector.broadcast %sub3A_244 : i32 to vector<16xi32>
      %sub3A_246 = arith.subi %add3A_243, %sub3A_245 : vector<16xi32>
      %select_n3A_247 = arith.select %eq3A_237, %sub3A_246, %broadcast_in_dim3A_234 : vector<16xi1>, vector<16xi32>
      %slice3A_248 = vector.extract_strided_slice %masked_cumsum3A_241 {offsets = [15], sizes = [1], strides = [1]} : vector<16xi32> to vector<1xi32>
      %squeeze3A_249 = vector.extract %slice3A_248[0] : i32 from vector<1xi32>
      %add3A_250 = arith.addi %add3A_108, %squeeze3A_249 : i32
      %eq3A_251 = arith.constant 1 : i32
      %eq3A_252 = vector.broadcast %eq3A_251 : i32 to vector<16xi32>
      %eq3A_253 = arith.cmpi eq, %get3A_232, %eq3A_252 : vector<16xi32>
      %convert_element_type3A_254 = arith.extui %eq3A_253 : vector<16xi1> to vector<16xi32>
      %broadcast_in_dim3A_255 = arith.constant true
      %broadcast_in_dim3A_256 = vector.broadcast %broadcast_in_dim3A_255 : i1 to vector<16xi1>
      %masked_cumsum3A_257 = tpu.scan <sum>, %convert_element_type3A_254 masked %broadcast_in_dim3A_256 : vector<16xi32>, vector<16xi1> -> vector<16xi32>
      %broadcast_in_dim3A_258 = vector.broadcast %add3A_124 : i32 to vector<16xi32>
      %add3A_259 = arith.addi %broadcast_in_dim3A_258, %masked_cumsum3A_257 : vector<16xi32>
      %sub3A_260 = arith.constant 1 : i32
      %sub3A_261 = vector.broadcast %sub3A_260 : i32 to vector<16xi32>
      %sub3A_262 = arith.subi %add3A_259, %sub3A_261 : vector<16xi32>
      %select_n3A_263 = arith.select %eq3A_253, %sub3A_262, %select_n3A_247 : vector<16xi1>, vector<16xi32>
      %slice3A_264 = vector.extract_strided_slice %masked_cumsum3A_257 {offsets = [15], sizes = [1], strides = [1]} : vector<16xi32> to vector<1xi32>
      %squeeze3A_265 = vector.extract %slice3A_264[0] : i32 from vector<1xi32>
      %add3A_266 = arith.addi %add3A_124, %squeeze3A_265 : i32
      %eq3A_267 = arith.constant 2 : i32
      %eq3A_268 = vector.broadcast %eq3A_267 : i32 to vector<16xi32>
      %eq3A_269 = arith.cmpi eq, %get3A_232, %eq3A_268 : vector<16xi32>
      %convert_element_type3A_270 = arith.extui %eq3A_269 : vector<16xi1> to vector<16xi32>
      %broadcast_in_dim3A_271 = arith.constant true
      %broadcast_in_dim3A_272 = vector.broadcast %broadcast_in_dim3A_271 : i1 to vector<16xi1>
      %masked_cumsum3A_273 = tpu.scan <sum>, %convert_element_type3A_270 masked %broadcast_in_dim3A_272 : vector<16xi32>, vector<16xi1> -> vector<16xi32>
      %broadcast_in_dim3A_274 = vector.broadcast %add3A_140 : i32 to vector<16xi32>
      %add3A_275 = arith.addi %broadcast_in_dim3A_274, %masked_cumsum3A_273 : vector<16xi32>
      %sub3A_276 = arith.constant 1 : i32
      %sub3A_277 = vector.broadcast %sub3A_276 : i32 to vector<16xi32>
      %sub3A_278 = arith.subi %add3A_275, %sub3A_277 : vector<16xi32>
      %select_n3A_279 = arith.select %eq3A_269, %sub3A_278, %select_n3A_263 : vector<16xi1>, vector<16xi32>
      %slice3A_280 = vector.extract_strided_slice %masked_cumsum3A_273 {offsets = [15], sizes = [1], strides = [1]} : vector<16xi32> to vector<1xi32>
      %squeeze3A_281 = vector.extract %slice3A_280[0] : i32 from vector<1xi32>
      %add3A_282 = arith.addi %add3A_140, %squeeze3A_281 : i32
      %eq3A_283 = arith.constant 3 : i32
      %eq3A_284 = vector.broadcast %eq3A_283 : i32 to vector<16xi32>
      %eq3A_285 = arith.cmpi eq, %get3A_232, %eq3A_284 : vector<16xi32>
      %convert_element_type3A_286 = arith.extui %eq3A_285 : vector<16xi1> to vector<16xi32>
      %broadcast_in_dim3A_287 = arith.constant true
      %broadcast_in_dim3A_288 = vector.broadcast %broadcast_in_dim3A_287 : i1 to vector<16xi1>
      %masked_cumsum3A_289 = tpu.scan <sum>, %convert_element_type3A_286 masked %broadcast_in_dim3A_288 : vector<16xi32>, vector<16xi1> -> vector<16xi32>
      %broadcast_in_dim3A_290 = vector.broadcast %add3A_156 : i32 to vector<16xi32>
      %add3A_291 = arith.addi %broadcast_in_dim3A_290, %masked_cumsum3A_289 : vector<16xi32>
      %sub3A_292 = arith.constant 1 : i32
      %sub3A_293 = vector.broadcast %sub3A_292 : i32 to vector<16xi32>
      %sub3A_294 = arith.subi %add3A_291, %sub3A_293 : vector<16xi32>
      %select_n3A_295 = arith.select %eq3A_285, %sub3A_294, %select_n3A_279 : vector<16xi1>, vector<16xi32>
      %slice3A_296 = vector.extract_strided_slice %masked_cumsum3A_289 {offsets = [15], sizes = [1], strides = [1]} : vector<16xi32> to vector<1xi32>
      %squeeze3A_297 = vector.extract %slice3A_296[0] : i32 from vector<1xi32>
      %add3A_298 = arith.addi %add3A_156, %squeeze3A_297 : i32
      %eq3A_299 = arith.constant 4 : i32
      %eq3A_300 = vector.broadcast %eq3A_299 : i32 to vector<16xi32>
      %eq3A_301 = arith.cmpi eq, %get3A_232, %eq3A_300 : vector<16xi32>
      %convert_element_type3A_302 = arith.extui %eq3A_301 : vector<16xi1> to vector<16xi32>
      %broadcast_in_dim3A_303 = arith.constant true
      %broadcast_in_dim3A_304 = vector.broadcast %broadcast_in_dim3A_303 : i1 to vector<16xi1>
      %masked_cumsum3A_305 = tpu.scan <sum>, %convert_element_type3A_302 masked %broadcast_in_dim3A_304 : vector<16xi32>, vector<16xi1> -> vector<16xi32>
      %broadcast_in_dim3A_306 = vector.broadcast %add3A_172 : i32 to vector<16xi32>
      %add3A_307 = arith.addi %broadcast_in_dim3A_306, %masked_cumsum3A_305 : vector<16xi32>
      %sub3A_308 = arith.constant 1 : i32
      %sub3A_309 = vector.broadcast %sub3A_308 : i32 to vector<16xi32>
      %sub3A_310 = arith.subi %add3A_307, %sub3A_309 : vector<16xi32>
      %select_n3A_311 = arith.select %eq3A_301, %sub3A_310, %select_n3A_295 : vector<16xi1>, vector<16xi32>
      %slice3A_312 = vector.extract_strided_slice %masked_cumsum3A_305 {offsets = [15], sizes = [1], strides = [1]} : vector<16xi32> to vector<1xi32>
      %squeeze3A_313 = vector.extract %slice3A_312[0] : i32 from vector<1xi32>
      %add3A_314 = arith.addi %add3A_172, %squeeze3A_313 : i32
      %eq3A_315 = arith.constant 5 : i32
      %eq3A_316 = vector.broadcast %eq3A_315 : i32 to vector<16xi32>
      %eq3A_317 = arith.cmpi eq, %get3A_232, %eq3A_316 : vector<16xi32>
      %convert_element_type3A_318 = arith.extui %eq3A_317 : vector<16xi1> to vector<16xi32>
      %broadcast_in_dim3A_319 = arith.constant true
      %broadcast_in_dim3A_320 = vector.broadcast %broadcast_in_dim3A_319 : i1 to vector<16xi1>
      %masked_cumsum3A_321 = tpu.scan <sum>, %convert_element_type3A_318 masked %broadcast_in_dim3A_320 : vector<16xi32>, vector<16xi1> -> vector<16xi32>
      %broadcast_in_dim3A_322 = vector.broadcast %add3A_188 : i32 to vector<16xi32>
      %add3A_323 = arith.addi %broadcast_in_dim3A_322, %masked_cumsum3A_321 : vector<16xi32>
      %sub3A_324 = arith.constant 1 : i32
      %sub3A_325 = vector.broadcast %sub3A_324 : i32 to vector<16xi32>
      %sub3A_326 = arith.subi %add3A_323, %sub3A_325 : vector<16xi32>
      %select_n3A_327 = arith.select %eq3A_317, %sub3A_326, %select_n3A_311 : vector<16xi1>, vector<16xi32>
      %slice3A_328 = vector.extract_strided_slice %masked_cumsum3A_321 {offsets = [15], sizes = [1], strides = [1]} : vector<16xi32> to vector<1xi32>
      %squeeze3A_329 = vector.extract %slice3A_328[0] : i32 from vector<1xi32>
      %add3A_330 = arith.addi %add3A_188, %squeeze3A_329 : i32
      %eq3A_331 = arith.constant 6 : i32
      %eq3A_332 = vector.broadcast %eq3A_331 : i32 to vector<16xi32>
      %eq3A_333 = arith.cmpi eq, %get3A_232, %eq3A_332 : vector<16xi32>
      %convert_element_type3A_334 = arith.extui %eq3A_333 : vector<16xi1> to vector<16xi32>
      %broadcast_in_dim3A_335 = arith.constant true
      %broadcast_in_dim3A_336 = vector.broadcast %broadcast_in_dim3A_335 : i1 to vector<16xi1>
      %masked_cumsum3A_337 = tpu.scan <sum>, %convert_element_type3A_334 masked %broadcast_in_dim3A_336 : vector<16xi32>, vector<16xi1> -> vector<16xi32>
      %broadcast_in_dim3A_338 = vector.broadcast %add3A_204 : i32 to vector<16xi32>
      %add3A_339 = arith.addi %broadcast_in_dim3A_338, %masked_cumsum3A_337 : vector<16xi32>
      %sub3A_340 = arith.constant 1 : i32
      %sub3A_341 = vector.broadcast %sub3A_340 : i32 to vector<16xi32>
      %sub3A_342 = arith.subi %add3A_339, %sub3A_341 : vector<16xi32>
      %select_n3A_343 = arith.select %eq3A_333, %sub3A_342, %select_n3A_327 : vector<16xi1>, vector<16xi32>
      %slice3A_344 = vector.extract_strided_slice %masked_cumsum3A_337 {offsets = [15], sizes = [1], strides = [1]} : vector<16xi32> to vector<1xi32>
      %squeeze3A_345 = vector.extract %slice3A_344[0] : i32 from vector<1xi32>
      %add3A_346 = arith.addi %add3A_204, %squeeze3A_345 : i32
      %eq3A_347 = arith.constant 7 : i32
      %eq3A_348 = vector.broadcast %eq3A_347 : i32 to vector<16xi32>
      %eq3A_349 = arith.cmpi eq, %get3A_232, %eq3A_348 : vector<16xi32>
      %convert_element_type3A_350 = arith.extui %eq3A_349 : vector<16xi1> to vector<16xi32>
      %broadcast_in_dim3A_351 = arith.constant true
      %broadcast_in_dim3A_352 = vector.broadcast %broadcast_in_dim3A_351 : i1 to vector<16xi1>
      %masked_cumsum3A_353 = tpu.scan <sum>, %convert_element_type3A_350 masked %broadcast_in_dim3A_352 : vector<16xi32>, vector<16xi1> -> vector<16xi32>
      %broadcast_in_dim3A_354 = vector.broadcast %add3A_220 : i32 to vector<16xi32>
      %add3A_355 = arith.addi %broadcast_in_dim3A_354, %masked_cumsum3A_353 : vector<16xi32>
      %sub3A_356 = arith.constant 1 : i32
      %sub3A_357 = vector.broadcast %sub3A_356 : i32 to vector<16xi32>
      %sub3A_358 = arith.subi %add3A_355, %sub3A_357 : vector<16xi32>
      %select_n3A_359 = arith.select %eq3A_349, %sub3A_358, %select_n3A_343 : vector<16xi1>, vector<16xi32>
      %slice3A_360 = vector.extract_strided_slice %masked_cumsum3A_353 {offsets = [15], sizes = [1], strides = [1]} : vector<16xi32> to vector<1xi32>
      %squeeze3A_361 = vector.extract %slice3A_360[0] : i32 from vector<1xi32>
      %add3A_362 = arith.addi %add3A_220, %squeeze3A_361 : i32
      %mul3A_363 = arith.constant 16 : i32
      %mul3A_364 = arith.muli %scan3A_228, %mul3A_363 : i32
      %broadcast_in_dim3A_365 = vector.broadcast %mul3A_364 : i32 to vector<16xi32>
      %add3A_366 = arith.addi %iota3A, %broadcast_in_dim3A_365 : vector<16xi32>
      %ge3A_367 = arith.cmpi sge, %select_n3A_359, %broadcast_in_dim3A_54 : vector<16xi32>
      %lt3A_368 = arith.cmpi slt, %select_n3A_359, %broadcast_in_dim3A_57 : vector<16xi32>
      %and3A_369 = arith.andi %ge3A_367, %lt3A_368 : vector<16xi1>
      %sub3A_370 = arith.subi %select_n3A_359, %broadcast_in_dim3A_54 : vector<16xi32>
      tpu.vector_store_idx %arg8[%sub3A_370], %add3A_366 masked %and3A_369 : memref<128xi32, #tpu.memory_space<vmem>>[vector<16xi32>], vector<16xi32>, vector<16xi1>
      scf.yield %add3A_250, %add3A_266, %add3A_282, %add3A_298, %add3A_314, %add3A_330, %add3A_346, %add3A_362 : i32, i32, i32, i32, i32, i32, i32, i32
    }
    %scan3A_77 = arith.constant 128 : i32
    "tpu.region"() ({
      %run_scoped3A = tpu.sem_alloc : memref<!tpu.dma_semaphore, #tpu.memory_space<semaphore_mem>>
      %dma_start3A = tpu.memref_slice %arg3[%mul3A_2] : memref<4096xi32, #tpu.memory_space<hbm>> -> memref<128xi32, #tpu.memory_space<hbm>>
      %dma_start3A_80 = tpu.memref_slice %arg3[%mul3A_2] : memref<4096xi32, #tpu.memory_space<hbm>> -> memref<128xi32, #tpu.memory_space<hbm>>
      tpu.enqueue_dma source(%arg8 : memref<128xi32, #tpu.memory_space<vmem>>) target(%dma_start3A_80 : memref<128xi32, #tpu.memory_space<hbm>>) target_semaphore(%run_scoped3A : memref<!tpu.dma_semaphore, #tpu.memory_space<semaphore_mem>>)
      %dma_wait3A = tpu.memref_slice %arg3[%mul3A_2] : memref<4096xi32, #tpu.memory_space<hbm>> -> memref<128xi32, #tpu.memory_space<hbm>>
      %dma_wait3A_81 = tpu.memref_slice %arg3[%mul3A_2] : memref<4096xi32, #tpu.memory_space<hbm>> -> memref<128xi32, #tpu.memory_space<hbm>>
      tpu.wait_dma2 semaphore(%run_scoped3A : memref<!tpu.dma_semaphore, #tpu.memory_space<semaphore_mem>>) src(%arg8 : memref<128xi32, #tpu.memory_space<vmem>>) dst(%dma_wait3A_81 : memref<128xi32, #tpu.memory_space<hbm>>)
      tpu.yield
    }) : () -> ()
    %eq3A = arith.constant 0 : i32
    %eq3A_78 = arith.cmpi eq, %add3A, %eq3A : i32
    %convert_element_type3A = arith.extui %eq3A_78 : i1 to i32
    %cond3A = arith.constant 0 : i32
    %cond3A_79 = arith.cmpi ne, %convert_element_type3A, %cond3A : i32
    scf.if %cond3A_79 {
      %broadcast_in_dim3A_80 = vector.broadcast %reduce_max3A_22 : i32 to vector<16xi32>
      %iota3A_81 = tpu.iota {dimensions = array<i32: 0>} : vector<16xi32>
      %mul3A_82 = arith.constant 256 : i32
      %mul3A_83 = vector.broadcast %mul3A_82 : i32 to vector<16xi32>
      %mul3A_84 = arith.muli %iota3A_81, %mul3A_83 : vector<16xi32>
      %lt3A = arith.cmpi slt, %mul3A_84, %broadcast_in_dim3A_80 : vector<16xi32>
      %convert_element_type3A_85 = arith.extui %lt3A : vector<16xi1> to vector<16xi32>
      %sub3A_86 = arith.constant 256 : i32
      %sub3A_87 = vector.broadcast %sub3A_86 : i32 to vector<16xi32>
      %sub3A_88 = arith.subi %broadcast_in_dim3A_80, %sub3A_87 : vector<16xi32>
      %min3A = arith.minsi %mul3A_84, %sub3A_88 : vector<16xi32>
      %broadcast_in_dim3A_89 = arith.constant -1 : i32
      %broadcast_in_dim3A_90 = vector.broadcast %broadcast_in_dim3A_89 : i32 to vector<16xi32>
      %slice3A_91 = vector.extract_strided_slice %sub3A {offsets = [0], sizes = [1], strides = [1]} : vector<16xi32> to vector<1xi32>
      %squeeze3A_92 = vector.extract %slice3A_91[0] : i32 from vector<1xi32>
      %broadcast_in_dim3A_93 = vector.broadcast %squeeze3A_92 : i32 to vector<16xi32>
      %ge3A = arith.cmpi sge, %min3A, %broadcast_in_dim3A_93 : vector<16xi32>
      %convert_element_type3A_94 = arith.extui %ge3A : vector<16xi1> to vector<16xi32>
      %add3A_95 = arith.addi %broadcast_in_dim3A_90, %convert_element_type3A_94 : vector<16xi32>
      %slice3A_96 = vector.extract_strided_slice %sub3A {offsets = [1], sizes = [1], strides = [1]} : vector<16xi32> to vector<1xi32>
      %squeeze3A_97 = vector.extract %slice3A_96[0] : i32 from vector<1xi32>
      %broadcast_in_dim3A_98 = vector.broadcast %squeeze3A_97 : i32 to vector<16xi32>
      %ge3A_99 = arith.cmpi sge, %min3A, %broadcast_in_dim3A_98 : vector<16xi32>
      %convert_element_type3A_100 = arith.extui %ge3A_99 : vector<16xi1> to vector<16xi32>
      %add3A_101 = arith.addi %add3A_95, %convert_element_type3A_100 : vector<16xi32>
      %slice3A_102 = vector.extract_strided_slice %sub3A {offsets = [2], sizes = [1], strides = [1]} : vector<16xi32> to vector<1xi32>
      %squeeze3A_103 = vector.extract %slice3A_102[0] : i32 from vector<1xi32>
      %broadcast_in_dim3A_104 = vector.broadcast %squeeze3A_103 : i32 to vector<16xi32>
      %ge3A_105 = arith.cmpi sge, %min3A, %broadcast_in_dim3A_104 : vector<16xi32>
      %convert_element_type3A_106 = arith.extui %ge3A_105 : vector<16xi1> to vector<16xi32>
      %add3A_107 = arith.addi %add3A_101, %convert_element_type3A_106 : vector<16xi32>
      %slice3A_108 = vector.extract_strided_slice %sub3A {offsets = [3], sizes = [1], strides = [1]} : vector<16xi32> to vector<1xi32>
      %squeeze3A_109 = vector.extract %slice3A_108[0] : i32 from vector<1xi32>
      %broadcast_in_dim3A_110 = vector.broadcast %squeeze3A_109 : i32 to vector<16xi32>
      %ge3A_111 = arith.cmpi sge, %min3A, %broadcast_in_dim3A_110 : vector<16xi32>
      %convert_element_type3A_112 = arith.extui %ge3A_111 : vector<16xi1> to vector<16xi32>
      %add3A_113 = arith.addi %add3A_107, %convert_element_type3A_112 : vector<16xi32>
      %slice3A_114 = vector.extract_strided_slice %sub3A {offsets = [4], sizes = [1], strides = [1]} : vector<16xi32> to vector<1xi32>
      %squeeze3A_115 = vector.extract %slice3A_114[0] : i32 from vector<1xi32>
      %broadcast_in_dim3A_116 = vector.broadcast %squeeze3A_115 : i32 to vector<16xi32>
      %ge3A_117 = arith.cmpi sge, %min3A, %broadcast_in_dim3A_116 : vector<16xi32>
      %convert_element_type3A_118 = arith.extui %ge3A_117 : vector<16xi1> to vector<16xi32>
      %add3A_119 = arith.addi %add3A_113, %convert_element_type3A_118 : vector<16xi32>
      %slice3A_120 = vector.extract_strided_slice %sub3A {offsets = [5], sizes = [1], strides = [1]} : vector<16xi32> to vector<1xi32>
      %squeeze3A_121 = vector.extract %slice3A_120[0] : i32 from vector<1xi32>
      %broadcast_in_dim3A_122 = vector.broadcast %squeeze3A_121 : i32 to vector<16xi32>
      %ge3A_123 = arith.cmpi sge, %min3A, %broadcast_in_dim3A_122 : vector<16xi32>
      %convert_element_type3A_124 = arith.extui %ge3A_123 : vector<16xi1> to vector<16xi32>
      %add3A_125 = arith.addi %add3A_119, %convert_element_type3A_124 : vector<16xi32>
      %slice3A_126 = vector.extract_strided_slice %sub3A {offsets = [6], sizes = [1], strides = [1]} : vector<16xi32> to vector<1xi32>
      %squeeze3A_127 = vector.extract %slice3A_126[0] : i32 from vector<1xi32>
      %broadcast_in_dim3A_128 = vector.broadcast %squeeze3A_127 : i32 to vector<16xi32>
      %ge3A_129 = arith.cmpi sge, %min3A, %broadcast_in_dim3A_128 : vector<16xi32>
      %convert_element_type3A_130 = arith.extui %ge3A_129 : vector<16xi1> to vector<16xi32>
      %add3A_131 = arith.addi %add3A_125, %convert_element_type3A_130 : vector<16xi32>
      %slice3A_132 = vector.extract_strided_slice %sub3A {offsets = [7], sizes = [1], strides = [1]} : vector<16xi32> to vector<1xi32>
      %squeeze3A_133 = vector.extract %slice3A_132[0] : i32 from vector<1xi32>
      %broadcast_in_dim3A_134 = vector.broadcast %squeeze3A_133 : i32 to vector<16xi32>
      %ge3A_135 = arith.cmpi sge, %min3A, %broadcast_in_dim3A_134 : vector<16xi32>
      %convert_element_type3A_136 = arith.extui %ge3A_135 : vector<16xi1> to vector<16xi32>
      %add3A_137 = arith.addi %add3A_131, %convert_element_type3A_136 : vector<16xi32>
      %swap3A_138 = arith.constant 0 : index
      %swap3A_139 = tpu.vector_load %arg9[%swap3A_138] {strides = array<i32>} : memref<16xi32, #tpu.memory_space<vmem>>, vector<16xi32>,
      tpu.vector_store %arg9[%swap3A_138], %add3A_137 {strides = array<i32>} : memref<16xi32, #tpu.memory_space<vmem>>, vector<16xi32>,
      "tpu.region"() ({
        %run_scoped3A = tpu.sem_alloc : memref<!tpu.dma_semaphore, #tpu.memory_space<semaphore_mem>>
        tpu.enqueue_dma source(%arg9 : memref<16xi32, #tpu.memory_space<vmem>>) target(%arg4 : memref<16xi32, #tpu.memory_space<hbm>>) target_semaphore(%run_scoped3A : memref<!tpu.dma_semaphore, #tpu.memory_space<semaphore_mem>>)
        tpu.wait_dma2 semaphore(%run_scoped3A : memref<!tpu.dma_semaphore, #tpu.memory_space<semaphore_mem>>) src(%arg9 : memref<16xi32, #tpu.memory_space<vmem>>) dst(%arg4 : memref<16xi32, #tpu.memory_space<hbm>>)
        tpu.yield
      }) : () -> ()
      %swap3A_140 = arith.constant 0 : index
      %swap3A_141 = tpu.vector_load %arg9[%swap3A_140] {strides = array<i32>} : memref<16xi32, #tpu.memory_space<vmem>>, vector<16xi32>,
      tpu.vector_store %arg9[%swap3A_140], %convert_element_type3A_85 {strides = array<i32>} : memref<16xi32, #tpu.memory_space<vmem>>, vector<16xi32>,
      "tpu.region"() ({
        %run_scoped3A = tpu.sem_alloc : memref<!tpu.dma_semaphore, #tpu.memory_space<semaphore_mem>>
        tpu.enqueue_dma source(%arg9 : memref<16xi32, #tpu.memory_space<vmem>>) target(%arg5 : memref<16xi32, #tpu.memory_space<hbm>>) target_semaphore(%run_scoped3A : memref<!tpu.dma_semaphore, #tpu.memory_space<semaphore_mem>>)
        tpu.wait_dma2 semaphore(%run_scoped3A : memref<!tpu.dma_semaphore, #tpu.memory_space<semaphore_mem>>) src(%arg9 : memref<16xi32, #tpu.memory_space<vmem>>) dst(%arg5 : memref<16xi32, #tpu.memory_space<hbm>>)
        tpu.yield
      }) : () -> ()
      %swap3A_142 = arith.constant 0 : index
      %swap3A_143 = tpu.vector_load %arg9[%swap3A_142] {strides = array<i32>} : memref<16xi32, #tpu.memory_space<vmem>>, vector<16xi32>,
      tpu.vector_store %arg9[%swap3A_142], %broadcast_in_dim3A_80 {strides = array<i32>} : memref<16xi32, #tpu.memory_space<vmem>>, vector<16xi32>,
      "tpu.region"() ({
        %run_scoped3A = tpu.sem_alloc : memref<!tpu.dma_semaphore, #tpu.memory_space<semaphore_mem>>
        tpu.enqueue_dma source(%arg9 : memref<16xi32, #tpu.memory_space<vmem>>) target(%arg6 : memref<16xi32, #tpu.memory_space<hbm>>) target_semaphore(%run_scoped3A : memref<!tpu.dma_semaphore, #tpu.memory_space<semaphore_mem>>)
        tpu.wait_dma2 semaphore(%run_scoped3A : memref<!tpu.dma_semaphore, #tpu.memory_space<semaphore_mem>>) src(%arg9 : memref<16xi32, #tpu.memory_space<vmem>>) dst(%arg6 : memref<16xi32, #tpu.memory_space<hbm>>)
        tpu.yield
      }) : () -> ()
    } else {
    }
    return
  }
}

#map = affine_map<(d0, d1) -> (0, 0)>
#map1 = affine_map<(d0, d1) -> (0)>
module attributes {stable_mosaic.version = 14 : i64} {
  func.func @_scatter_body(%arg0: i32, %arg1: i32, %arg2: memref<4096x1024xf32, #tpu.memory_space<hbm>>, %arg3: memref<4096xi32, #tpu.memory_space<hbm>>, %arg4: memref<16xi32, #tpu.memory_space<hbm>>, %arg5: memref<2056x1024xf32, #tpu.memory_space<hbm>>, %arg6: memref<32xi32, #tpu.memory_space<vmem>>, %arg7: memref<32xi32, #tpu.memory_space<vmem>>, %arg8: memref<32xi32, #tpu.memory_space<vmem>>, %arg9: memref<32xi32, #tpu.memory_space<vmem>>, %arg10: memref<16xi32, #tpu.memory_space<vmem>>, %arg11: memref<32x1024xf32, #tpu.memory_space<vmem>>, %arg12: memref<32x1024xf32, #tpu.memory_space<vmem>>, %arg13: memref<32x1024xf32, #tpu.memory_space<vmem>>, %arg14: memref<!tpu.dma_semaphore, #tpu.memory_space<semaphore_mem>>, %arg15: memref<!tpu.dma_semaphore, #tpu.memory_space<semaphore_mem>>) attributes {dimension_semantics = [#tpu.dimension_semantics<core_parallel>, #tpu.dimension_semantics<subcore_parallel>], iteration_bounds = array<i64: 2, 16>, scalar_prefetch = 0 : i64, scratch_operands = 10 : i64, tpu.core_type = #tpu.core_type<sc_vector_subcore>, window_params = [{transform_indices = #map}, {transform_indices = #map1}, {transform_indices = #map1}, {transform_indices = #map}]} {
    %mul3A = arith.constant 2 : i32
    %mul3A_0 = arith.muli %arg1, %mul3A : i32
    %add3A = arith.addi %mul3A_0, %arg0 : i32
    %mul3A_1 = arith.constant 128 : i32
    %mul3A_2 = arith.muli %add3A, %mul3A_1 : i32
    "tpu.region"() ({
      %run_scoped3A = tpu.sem_alloc : memref<!tpu.dma_semaphore, #tpu.memory_space<semaphore_mem>>
      tpu.enqueue_dma source(%arg4 : memref<16xi32, #tpu.memory_space<hbm>>) target(%arg10 : memref<16xi32, #tpu.memory_space<vmem>>) target_semaphore(%run_scoped3A : memref<!tpu.dma_semaphore, #tpu.memory_space<semaphore_mem>>)
      tpu.wait_dma2 semaphore(%run_scoped3A : memref<!tpu.dma_semaphore, #tpu.memory_space<semaphore_mem>>) src(%arg4 : memref<16xi32, #tpu.memory_space<hbm>>) dst(%arg10 : memref<16xi32, #tpu.memory_space<vmem>>)
      tpu.yield
    }) : () -> ()
    %get3A = arith.constant 0 : index
    %get3A_3 = tpu.vector_load %arg10[%get3A] {strides = array<i32>} : memref<16xi32, #tpu.memory_space<vmem>>, vector<16xi32>,
    %slice3A = vector.extract_strided_slice %get3A_3 {offsets = [0], sizes = [1], strides = [1]} : vector<16xi32> to vector<1xi32>
    %squeeze3A = vector.extract %slice3A[0] : i32 from vector<1xi32>
    %lt3A = arith.cmpi slt, %mul3A_2, %squeeze3A : i32
    %convert_element_type3A = arith.extui %lt3A : i1 to i32
    %cond3A = arith.constant 0 : i32
    %cond3A_4 = arith.cmpi ne, %convert_element_type3A, %cond3A : i32
    scf.if %cond3A_4 {
      %add3A_5 = arith.constant 0 : i32
      %add3A_6 = arith.addi %mul3A_2, %add3A_5 : i32
      "tpu.region"() ({
        %run_scoped3A = tpu.sem_alloc : memref<!tpu.dma_semaphore, #tpu.memory_space<semaphore_mem>>
        %dma_start3A_75 = tpu.memref_slice %arg3[%add3A_6] : memref<4096xi32, #tpu.memory_space<hbm>> -> memref<32xi32, #tpu.memory_space<hbm>>
        %dma_start3A_76 = tpu.memref_slice %arg3[%add3A_6] : memref<4096xi32, #tpu.memory_space<hbm>> -> memref<32xi32, #tpu.memory_space<hbm>>
        tpu.enqueue_dma source(%dma_start3A_76 : memref<32xi32, #tpu.memory_space<hbm>>) target(%arg6 : memref<32xi32, #tpu.memory_space<vmem>>) target_semaphore(%run_scoped3A : memref<!tpu.dma_semaphore, #tpu.memory_space<semaphore_mem>>)
        %dma_wait3A_77 = tpu.memref_slice %arg3[%add3A_6] : memref<4096xi32, #tpu.memory_space<hbm>> -> memref<32xi32, #tpu.memory_space<hbm>>
        %dma_wait3A_78 = tpu.memref_slice %arg3[%add3A_6] : memref<4096xi32, #tpu.memory_space<hbm>> -> memref<32xi32, #tpu.memory_space<hbm>>
        tpu.wait_dma2 semaphore(%run_scoped3A : memref<!tpu.dma_semaphore, #tpu.memory_space<semaphore_mem>>) src(%dma_wait3A_78 : memref<32xi32, #tpu.memory_space<hbm>>) dst(%arg6 : memref<32xi32, #tpu.memory_space<vmem>>)
        tpu.yield
      }) : () -> ()
      %add3A_7 = arith.constant 32 : i32
      %add3A_8 = arith.addi %mul3A_2, %add3A_7 : i32
      "tpu.region"() ({
        %run_scoped3A = tpu.sem_alloc : memref<!tpu.dma_semaphore, #tpu.memory_space<semaphore_mem>>
        %dma_start3A_75 = tpu.memref_slice %arg3[%add3A_8] : memref<4096xi32, #tpu.memory_space<hbm>> -> memref<32xi32, #tpu.memory_space<hbm>>
        %dma_start3A_76 = tpu.memref_slice %arg3[%add3A_8] : memref<4096xi32, #tpu.memory_space<hbm>> -> memref<32xi32, #tpu.memory_space<hbm>>
        tpu.enqueue_dma source(%dma_start3A_76 : memref<32xi32, #tpu.memory_space<hbm>>) target(%arg7 : memref<32xi32, #tpu.memory_space<vmem>>) target_semaphore(%run_scoped3A : memref<!tpu.dma_semaphore, #tpu.memory_space<semaphore_mem>>)
        %dma_wait3A_77 = tpu.memref_slice %arg3[%add3A_8] : memref<4096xi32, #tpu.memory_space<hbm>> -> memref<32xi32, #tpu.memory_space<hbm>>
        %dma_wait3A_78 = tpu.memref_slice %arg3[%add3A_8] : memref<4096xi32, #tpu.memory_space<hbm>> -> memref<32xi32, #tpu.memory_space<hbm>>
        tpu.wait_dma2 semaphore(%run_scoped3A : memref<!tpu.dma_semaphore, #tpu.memory_space<semaphore_mem>>) src(%dma_wait3A_78 : memref<32xi32, #tpu.memory_space<hbm>>) dst(%arg7 : memref<32xi32, #tpu.memory_space<vmem>>)
        tpu.yield
      }) : () -> ()
      %add3A_9 = arith.constant 64 : i32
      %add3A_10 = arith.addi %mul3A_2, %add3A_9 : i32
      "tpu.region"() ({
        %run_scoped3A = tpu.sem_alloc : memref<!tpu.dma_semaphore, #tpu.memory_space<semaphore_mem>>
        %dma_start3A_75 = tpu.memref_slice %arg3[%add3A_10] : memref<4096xi32, #tpu.memory_space<hbm>> -> memref<32xi32, #tpu.memory_space<hbm>>
        %dma_start3A_76 = tpu.memref_slice %arg3[%add3A_10] : memref<4096xi32, #tpu.memory_space<hbm>> -> memref<32xi32, #tpu.memory_space<hbm>>
        tpu.enqueue_dma source(%dma_start3A_76 : memref<32xi32, #tpu.memory_space<hbm>>) target(%arg8 : memref<32xi32, #tpu.memory_space<vmem>>) target_semaphore(%run_scoped3A : memref<!tpu.dma_semaphore, #tpu.memory_space<semaphore_mem>>)
        %dma_wait3A_77 = tpu.memref_slice %arg3[%add3A_10] : memref<4096xi32, #tpu.memory_space<hbm>> -> memref<32xi32, #tpu.memory_space<hbm>>
        %dma_wait3A_78 = tpu.memref_slice %arg3[%add3A_10] : memref<4096xi32, #tpu.memory_space<hbm>> -> memref<32xi32, #tpu.memory_space<hbm>>
        tpu.wait_dma2 semaphore(%run_scoped3A : memref<!tpu.dma_semaphore, #tpu.memory_space<semaphore_mem>>) src(%dma_wait3A_78 : memref<32xi32, #tpu.memory_space<hbm>>) dst(%arg8 : memref<32xi32, #tpu.memory_space<vmem>>)
        tpu.yield
      }) : () -> ()
      %add3A_11 = arith.constant 96 : i32
      %add3A_12 = arith.addi %mul3A_2, %add3A_11 : i32
      "tpu.region"() ({
        %run_scoped3A = tpu.sem_alloc : memref<!tpu.dma_semaphore, #tpu.memory_space<semaphore_mem>>
        %dma_start3A_75 = tpu.memref_slice %arg3[%add3A_12] : memref<4096xi32, #tpu.memory_space<hbm>> -> memref<32xi32, #tpu.memory_space<hbm>>
        %dma_start3A_76 = tpu.memref_slice %arg3[%add3A_12] : memref<4096xi32, #tpu.memory_space<hbm>> -> memref<32xi32, #tpu.memory_space<hbm>>
        tpu.enqueue_dma source(%dma_start3A_76 : memref<32xi32, #tpu.memory_space<hbm>>) target(%arg9 : memref<32xi32, #tpu.memory_space<vmem>>) target_semaphore(%run_scoped3A : memref<!tpu.dma_semaphore, #tpu.memory_space<semaphore_mem>>)
        %dma_wait3A_77 = tpu.memref_slice %arg3[%add3A_12] : memref<4096xi32, #tpu.memory_space<hbm>> -> memref<32xi32, #tpu.memory_space<hbm>>
        %dma_wait3A_78 = tpu.memref_slice %arg3[%add3A_12] : memref<4096xi32, #tpu.memory_space<hbm>> -> memref<32xi32, #tpu.memory_space<hbm>>
        tpu.wait_dma2 semaphore(%run_scoped3A : memref<!tpu.dma_semaphore, #tpu.memory_space<semaphore_mem>>) src(%dma_wait3A_78 : memref<32xi32, #tpu.memory_space<hbm>>) dst(%arg9 : memref<32xi32, #tpu.memory_space<vmem>>)
        tpu.yield
      }) : () -> ()
      %add3A_13 = arith.constant 0 : i32
      %add3A_14 = arith.addi %mul3A_2, %add3A_13 : i32
      %dma_start3A = arith.constant 0 : i32
      %dma_start3A_15 = tpu.memref_slice %arg2[%add3A_14, %dma_start3A] : memref<4096x1024xf32, #tpu.memory_space<hbm>> -> memref<32x1024xf32, #tpu.memory_space<hbm>>
      %dma_start3A_16 = arith.constant 0 : i32
      %dma_start3A_17 = tpu.memref_slice %arg2[%add3A_14, %dma_start3A_16] : memref<4096x1024xf32, #tpu.memory_space<hbm>> -> memref<32x1024xf32, #tpu.memory_space<hbm>>
      tpu.enqueue_dma source(%dma_start3A_17 : memref<32x1024xf32, #tpu.memory_space<hbm>>) target(%arg11 : memref<32x1024xf32, #tpu.memory_space<vmem>>) target_semaphore(%arg14 : memref<!tpu.dma_semaphore, #tpu.memory_space<semaphore_mem>>)
      %add3A_18 = arith.constant 32 : i32
      %add3A_19 = arith.addi %mul3A_2, %add3A_18 : i32
      %dma_start3A_20 = arith.constant 0 : i32
      %dma_start3A_21 = tpu.memref_slice %arg2[%add3A_19, %dma_start3A_20] : memref<4096x1024xf32, #tpu.memory_space<hbm>> -> memref<32x1024xf32, #tpu.memory_space<hbm>>
      %dma_start3A_22 = arith.constant 0 : i32
      %dma_start3A_23 = tpu.memref_slice %arg2[%add3A_19, %dma_start3A_22] : memref<4096x1024xf32, #tpu.memory_space<hbm>> -> memref<32x1024xf32, #tpu.memory_space<hbm>>
      tpu.enqueue_dma source(%dma_start3A_23 : memref<32x1024xf32, #tpu.memory_space<hbm>>) target(%arg12 : memref<32x1024xf32, #tpu.memory_space<vmem>>) target_semaphore(%arg14 : memref<!tpu.dma_semaphore, #tpu.memory_space<semaphore_mem>>)
      %add3A_24 = arith.constant 64 : i32
      %add3A_25 = arith.addi %mul3A_2, %add3A_24 : i32
      %dma_start3A_26 = arith.constant 0 : i32
      %dma_start3A_27 = tpu.memref_slice %arg2[%add3A_25, %dma_start3A_26] : memref<4096x1024xf32, #tpu.memory_space<hbm>> -> memref<32x1024xf32, #tpu.memory_space<hbm>>
      %dma_start3A_28 = arith.constant 0 : i32
      %dma_start3A_29 = tpu.memref_slice %arg2[%add3A_25, %dma_start3A_28] : memref<4096x1024xf32, #tpu.memory_space<hbm>> -> memref<32x1024xf32, #tpu.memory_space<hbm>>
      tpu.enqueue_dma source(%dma_start3A_29 : memref<32x1024xf32, #tpu.memory_space<hbm>>) target(%arg13 : memref<32x1024xf32, #tpu.memory_space<vmem>>) target_semaphore(%arg14 : memref<!tpu.dma_semaphore, #tpu.memory_space<semaphore_mem>>)
      %dma_wait3A = arith.constant 0 : i32
      %dma_wait3A_30 = tpu.memref_slice %arg2[%add3A_14, %dma_wait3A] : memref<4096x1024xf32, #tpu.memory_space<hbm>> -> memref<32x1024xf32, #tpu.memory_space<hbm>>
      %dma_wait3A_31 = arith.constant 0 : i32
      %dma_wait3A_32 = tpu.memref_slice %arg2[%add3A_14, %dma_wait3A_31] : memref<4096x1024xf32, #tpu.memory_space<hbm>> -> memref<32x1024xf32, #tpu.memory_space<hbm>>
      tpu.wait_dma2 semaphore(%arg14 : memref<!tpu.dma_semaphore, #tpu.memory_space<semaphore_mem>>) src(%dma_wait3A_32 : memref<32x1024xf32, #tpu.memory_space<hbm>>) dst(%arg11 : memref<32x1024xf32, #tpu.memory_space<vmem>>)
      %dma_start3A_33 = arith.constant 0 : i32
      %dma_start3A_34 = arith.constant 0 : i32
      %dma_start3A_35 = tpu.memref_slice %arg5[%dma_start3A_33, %dma_start3A_34] : memref<2056x1024xf32, #tpu.memory_space<hbm>> -> memref<2056x1024xf32, #tpu.memory_space<hbm>>
      tpu.enqueue_indirect_dma source(%arg11 : memref<32x1024xf32, #tpu.memory_space<vmem>>) target(%dma_start3A_35 : memref<2056x1024xf32, #tpu.memory_space<hbm>>) offsets(%arg6 : memref<32xi32, #tpu.memory_space<vmem>>) semaphore(%arg15 : memref<!tpu.dma_semaphore, #tpu.memory_space<semaphore_mem>>)
      %dma_wait3A_36 = arith.constant 0 : i32
      %dma_wait3A_37 = arith.constant 0 : i32
      %dma_wait3A_38 = tpu.memref_slice %arg5[%dma_wait3A_36, %dma_wait3A_37] : memref<2056x1024xf32, #tpu.memory_space<hbm>> -> memref<2056x1024xf32, #tpu.memory_space<hbm>>
      tpu.wait_indirect_dma semaphore(%arg15 : memref<!tpu.dma_semaphore, #tpu.memory_space<semaphore_mem>>) src(%arg11 : memref<32x1024xf32, #tpu.memory_space<vmem>>) dst(%dma_wait3A_38 : memref<2056x1024xf32, #tpu.memory_space<hbm>>)
      %add3A_39 = arith.constant 96 : i32
      %add3A_40 = arith.addi %mul3A_2, %add3A_39 : i32
      %dma_start3A_41 = arith.constant 0 : i32
      %dma_start3A_42 = tpu.memref_slice %arg2[%add3A_40, %dma_start3A_41] : memref<4096x1024xf32, #tpu.memory_space<hbm>> -> memref<32x1024xf32, #tpu.memory_space<hbm>>
      %dma_start3A_43 = arith.constant 0 : i32
      %dma_start3A_44 = tpu.memref_slice %arg2[%add3A_40, %dma_start3A_43] : memref<4096x1024xf32, #tpu.memory_space<hbm>> -> memref<32x1024xf32, #tpu.memory_space<hbm>>
      tpu.enqueue_dma source(%dma_start3A_44 : memref<32x1024xf32, #tpu.memory_space<hbm>>) target(%arg11 : memref<32x1024xf32, #tpu.memory_space<vmem>>) target_semaphore(%arg14 : memref<!tpu.dma_semaphore, #tpu.memory_space<semaphore_mem>>)
      %dma_wait3A_45 = arith.constant 0 : i32
      %dma_wait3A_46 = tpu.memref_slice %arg2[%add3A_19, %dma_wait3A_45] : memref<4096x1024xf32, #tpu.memory_space<hbm>> -> memref<32x1024xf32, #tpu.memory_space<hbm>>
      %dma_wait3A_47 = arith.constant 0 : i32
      %dma_wait3A_48 = tpu.memref_slice %arg2[%add3A_19, %dma_wait3A_47] : memref<4096x1024xf32, #tpu.memory_space<hbm>> -> memref<32x1024xf32, #tpu.memory_space<hbm>>
      tpu.wait_dma2 semaphore(%arg14 : memref<!tpu.dma_semaphore, #tpu.memory_space<semaphore_mem>>) src(%dma_wait3A_48 : memref<32x1024xf32, #tpu.memory_space<hbm>>) dst(%arg12 : memref<32x1024xf32, #tpu.memory_space<vmem>>)
      %dma_start3A_49 = arith.constant 0 : i32
      %dma_start3A_50 = arith.constant 0 : i32
      %dma_start3A_51 = tpu.memref_slice %arg5[%dma_start3A_49, %dma_start3A_50] : memref<2056x1024xf32, #tpu.memory_space<hbm>> -> memref<2056x1024xf32, #tpu.memory_space<hbm>>
      tpu.enqueue_indirect_dma source(%arg12 : memref<32x1024xf32, #tpu.memory_space<vmem>>) target(%dma_start3A_51 : memref<2056x1024xf32, #tpu.memory_space<hbm>>) offsets(%arg7 : memref<32xi32, #tpu.memory_space<vmem>>) semaphore(%arg15 : memref<!tpu.dma_semaphore, #tpu.memory_space<semaphore_mem>>)
      %dma_wait3A_52 = arith.constant 0 : i32
      %dma_wait3A_53 = tpu.memref_slice %arg2[%add3A_25, %dma_wait3A_52] : memref<4096x1024xf32, #tpu.memory_space<hbm>> -> memref<32x1024xf32, #tpu.memory_space<hbm>>
      %dma_wait3A_54 = arith.constant 0 : i32
      %dma_wait3A_55 = tpu.memref_slice %arg2[%add3A_25, %dma_wait3A_54] : memref<4096x1024xf32, #tpu.memory_space<hbm>> -> memref<32x1024xf32, #tpu.memory_space<hbm>>
      tpu.wait_dma2 semaphore(%arg14 : memref<!tpu.dma_semaphore, #tpu.memory_space<semaphore_mem>>) src(%dma_wait3A_55 : memref<32x1024xf32, #tpu.memory_space<hbm>>) dst(%arg13 : memref<32x1024xf32, #tpu.memory_space<vmem>>)
      %dma_start3A_56 = arith.constant 0 : i32
      %dma_start3A_57 = arith.constant 0 : i32
      %dma_start3A_58 = tpu.memref_slice %arg5[%dma_start3A_56, %dma_start3A_57] : memref<2056x1024xf32, #tpu.memory_space<hbm>> -> memref<2056x1024xf32, #tpu.memory_space<hbm>>
      tpu.enqueue_indirect_dma source(%arg13 : memref<32x1024xf32, #tpu.memory_space<vmem>>) target(%dma_start3A_58 : memref<2056x1024xf32, #tpu.memory_space<hbm>>) offsets(%arg8 : memref<32xi32, #tpu.memory_space<vmem>>) semaphore(%arg15 : memref<!tpu.dma_semaphore, #tpu.memory_space<semaphore_mem>>)
      %dma_wait3A_59 = arith.constant 0 : i32
      %dma_wait3A_60 = tpu.memref_slice %arg2[%add3A_40, %dma_wait3A_59] : memref<4096x1024xf32, #tpu.memory_space<hbm>> -> memref<32x1024xf32, #tpu.memory_space<hbm>>
      %dma_wait3A_61 = arith.constant 0 : i32
      %dma_wait3A_62 = tpu.memref_slice %arg2[%add3A_40, %dma_wait3A_61] : memref<4096x1024xf32, #tpu.memory_space<hbm>> -> memref<32x1024xf32, #tpu.memory_space<hbm>>
      tpu.wait_dma2 semaphore(%arg14 : memref<!tpu.dma_semaphore, #tpu.memory_space<semaphore_mem>>) src(%dma_wait3A_62 : memref<32x1024xf32, #tpu.memory_space<hbm>>) dst(%arg11 : memref<32x1024xf32, #tpu.memory_space<vmem>>)
      %dma_start3A_63 = arith.constant 0 : i32
      %dma_start3A_64 = arith.constant 0 : i32
      %dma_start3A_65 = tpu.memref_slice %arg5[%dma_start3A_63, %dma_start3A_64] : memref<2056x1024xf32, #tpu.memory_space<hbm>> -> memref<2056x1024xf32, #tpu.memory_space<hbm>>
      tpu.enqueue_indirect_dma source(%arg11 : memref<32x1024xf32, #tpu.memory_space<vmem>>) target(%dma_start3A_65 : memref<2056x1024xf32, #tpu.memory_space<hbm>>) offsets(%arg9 : memref<32xi32, #tpu.memory_space<vmem>>) semaphore(%arg15 : memref<!tpu.dma_semaphore, #tpu.memory_space<semaphore_mem>>)
      %dma_wait3A_66 = arith.constant 0 : i32
      %dma_wait3A_67 = arith.constant 0 : i32
      %dma_wait3A_68 = tpu.memref_slice %arg5[%dma_wait3A_66, %dma_wait3A_67] : memref<2056x1024xf32, #tpu.memory_space<hbm>> -> memref<2056x1024xf32, #tpu.memory_space<hbm>>
      tpu.wait_indirect_dma semaphore(%arg15 : memref<!tpu.dma_semaphore, #tpu.memory_space<semaphore_mem>>) src(%arg12 : memref<32x1024xf32, #tpu.memory_space<vmem>>) dst(%dma_wait3A_68 : memref<2056x1024xf32, #tpu.memory_space<hbm>>)
      %dma_wait3A_69 = arith.constant 0 : i32
      %dma_wait3A_70 = arith.constant 0 : i32
      %dma_wait3A_71 = tpu.memref_slice %arg5[%dma_wait3A_69, %dma_wait3A_70] : memref<2056x1024xf32, #tpu.memory_space<hbm>> -> memref<2056x1024xf32, #tpu.memory_space<hbm>>
      tpu.wait_indirect_dma semaphore(%arg15 : memref<!tpu.dma_semaphore, #tpu.memory_space<semaphore_mem>>) src(%arg13 : memref<32x1024xf32, #tpu.memory_space<vmem>>) dst(%dma_wait3A_71 : memref<2056x1024xf32, #tpu.memory_space<hbm>>)
      %dma_wait3A_72 = arith.constant 0 : i32
      %dma_wait3A_73 = arith.constant 0 : i32
      %dma_wait3A_74 = tpu.memref_slice %arg5[%dma_wait3A_72, %dma_wait3A_73] : memref<2056x1024xf32, #tpu.memory_space<hbm>> -> memref<2056x1024xf32, #tpu.memory_space<hbm>>
      tpu.wait_indirect_dma semaphore(%arg15 : memref<!tpu.dma_semaphore, #tpu.memory_space<semaphore_mem>>) src(%arg11 : memref<32x1024xf32, #tpu.memory_space<vmem>>) dst(%dma_wait3A_74 : memref<2056x1024xf32, #tpu.memory_space<hbm>>)
    } else {
    }
    return
  }
}

#map = affine_map<(d0, d1) -> (0)>
#map1 = affine_map<(d0, d1) -> (0, 0)>
module attributes {stable_mosaic.version = 14 : i64} {
  func.func @_gather_body(%arg0: i32, %arg1: i32, %arg2: memref<4096xi32, #tpu.memory_space<hbm>>, %arg3: memref<2048x1024xf32, #tpu.memory_space<hbm>>, %arg4: memref<16xi32, #tpu.memory_space<hbm>>, %arg5: memref<4096x1024xf32, #tpu.memory_space<hbm>>, %arg6: memref<128xi32, #tpu.memory_space<vmem>>, %arg7: memref<16xi32, #tpu.memory_space<vmem>>, %arg8: memref<32x1024xf32, #tpu.memory_space<vmem>>, %arg9: memref<32x1024xf32, #tpu.memory_space<vmem>>, %arg10: memref<32x1024xf32, #tpu.memory_space<vmem>>, %arg11: memref<!tpu.dma_semaphore, #tpu.memory_space<semaphore_mem>>, %arg12: memref<!tpu.dma_semaphore, #tpu.memory_space<semaphore_mem>>) attributes {dimension_semantics = [#tpu.dimension_semantics<core_parallel>, #tpu.dimension_semantics<subcore_parallel>], iteration_bounds = array<i64: 2, 16>, scalar_prefetch = 0 : i64, scratch_operands = 7 : i64, tpu.core_type = #tpu.core_type<sc_vector_subcore>, window_params = [{transform_indices = #map}, {transform_indices = #map1}, {transform_indices = #map}, {transform_indices = #map1}]} {
    %mul3A = arith.constant 2 : i32
    %mul3A_0 = arith.muli %arg1, %mul3A : i32
    %add3A = arith.addi %mul3A_0, %arg0 : i32
    %mul3A_1 = arith.constant 128 : i32
    %mul3A_2 = arith.muli %add3A, %mul3A_1 : i32
    "tpu.region"() ({
      %run_scoped3A = tpu.sem_alloc : memref<!tpu.dma_semaphore, #tpu.memory_space<semaphore_mem>>
      tpu.enqueue_dma source(%arg4 : memref<16xi32, #tpu.memory_space<hbm>>) target(%arg7 : memref<16xi32, #tpu.memory_space<vmem>>) target_semaphore(%run_scoped3A : memref<!tpu.dma_semaphore, #tpu.memory_space<semaphore_mem>>)
      tpu.wait_dma2 semaphore(%run_scoped3A : memref<!tpu.dma_semaphore, #tpu.memory_space<semaphore_mem>>) src(%arg4 : memref<16xi32, #tpu.memory_space<hbm>>) dst(%arg7 : memref<16xi32, #tpu.memory_space<vmem>>)
      tpu.yield
    }) : () -> ()
    %get3A = arith.constant 0 : index
    %get3A_3 = tpu.vector_load %arg7[%get3A] {strides = array<i32>} : memref<16xi32, #tpu.memory_space<vmem>>, vector<16xi32>,
    %slice3A = vector.extract_strided_slice %get3A_3 {offsets = [0], sizes = [1], strides = [1]} : vector<16xi32> to vector<1xi32>
    %squeeze3A = vector.extract %slice3A[0] : i32 from vector<1xi32>
    %lt3A = arith.cmpi slt, %mul3A_2, %squeeze3A : i32
    %convert_element_type3A = arith.extui %lt3A : i1 to i32
    %cond3A = arith.constant 0 : i32
    %cond3A_4 = arith.cmpi ne, %convert_element_type3A, %cond3A : i32
    scf.if %cond3A_4 {
      "tpu.region"() ({
        %run_scoped3A = tpu.sem_alloc : memref<!tpu.dma_semaphore, #tpu.memory_space<semaphore_mem>>
        %dma_start3A_137 = tpu.memref_slice %arg2[%mul3A_2] : memref<4096xi32, #tpu.memory_space<hbm>> -> memref<128xi32, #tpu.memory_space<hbm>>
        %dma_start3A_138 = tpu.memref_slice %arg2[%mul3A_2] : memref<4096xi32, #tpu.memory_space<hbm>> -> memref<128xi32, #tpu.memory_space<hbm>>
        tpu.enqueue_dma source(%dma_start3A_138 : memref<128xi32, #tpu.memory_space<hbm>>) target(%arg6 : memref<128xi32, #tpu.memory_space<vmem>>) target_semaphore(%run_scoped3A : memref<!tpu.dma_semaphore, #tpu.memory_space<semaphore_mem>>)
        %dma_wait3A_139 = tpu.memref_slice %arg2[%mul3A_2] : memref<4096xi32, #tpu.memory_space<hbm>> -> memref<128xi32, #tpu.memory_space<hbm>>
        %dma_wait3A_140 = tpu.memref_slice %arg2[%mul3A_2] : memref<4096xi32, #tpu.memory_space<hbm>> -> memref<128xi32, #tpu.memory_space<hbm>>
        tpu.wait_dma2 semaphore(%run_scoped3A : memref<!tpu.dma_semaphore, #tpu.memory_space<semaphore_mem>>) src(%dma_wait3A_140 : memref<128xi32, #tpu.memory_space<hbm>>) dst(%arg6 : memref<128xi32, #tpu.memory_space<vmem>>)
        tpu.yield
      }) : () -> ()
      %get3A_5 = arith.constant 0 : index
      %get3A_6 = tpu.vector_load %arg6[%get3A_5] {strides = array<i32>} : memref<128xi32, #tpu.memory_space<vmem>>, vector<16xi32>,
      %min3A = arith.constant 2047 : i32
      %min3A_7 = vector.broadcast %min3A : i32 to vector<16xi32>
      %min3A_8 = arith.minsi %get3A_6, %min3A_7 : vector<16xi32>
      %swap3A = arith.constant 0 : index
      %swap3A_9 = tpu.vector_load %arg6[%swap3A] {strides = array<i32>} : memref<128xi32, #tpu.memory_space<vmem>>, vector<16xi32>,
      tpu.vector_store %arg6[%swap3A], %min3A_8 {strides = array<i32>} : memref<128xi32, #tpu.memory_space<vmem>>, vector<16xi32>,
      %get3A_10 = arith.constant 16 : index
      %get3A_11 = tpu.vector_load %arg6[%get3A_10] {strides = array<i32>} : memref<128xi32, #tpu.memory_space<vmem>>, vector<16xi32>,
      %min3A_12 = arith.constant 2047 : i32
      %min3A_13 = vector.broadcast %min3A_12 : i32 to vector<16xi32>
      %min3A_14 = arith.minsi %get3A_11, %min3A_13 : vector<16xi32>
      %swap3A_15 = arith.constant 16 : index
      %swap3A_16 = tpu.vector_load %arg6[%swap3A_15] {strides = array<i32>} : memref<128xi32, #tpu.memory_space<vmem>>, vector<16xi32>,
      tpu.vector_store %arg6[%swap3A_15], %min3A_14 {strides = array<i32>} : memref<128xi32, #tpu.memory_space<vmem>>, vector<16xi32>,
      %get3A_17 = arith.constant 32 : index
      %get3A_18 = tpu.vector_load %arg6[%get3A_17] {strides = array<i32>} : memref<128xi32, #tpu.memory_space<vmem>>, vector<16xi32>,
      %min3A_19 = arith.constant 2047 : i32
      %min3A_20 = vector.broadcast %min3A_19 : i32 to vector<16xi32>
      %min3A_21 = arith.minsi %get3A_18, %min3A_20 : vector<16xi32>
      %swap3A_22 = arith.constant 32 : index
      %swap3A_23 = tpu.vector_load %arg6[%swap3A_22] {strides = array<i32>} : memref<128xi32, #tpu.memory_space<vmem>>, vector<16xi32>,
      tpu.vector_store %arg6[%swap3A_22], %min3A_21 {strides = array<i32>} : memref<128xi32, #tpu.memory_space<vmem>>, vector<16xi32>,
      %get3A_24 = arith.constant 48 : index
      %get3A_25 = tpu.vector_load %arg6[%get3A_24] {strides = array<i32>} : memref<128xi32, #tpu.memory_space<vmem>>, vector<16xi32>,
      %min3A_26 = arith.constant 2047 : i32
      %min3A_27 = vector.broadcast %min3A_26 : i32 to vector<16xi32>
      %min3A_28 = arith.minsi %get3A_25, %min3A_27 : vector<16xi32>
      %swap3A_29 = arith.constant 48 : index
      %swap3A_30 = tpu.vector_load %arg6[%swap3A_29] {strides = array<i32>} : memref<128xi32, #tpu.memory_space<vmem>>, vector<16xi32>,
      tpu.vector_store %arg6[%swap3A_29], %min3A_28 {strides = array<i32>} : memref<128xi32, #tpu.memory_space<vmem>>, vector<16xi32>,
      %get3A_31 = arith.constant 64 : index
      %get3A_32 = tpu.vector_load %arg6[%get3A_31] {strides = array<i32>} : memref<128xi32, #tpu.memory_space<vmem>>, vector<16xi32>,
      %min3A_33 = arith.constant 2047 : i32
      %min3A_34 = vector.broadcast %min3A_33 : i32 to vector<16xi32>
      %min3A_35 = arith.minsi %get3A_32, %min3A_34 : vector<16xi32>
      %swap3A_36 = arith.constant 64 : index
      %swap3A_37 = tpu.vector_load %arg6[%swap3A_36] {strides = array<i32>} : memref<128xi32, #tpu.memory_space<vmem>>, vector<16xi32>,
      tpu.vector_store %arg6[%swap3A_36], %min3A_35 {strides = array<i32>} : memref<128xi32, #tpu.memory_space<vmem>>, vector<16xi32>,
      %get3A_38 = arith.constant 80 : index
      %get3A_39 = tpu.vector_load %arg6[%get3A_38] {strides = array<i32>} : memref<128xi32, #tpu.memory_space<vmem>>, vector<16xi32>,
      %min3A_40 = arith.constant 2047 : i32
      %min3A_41 = vector.broadcast %min3A_40 : i32 to vector<16xi32>
      %min3A_42 = arith.minsi %get3A_39, %min3A_41 : vector<16xi32>
      %swap3A_43 = arith.constant 80 : index
      %swap3A_44 = tpu.vector_load %arg6[%swap3A_43] {strides = array<i32>} : memref<128xi32, #tpu.memory_space<vmem>>, vector<16xi32>,
      tpu.vector_store %arg6[%swap3A_43], %min3A_42 {strides = array<i32>} : memref<128xi32, #tpu.memory_space<vmem>>, vector<16xi32>,
      %get3A_45 = arith.constant 96 : index
      %get3A_46 = tpu.vector_load %arg6[%get3A_45] {strides = array<i32>} : memref<128xi32, #tpu.memory_space<vmem>>, vector<16xi32>,
      %min3A_47 = arith.constant 2047 : i32
      %min3A_48 = vector.broadcast %min3A_47 : i32 to vector<16xi32>
      %min3A_49 = arith.minsi %get3A_46, %min3A_48 : vector<16xi32>
      %swap3A_50 = arith.constant 96 : index
      %swap3A_51 = tpu.vector_load %arg6[%swap3A_50] {strides = array<i32>} : memref<128xi32, #tpu.memory_space<vmem>>, vector<16xi32>,
      tpu.vector_store %arg6[%swap3A_50], %min3A_49 {strides = array<i32>} : memref<128xi32, #tpu.memory_space<vmem>>, vector<16xi32>,
      %get3A_52 = arith.constant 112 : index
      %get3A_53 = tpu.vector_load %arg6[%get3A_52] {strides = array<i32>} : memref<128xi32, #tpu.memory_space<vmem>>, vector<16xi32>,
      %min3A_54 = arith.constant 2047 : i32
      %min3A_55 = vector.broadcast %min3A_54 : i32 to vector<16xi32>
      %min3A_56 = arith.minsi %get3A_53, %min3A_55 : vector<16xi32>
      %swap3A_57 = arith.constant 112 : index
      %swap3A_58 = tpu.vector_load %arg6[%swap3A_57] {strides = array<i32>} : memref<128xi32, #tpu.memory_space<vmem>>, vector<16xi32>,
      tpu.vector_store %arg6[%swap3A_57], %min3A_56 {strides = array<i32>} : memref<128xi32, #tpu.memory_space<vmem>>, vector<16xi32>,
      %dma_start3A = arith.constant 0 : i32
      %dma_start3A_59 = tpu.memref_slice %arg6[%dma_start3A] : memref<128xi32, #tpu.memory_space<vmem>> -> memref<32xi32, #tpu.memory_space<vmem>>
      %dma_start3A_60 = arith.constant 0 : i32
      %dma_start3A_61 = arith.constant 0 : i32
      %dma_start3A_62 = tpu.memref_slice %arg3[%dma_start3A_60, %dma_start3A_61] : memref<2048x1024xf32, #tpu.memory_space<hbm>> -> memref<2048x1024xf32, #tpu.memory_space<hbm>>
      tpu.enqueue_indirect_dma source(%dma_start3A_62 : memref<2048x1024xf32, #tpu.memory_space<hbm>>) target(%arg8 : memref<32x1024xf32, #tpu.memory_space<vmem>>) offsets(%dma_start3A_59 : memref<32xi32, #tpu.memory_space<vmem>>) semaphore(%arg11 : memref<!tpu.dma_semaphore, #tpu.memory_space<semaphore_mem>>)
      %dma_start3A_63 = arith.constant 32 : i32
      %dma_start3A_64 = tpu.memref_slice %arg6[%dma_start3A_63] : memref<128xi32, #tpu.memory_space<vmem>> -> memref<32xi32, #tpu.memory_space<vmem>>
      %dma_start3A_65 = arith.constant 0 : i32
      %dma_start3A_66 = arith.constant 0 : i32
      %dma_start3A_67 = tpu.memref_slice %arg3[%dma_start3A_65, %dma_start3A_66] : memref<2048x1024xf32, #tpu.memory_space<hbm>> -> memref<2048x1024xf32, #tpu.memory_space<hbm>>
      tpu.enqueue_indirect_dma source(%dma_start3A_67 : memref<2048x1024xf32, #tpu.memory_space<hbm>>) target(%arg9 : memref<32x1024xf32, #tpu.memory_space<vmem>>) offsets(%dma_start3A_64 : memref<32xi32, #tpu.memory_space<vmem>>) semaphore(%arg11 : memref<!tpu.dma_semaphore, #tpu.memory_space<semaphore_mem>>)
      %dma_start3A_68 = arith.constant 64 : i32
      %dma_start3A_69 = tpu.memref_slice %arg6[%dma_start3A_68] : memref<128xi32, #tpu.memory_space<vmem>> -> memref<32xi32, #tpu.memory_space<vmem>>
      %dma_start3A_70 = arith.constant 0 : i32
      %dma_start3A_71 = arith.constant 0 : i32
      %dma_start3A_72 = tpu.memref_slice %arg3[%dma_start3A_70, %dma_start3A_71] : memref<2048x1024xf32, #tpu.memory_space<hbm>> -> memref<2048x1024xf32, #tpu.memory_space<hbm>>
      tpu.enqueue_indirect_dma source(%dma_start3A_72 : memref<2048x1024xf32, #tpu.memory_space<hbm>>) target(%arg10 : memref<32x1024xf32, #tpu.memory_space<vmem>>) offsets(%dma_start3A_69 : memref<32xi32, #tpu.memory_space<vmem>>) semaphore(%arg11 : memref<!tpu.dma_semaphore, #tpu.memory_space<semaphore_mem>>)
      %dma_wait3A = arith.constant 0 : i32
      %dma_wait3A_73 = tpu.memref_slice %arg6[%dma_wait3A] : memref<128xi32, #tpu.memory_space<vmem>> -> memref<32xi32, #tpu.memory_space<vmem>>
      %dma_wait3A_74 = arith.constant 0 : i32
      %dma_wait3A_75 = arith.constant 0 : i32
      %dma_wait3A_76 = tpu.memref_slice %arg3[%dma_wait3A_74, %dma_wait3A_75] : memref<2048x1024xf32, #tpu.memory_space<hbm>> -> memref<2048x1024xf32, #tpu.memory_space<hbm>>
      tpu.wait_indirect_dma semaphore(%arg11 : memref<!tpu.dma_semaphore, #tpu.memory_space<semaphore_mem>>) src(%dma_wait3A_76 : memref<2048x1024xf32, #tpu.memory_space<hbm>>) dst(%arg8 : memref<32x1024xf32, #tpu.memory_space<vmem>>)
      %add3A_77 = arith.constant 0 : i32
      %add3A_78 = arith.addi %mul3A_2, %add3A_77 : i32
      %dma_start3A_79 = arith.constant 0 : i32
      %dma_start3A_80 = tpu.memref_slice %arg5[%add3A_78, %dma_start3A_79] : memref<4096x1024xf32, #tpu.memory_space<hbm>> -> memref<32x1024xf32, #tpu.memory_space<hbm>>
      %dma_start3A_81 = arith.constant 0 : i32
      %dma_start3A_82 = tpu.memref_slice %arg5[%add3A_78, %dma_start3A_81] : memref<4096x1024xf32, #tpu.memory_space<hbm>> -> memref<32x1024xf32, #tpu.memory_space<hbm>>
      tpu.enqueue_dma source(%arg8 : memref<32x1024xf32, #tpu.memory_space<vmem>>) target(%dma_start3A_82 : memref<32x1024xf32, #tpu.memory_space<hbm>>) target_semaphore(%arg12 : memref<!tpu.dma_semaphore, #tpu.memory_space<semaphore_mem>>)
      %dma_wait3A_83 = arith.constant 0 : i32
      %dma_wait3A_84 = tpu.memref_slice %arg5[%add3A_78, %dma_wait3A_83] : memref<4096x1024xf32, #tpu.memory_space<hbm>> -> memref<32x1024xf32, #tpu.memory_space<hbm>>
      %dma_wait3A_85 = arith.constant 0 : i32
      %dma_wait3A_86 = tpu.memref_slice %arg5[%add3A_78, %dma_wait3A_85] : memref<4096x1024xf32, #tpu.memory_space<hbm>> -> memref<32x1024xf32, #tpu.memory_space<hbm>>
      tpu.wait_dma2 semaphore(%arg12 : memref<!tpu.dma_semaphore, #tpu.memory_space<semaphore_mem>>) src(%arg8 : memref<32x1024xf32, #tpu.memory_space<vmem>>) dst(%dma_wait3A_86 : memref<32x1024xf32, #tpu.memory_space<hbm>>)
      %dma_start3A_87 = arith.constant 96 : i32
      %dma_start3A_88 = tpu.memref_slice %arg6[%dma_start3A_87] : memref<128xi32, #tpu.memory_space<vmem>> -> memref<32xi32, #tpu.memory_space<vmem>>
      %dma_start3A_89 = arith.constant 0 : i32
      %dma_start3A_90 = arith.constant 0 : i32
      %dma_start3A_91 = tpu.memref_slice %arg3[%dma_start3A_89, %dma_start3A_90] : memref<2048x1024xf32, #tpu.memory_space<hbm>> -> memref<2048x1024xf32, #tpu.memory_space<hbm>>
      tpu.enqueue_indirect_dma source(%dma_start3A_91 : memref<2048x1024xf32, #tpu.memory_space<hbm>>) target(%arg8 : memref<32x1024xf32, #tpu.memory_space<vmem>>) offsets(%dma_start3A_88 : memref<32xi32, #tpu.memory_space<vmem>>) semaphore(%arg11 : memref<!tpu.dma_semaphore, #tpu.memory_space<semaphore_mem>>)
      %dma_wait3A_92 = arith.constant 32 : i32
      %dma_wait3A_93 = tpu.memref_slice %arg6[%dma_wait3A_92] : memref<128xi32, #tpu.memory_space<vmem>> -> memref<32xi32, #tpu.memory_space<vmem>>
      %dma_wait3A_94 = arith.constant 0 : i32
      %dma_wait3A_95 = arith.constant 0 : i32
      %dma_wait3A_96 = tpu.memref_slice %arg3[%dma_wait3A_94, %dma_wait3A_95] : memref<2048x1024xf32, #tpu.memory_space<hbm>> -> memref<2048x1024xf32, #tpu.memory_space<hbm>>
      tpu.wait_indirect_dma semaphore(%arg11 : memref<!tpu.dma_semaphore, #tpu.memory_space<semaphore_mem>>) src(%dma_wait3A_96 : memref<2048x1024xf32, #tpu.memory_space<hbm>>) dst(%arg9 : memref<32x1024xf32, #tpu.memory_space<vmem>>)
      %add3A_97 = arith.constant 32 : i32
      %add3A_98 = arith.addi %mul3A_2, %add3A_97 : i32
      %dma_start3A_99 = arith.constant 0 : i32
      %dma_start3A_100 = tpu.memref_slice %arg5[%add3A_98, %dma_start3A_99] : memref<4096x1024xf32, #tpu.memory_space<hbm>> -> memref<32x1024xf32, #tpu.memory_space<hbm>>
      %dma_start3A_101 = arith.constant 0 : i32
      %dma_start3A_102 = tpu.memref_slice %arg5[%add3A_98, %dma_start3A_101] : memref<4096x1024xf32, #tpu.memory_space<hbm>> -> memref<32x1024xf32, #tpu.memory_space<hbm>>
      tpu.enqueue_dma source(%arg9 : memref<32x1024xf32, #tpu.memory_space<vmem>>) target(%dma_start3A_102 : memref<32x1024xf32, #tpu.memory_space<hbm>>) target_semaphore(%arg12 : memref<!tpu.dma_semaphore, #tpu.memory_space<semaphore_mem>>)
      %dma_wait3A_103 = arith.constant 64 : i32
      %dma_wait3A_104 = tpu.memref_slice %arg6[%dma_wait3A_103] : memref<128xi32, #tpu.memory_space<vmem>> -> memref<32xi32, #tpu.memory_space<vmem>>
      %dma_wait3A_105 = arith.constant 0 : i32
      %dma_wait3A_106 = arith.constant 0 : i32
      %dma_wait3A_107 = tpu.memref_slice %arg3[%dma_wait3A_105, %dma_wait3A_106] : memref<2048x1024xf32, #tpu.memory_space<hbm>> -> memref<2048x1024xf32, #tpu.memory_space<hbm>>
      tpu.wait_indirect_dma semaphore(%arg11 : memref<!tpu.dma_semaphore, #tpu.memory_space<semaphore_mem>>) src(%dma_wait3A_107 : memref<2048x1024xf32, #tpu.memory_space<hbm>>) dst(%arg10 : memref<32x1024xf32, #tpu.memory_space<vmem>>)
      %add3A_108 = arith.constant 64 : i32
      %add3A_109 = arith.addi %mul3A_2, %add3A_108 : i32
      %dma_start3A_110 = arith.constant 0 : i32
      %dma_start3A_111 = tpu.memref_slice %arg5[%add3A_109, %dma_start3A_110] : memref<4096x1024xf32, #tpu.memory_space<hbm>> -> memref<32x1024xf32, #tpu.memory_space<hbm>>
      %dma_start3A_112 = arith.constant 0 : i32
      %dma_start3A_113 = tpu.memref_slice %arg5[%add3A_109, %dma_start3A_112] : memref<4096x1024xf32, #tpu.memory_space<hbm>> -> memref<32x1024xf32, #tpu.memory_space<hbm>>
      tpu.enqueue_dma source(%arg10 : memref<32x1024xf32, #tpu.memory_space<vmem>>) target(%dma_start3A_113 : memref<32x1024xf32, #tpu.memory_space<hbm>>) target_semaphore(%arg12 : memref<!tpu.dma_semaphore, #tpu.memory_space<semaphore_mem>>)
      %dma_wait3A_114 = arith.constant 96 : i32
      %dma_wait3A_115 = tpu.memref_slice %arg6[%dma_wait3A_114] : memref<128xi32, #tpu.memory_space<vmem>> -> memref<32xi32, #tpu.memory_space<vmem>>
      %dma_wait3A_116 = arith.constant 0 : i32
      %dma_wait3A_117 = arith.constant 0 : i32
      %dma_wait3A_118 = tpu.memref_slice %arg3[%dma_wait3A_116, %dma_wait3A_117] : memref<2048x1024xf32, #tpu.memory_space<hbm>> -> memref<2048x1024xf32, #tpu.memory_space<hbm>>
      tpu.wait_indirect_dma semaphore(%arg11 : memref<!tpu.dma_semaphore, #tpu.memory_space<semaphore_mem>>) src(%dma_wait3A_118 : memref<2048x1024xf32, #tpu.memory_space<hbm>>) dst(%arg8 : memref<32x1024xf32, #tpu.memory_space<vmem>>)
      %add3A_119 = arith.constant 96 : i32
      %add3A_120 = arith.addi %mul3A_2, %add3A_119 : i32
      %dma_start3A_121 = arith.constant 0 : i32
      %dma_start3A_122 = tpu.memref_slice %arg5[%add3A_120, %dma_start3A_121] : memref<4096x1024xf32, #tpu.memory_space<hbm>> -> memref<32x1024xf32, #tpu.memory_space<hbm>>
      %dma_start3A_123 = arith.constant 0 : i32
      %dma_start3A_124 = tpu.memref_slice %arg5[%add3A_120, %dma_start3A_123] : memref<4096x1024xf32, #tpu.memory_space<hbm>> -> memref<32x1024xf32, #tpu.memory_space<hbm>>
      tpu.enqueue_dma source(%arg8 : memref<32x1024xf32, #tpu.memory_space<vmem>>) target(%dma_start3A_124 : memref<32x1024xf32, #tpu.memory_space<hbm>>) target_semaphore(%arg12 : memref<!tpu.dma_semaphore, #tpu.memory_space<semaphore_mem>>)
      %dma_wait3A_125 = arith.constant 0 : i32
      %dma_wait3A_126 = tpu.memref_slice %arg5[%add3A_98, %dma_wait3A_125] : memref<4096x1024xf32, #tpu.memory_space<hbm>> -> memref<32x1024xf32, #tpu.memory_space<hbm>>
      %dma_wait3A_127 = arith.constant 0 : i32
      %dma_wait3A_128 = tpu.memref_slice %arg5[%add3A_98, %dma_wait3A_127] : memref<4096x1024xf32, #tpu.memory_space<hbm>> -> memref<32x1024xf32, #tpu.memory_space<hbm>>
      tpu.wait_dma2 semaphore(%arg12 : memref<!tpu.dma_semaphore, #tpu.memory_space<semaphore_mem>>) src(%arg9 : memref<32x1024xf32, #tpu.memory_space<vmem>>) dst(%dma_wait3A_128 : memref<32x1024xf32, #tpu.memory_space<hbm>>)
      %dma_wait3A_129 = arith.constant 0 : i32
      %dma_wait3A_130 = tpu.memref_slice %arg5[%add3A_109, %dma_wait3A_129] : memref<4096x1024xf32, #tpu.memory_space<hbm>> -> memref<32x1024xf32, #tpu.memory_space<hbm>>
      %dma_wait3A_131 = arith.constant 0 : i32
      %dma_wait3A_132 = tpu.memref_slice %arg5[%add3A_109, %dma_wait3A_131] : memref<4096x1024xf32, #tpu.memory_space<hbm>> -> memref<32x1024xf32, #tpu.memory_space<hbm>>
      tpu.wait_dma2 semaphore(%arg12 : memref<!tpu.dma_semaphore, #tpu.memory_space<semaphore_mem>>) src(%arg10 : memref<32x1024xf32, #tpu.memory_space<vmem>>) dst(%dma_wait3A_132 : memref<32x1024xf32, #tpu.memory_space<hbm>>)
      %dma_wait3A_133 = arith.constant 0 : i32
      %dma_wait3A_134 = tpu.memref_slice %arg5[%add3A_120, %dma_wait3A_133] : memref<4096x1024xf32, #tpu.memory_space<hbm>> -> memref<32x1024xf32, #tpu.memory_space<hbm>>
      %dma_wait3A_135 = arith.constant 0 : i32
      %dma_wait3A_136 = tpu.memref_slice %arg5[%add3A_120, %dma_wait3A_135] : memref<4096x1024xf32, #tpu.memory_space<hbm>> -> memref<32x1024xf32, #tpu.memory_space<hbm>>
      tpu.wait_dma2 semaphore(%arg12 : memref<!tpu.dma_semaphore, #tpu.memory_space<semaphore_mem>>) src(%arg8 : memref<32x1024xf32, #tpu.memory_space<vmem>>) dst(%dma_wait3A_136 : memref<32x1024xf32, #tpu.memory_space<hbm>>)
    } else {
    }
    return
  }
}

module attributes {stable_mosaic.version = 14 : i64} {
  func.func @_gmm_body(%arg0: i32, %arg1: i32, %arg2: i32, %arg3: memref<16xi32, #tpu.memory_space<smem>>, %arg4: memref<16xi32, #tpu.memory_space<smem>>, %arg5: memref<512x1024xf32, #tpu.memory_space<vmem>>, %arg6: memref<8xf32, #tpu.memory_space<smem>>, %arg7: memref<1x1024x1024xf32, #tpu.memory_space<vmem>>, %arg8: memref<1x1x1024xf32, #tpu.memory_space<vmem>>, %arg9: memref<1x1024x1024xf32, #tpu.memory_space<vmem>>, %arg10: memref<1x1x1024xf32, #tpu.memory_space<vmem>>, %arg11: memref<1x1024x1024xf32, #tpu.memory_space<vmem>>, %arg12: memref<1x1x1024xf32, #tpu.memory_space<vmem>>, %arg13: memref<512x1024xf32, #tpu.memory_space<vmem>>) attributes {dimension_semantics = [#tpu.dimension_semantics<arbitrary>, #tpu.dimension_semantics<arbitrary>, #tpu.dimension_semantics<arbitrary>], iteration_bounds = array<i64: 8, 2, 2>, scalar_prefetch = 2 : i64, scratch_operands = 0 : i64, tpu.core_type = #tpu.core_type<tc>, window_params = [{transform_indices = @transform_0, window_bounds = array<i64: 512, 1024>}, {transform_indices = @transform_1, window_bounds = array<i64: 8>}, {transform_indices = @transform_2, window_bounds = array<i64: 1, 1024, 1024>}, {transform_indices = @transform_3, window_bounds = array<i64: 1, 1, 1024>}, {transform_indices = @transform_4, window_bounds = array<i64: 1, 1024, 1024>}, {transform_indices = @transform_5, window_bounds = array<i64: 1, 1, 1024>}, {transform_indices = @transform_6, window_bounds = array<i64: 1, 1024, 1024>}, {transform_indices = @transform_7, window_bounds = array<i64: 1, 1, 1024>}, {transform_indices = @transform_8, window_bounds = array<i64: 512, 1024>}]} {
    %eq3A = arith.constant 0 : i32
    %eq3A_0 = arith.cmpi eq, %arg2, %eq3A : i32
    %mul3A = arith.constant 2 : i32
    %mul3A_1 = arith.muli %mul3A, %arg0 : i32
    %add3A = arith.constant 0 : i32
    %add3A_2 = arith.addi %mul3A_1, %add3A : i32
    %get3A = arith.index_cast %add3A_2 : i32 to index
    %get3A_3 = memref.load %arg4[%get3A] : memref<16xi32, #tpu.memory_space<smem>>
    %eq3A_4 = arith.constant 1 : i32
    %eq3A_5 = arith.cmpi eq, %get3A_3, %eq3A_4 : i32
    %and3A = arith.andi %eq3A_0, %eq3A_5 : i1
    %convert_element_type3A = arith.extui %and3A : i1 to i32
    %cond3A = arith.constant 0 : i32
    %cond3A_6 = arith.cmpi ne, %convert_element_type3A, %cond3A : i32
    scf.if %cond3A_6 {
      %get3A_21 = arith.constant 0 : index
      %get3A_22 = arith.constant 0 : index
      %get3A_23 = vector.load %arg5[%get3A_21, %get3A_22] : memref<512x1024xf32, #tpu.memory_space<vmem>>, vector<256x1024xf32>
      %get3A_24 = arith.constant 0 : index
      %get3A_25 = arith.constant 0 : index
      %get3A_26 = arith.constant 0 : index
      %get3A_27 = vector.load %arg7[%get3A_24, %get3A_25, %get3A_26] : memref<1x1024x1024xf32, #tpu.memory_space<vmem>>, vector<1x1024x1024xf32>
      %get3A_28 = vector.shape_cast %get3A_27 : vector<1x1024x1024xf32> to vector<1024x1024xf32>
      %dot_general3A = arith.constant dense<0.000000e+00> : vector<256x1024xf32>
      %dot_general3A_29 = tpu.matmul %get3A_23, %get3A_28, %dot_general3A {dimension_numbers = #tpu.dot_dimension_numbers<[1], [0], [0], [1], [0, 0, 1, 1], [], []>, transpose_lhs_hint = false} : vector<256x1024xf32>, vector<1024x1024xf32>, vector<256x1024xf32> -> vector<256x1024xf32>
      %get3A_30 = arith.constant 0 : index
      %get3A_31 = arith.constant 0 : index
      %get3A_32 = arith.constant 0 : index
      %get3A_33 = vector.load %arg8[%get3A_30, %get3A_31, %get3A_32] : memref<1x1x1024xf32, #tpu.memory_space<vmem>>, vector<1x1x1024xf32>
      %get3A_34 = vector.shape_cast %get3A_33 : vector<1x1x1024xf32> to vector<1024xf32>
      %broadcast_in_dim3A = vector.shape_cast %get3A_34 : vector<1024xf32> to vector<1x1024xf32>
      %add3A_35 = vector.broadcast %broadcast_in_dim3A : vector<1x1024xf32> to vector<256x1024xf32>
      %add3A_36 = arith.addf %dot_general3A_29, %add3A_35 : vector<256x1024xf32>
      %get3A_37 = arith.constant 0 : index
      %get3A_38 = arith.constant 0 : index
      %get3A_39 = arith.constant 0 : index
      %get3A_40 = vector.load %arg9[%get3A_37, %get3A_38, %get3A_39] : memref<1x1024x1024xf32, #tpu.memory_space<vmem>>, vector<1x1024x1024xf32>
      %get3A_41 = vector.shape_cast %get3A_40 : vector<1x1024x1024xf32> to vector<1024x1024xf32>
      %dot_general3A_42 = arith.constant dense<0.000000e+00> : vector<256x1024xf32>
      %dot_general3A_43 = tpu.matmul %get3A_23, %get3A_41, %dot_general3A_42 {dimension_numbers = #tpu.dot_dimension_numbers<[1], [0], [0], [1], [0, 0, 1, 1], [], []>, transpose_lhs_hint = false} : vector<256x1024xf32>, vector<1024x1024xf32>, vector<256x1024xf32> -> vector<256x1024xf32>
      %get3A_44 = arith.constant 0 : index
      %get3A_45 = arith.constant 0 : index
      %get3A_46 = arith.constant 0 : index
      %get3A_47 = vector.load %arg10[%get3A_44, %get3A_45, %get3A_46] : memref<1x1x1024xf32, #tpu.memory_space<vmem>>, vector<1x1x1024xf32>
      %get3A_48 = vector.shape_cast %get3A_47 : vector<1x1x1024xf32> to vector<1024xf32>
      %broadcast_in_dim3A_49 = vector.shape_cast %get3A_48 : vector<1024xf32> to vector<1x1024xf32>
      %add3A_50 = vector.broadcast %broadcast_in_dim3A_49 : vector<1x1024xf32> to vector<256x1024xf32>
      %add3A_51 = arith.addf %dot_general3A_43, %add3A_50 : vector<256x1024xf32>
      %logistic3A = arith.negf %add3A_36 : vector<256x1024xf32>
      %logistic3A_52 = math.exp %logistic3A : vector<256x1024xf32>
      %logistic3A_53 = arith.constant 1.000000e+00 : f32
      %logistic3A_54 = vector.broadcast %logistic3A_53 : f32 to vector<256x1024xf32>
      %logistic3A_55 = arith.addf %logistic3A_54, %logistic3A_52 : vector<256x1024xf32>
      %logistic3A_56 = arith.divf %logistic3A_54, %logistic3A_55 : vector<256x1024xf32>
      %mul3A_57 = arith.mulf %add3A_36, %logistic3A_56 : vector<256x1024xf32>
      %mul3A_58 = arith.mulf %mul3A_57, %add3A_51 : vector<256x1024xf32>
      %get3A_59 = arith.constant 0 : index
      %get3A_60 = arith.constant 0 : index
      %get3A_61 = arith.constant 0 : index
      %get3A_62 = vector.load %arg11[%get3A_59, %get3A_60, %get3A_61] : memref<1x1024x1024xf32, #tpu.memory_space<vmem>>, vector<1x1024x1024xf32>
      %get3A_63 = vector.shape_cast %get3A_62 : vector<1x1024x1024xf32> to vector<1024x1024xf32>
      %dot_general3A_64 = arith.constant dense<0.000000e+00> : vector<256x1024xf32>
      %dot_general3A_65 = tpu.matmul %mul3A_58, %get3A_63, %dot_general3A_64 {dimension_numbers = #tpu.dot_dimension_numbers<[1], [0], [0], [1], [0, 0, 1, 1], [], []>, transpose_lhs_hint = false} : vector<256x1024xf32>, vector<1024x1024xf32>, vector<256x1024xf32> -> vector<256x1024xf32>
      %eq3A_66 = arith.constant 0 : i32
      %eq3A_67 = arith.cmpi eq, %arg1, %eq3A_66 : i32
      %convert_element_type3A_68 = arith.extui %eq3A_67 : i1 to i32
      %cond3A_69 = arith.constant 0 : i32
      %cond3A_70 = arith.cmpi ne, %convert_element_type3A_68, %cond3A_69 : i32
      scf.if %cond3A_70 {
        %get3A_80 = arith.constant 0 : index
        %get3A_81 = arith.constant 0 : index
        %get3A_82 = arith.constant 0 : index
        %get3A_83 = vector.load %arg12[%get3A_80, %get3A_81, %get3A_82] : memref<1x1x1024xf32, #tpu.memory_space<vmem>>, vector<1x1x1024xf32>
        %get3A_84 = vector.shape_cast %get3A_83 : vector<1x1x1024xf32> to vector<1024xf32>
        %broadcast_in_dim3A_85 = vector.shape_cast %get3A_84 : vector<1024xf32> to vector<1x1024xf32>
        %add3A_86 = vector.broadcast %broadcast_in_dim3A_85 : vector<1x1024xf32> to vector<256x1024xf32>
        %add3A_87 = arith.addf %dot_general3A_65, %add3A_86 : vector<256x1024xf32>
        %swap3A = arith.constant 0 : index
        %swap3A_88 = arith.constant 0 : index
        %swap3A_89 = vector.load %arg13[%swap3A, %swap3A_88] : memref<512x1024xf32, #tpu.memory_space<vmem>>, vector<256x1024xf32>
        tpu.vector_store %arg13[%swap3A, %swap3A_88], %add3A_87 {strides = array<i32>} : memref<512x1024xf32, #tpu.memory_space<vmem>>, vector<256x1024xf32>,
      } else {
      }
      %ne3A = arith.constant 0 : i32
      %ne3A_71 = arith.cmpi ne, %arg1, %ne3A : i32
      %convert_element_type3A_72 = arith.extui %ne3A_71 : i1 to i32
      %cond3A_73 = arith.constant 0 : i32
      %cond3A_74 = arith.cmpi ne, %convert_element_type3A_72, %cond3A_73 : i32
      scf.if %cond3A_74 {
        %get3A_80 = arith.constant 0 : index
        %get3A_81 = arith.constant 0 : index
        %get3A_82 = vector.load %arg13[%get3A_80, %get3A_81] : memref<512x1024xf32, #tpu.memory_space<vmem>>, vector<256x1024xf32>
        %add3A_83 = arith.addf %get3A_82, %dot_general3A_65 : vector<256x1024xf32>
        %swap3A = arith.constant 0 : index
        %swap3A_84 = arith.constant 0 : index
        %swap3A_85 = vector.load %arg13[%swap3A, %swap3A_84] : memref<512x1024xf32, #tpu.memory_space<vmem>>, vector<256x1024xf32>
        tpu.vector_store %arg13[%swap3A, %swap3A_84], %add3A_83 {strides = array<i32>} : memref<512x1024xf32, #tpu.memory_space<vmem>>, vector<256x1024xf32>,
      } else {
      }
      %eq3A_75 = arith.constant 1 : i32
      %eq3A_76 = arith.cmpi eq, %arg1, %eq3A_75 : i32
      %convert_element_type3A_77 = arith.extui %eq3A_76 : i1 to i32
      %cond3A_78 = arith.constant 0 : i32
      %cond3A_79 = arith.cmpi ne, %convert_element_type3A_77, %cond3A_78 : i32
      scf.if %cond3A_79 {
        %get3A_80 = arith.constant 0 : index
        %get3A_81 = arith.constant 0 : index
        %get3A_82 = vector.load %arg13[%get3A_80, %get3A_81] : memref<512x1024xf32, #tpu.memory_space<vmem>>, vector<256x1024xf32>
        %mul3A_83 = arith.constant 2 : i32
        %mul3A_84 = arith.muli %mul3A_83, %arg0 : i32
        %add3A_85 = arith.constant 0 : i32
        %add3A_86 = arith.addi %mul3A_84, %add3A_85 : i32
        %get3A_87 = arith.index_cast %add3A_86 : i32 to index
        %get3A_88 = memref.load %arg3[%get3A_87] : memref<16xi32, #tpu.memory_space<smem>>
        %get3A_89 = arith.index_cast %get3A_88 : i32 to index
        %get3A_90 = memref.load %arg6[%get3A_89] : memref<8xf32, #tpu.memory_space<smem>>
        %mul3A_91 = vector.broadcast %get3A_90 : f32 to vector<256x1024xf32>
        %mul3A_92 = arith.mulf %get3A_82, %mul3A_91 : vector<256x1024xf32>
        %swap3A = arith.constant 0 : index
        %swap3A_93 = arith.constant 0 : index
        %swap3A_94 = vector.load %arg13[%swap3A, %swap3A_93] : memref<512x1024xf32, #tpu.memory_space<vmem>>, vector<256x1024xf32>
        tpu.vector_store %arg13[%swap3A, %swap3A_93], %mul3A_92 {strides = array<i32>} : memref<512x1024xf32, #tpu.memory_space<vmem>>, vector<256x1024xf32>,
      } else {
      }
    } else {
    }
    %eq3A_7 = arith.constant 1 : i32
    %eq3A_8 = arith.cmpi eq, %arg2, %eq3A_7 : i32
    %mul3A_9 = arith.constant 2 : i32
    %mul3A_10 = arith.muli %mul3A_9, %arg0 : i32
    %add3A_11 = arith.constant 1 : i32
    %add3A_12 = arith.addi %mul3A_10, %add3A_11 : i32
    %get3A_13 = arith.index_cast %add3A_12 : i32 to index
    %get3A_14 = memref.load %arg4[%get3A_13] : memref<16xi32, #tpu.memory_space<smem>>
    %eq3A_15 = arith.constant 1 : i32
    %eq3A_16 = arith.cmpi eq, %get3A_14, %eq3A_15 : i32
    %and3A_17 = arith.andi %eq3A_8, %eq3A_16 : i1
    %convert_element_type3A_18 = arith.extui %and3A_17 : i1 to i32
    %cond3A_19 = arith.constant 0 : i32
    %cond3A_20 = arith.cmpi ne, %convert_element_type3A_18, %cond3A_19 : i32
    scf.if %cond3A_20 {
      %get3A_21 = arith.constant 256 : index
      %get3A_22 = arith.constant 0 : index
      %get3A_23 = vector.load %arg5[%get3A_21, %get3A_22] : memref<512x1024xf32, #tpu.memory_space<vmem>>, vector<256x1024xf32>
      %get3A_24 = arith.constant 0 : index
      %get3A_25 = arith.constant 0 : index
      %get3A_26 = arith.constant 0 : index
      %get3A_27 = vector.load %arg7[%get3A_24, %get3A_25, %get3A_26] : memref<1x1024x1024xf32, #tpu.memory_space<vmem>>, vector<1x1024x1024xf32>
      %get3A_28 = vector.shape_cast %get3A_27 : vector<1x1024x1024xf32> to vector<1024x1024xf32>
      %dot_general3A = arith.constant dense<0.000000e+00> : vector<256x1024xf32>
      %dot_general3A_29 = tpu.matmul %get3A_23, %get3A_28, %dot_general3A {dimension_numbers = #tpu.dot_dimension_numbers<[1], [0], [0], [1], [0, 0, 1, 1], [], []>, transpose_lhs_hint = false} : vector<256x1024xf32>, vector<1024x1024xf32>, vector<256x1024xf32> -> vector<256x1024xf32>
      %get3A_30 = arith.constant 0 : index
      %get3A_31 = arith.constant 0 : index
      %get3A_32 = arith.constant 0 : index
      %get3A_33 = vector.load %arg8[%get3A_30, %get3A_31, %get3A_32] : memref<1x1x1024xf32, #tpu.memory_space<vmem>>, vector<1x1x1024xf32>
      %get3A_34 = vector.shape_cast %get3A_33 : vector<1x1x1024xf32> to vector<1024xf32>
      %broadcast_in_dim3A = vector.shape_cast %get3A_34 : vector<1024xf32> to vector<1x1024xf32>
      %add3A_35 = vector.broadcast %broadcast_in_dim3A : vector<1x1024xf32> to vector<256x1024xf32>
      %add3A_36 = arith.addf %dot_general3A_29, %add3A_35 : vector<256x1024xf32>
      %get3A_37 = arith.constant 0 : index
      %get3A_38 = arith.constant 0 : index
      %get3A_39 = arith.constant 0 : index
      %get3A_40 = vector.load %arg9[%get3A_37, %get3A_38, %get3A_39] : memref<1x1024x1024xf32, #tpu.memory_space<vmem>>, vector<1x1024x1024xf32>
      %get3A_41 = vector.shape_cast %get3A_40 : vector<1x1024x1024xf32> to vector<1024x1024xf32>
      %dot_general3A_42 = arith.constant dense<0.000000e+00> : vector<256x1024xf32>
      %dot_general3A_43 = tpu.matmul %get3A_23, %get3A_41, %dot_general3A_42 {dimension_numbers = #tpu.dot_dimension_numbers<[1], [0], [0], [1], [0, 0, 1, 1], [], []>, transpose_lhs_hint = false} : vector<256x1024xf32>, vector<1024x1024xf32>, vector<256x1024xf32> -> vector<256x1024xf32>
      %get3A_44 = arith.constant 0 : index
      %get3A_45 = arith.constant 0 : index
      %get3A_46 = arith.constant 0 : index
      %get3A_47 = vector.load %arg10[%get3A_44, %get3A_45, %get3A_46] : memref<1x1x1024xf32, #tpu.memory_space<vmem>>, vector<1x1x1024xf32>
      %get3A_48 = vector.shape_cast %get3A_47 : vector<1x1x1024xf32> to vector<1024xf32>
      %broadcast_in_dim3A_49 = vector.shape_cast %get3A_48 : vector<1024xf32> to vector<1x1024xf32>
      %add3A_50 = vector.broadcast %broadcast_in_dim3A_49 : vector<1x1024xf32> to vector<256x1024xf32>
      %add3A_51 = arith.addf %dot_general3A_43, %add3A_50 : vector<256x1024xf32>
      %logistic3A = arith.negf %add3A_36 : vector<256x1024xf32>
      %logistic3A_52 = math.exp %logistic3A : vector<256x1024xf32>
      %logistic3A_53 = arith.constant 1.000000e+00 : f32
      %logistic3A_54 = vector.broadcast %logistic3A_53 : f32 to vector<256x1024xf32>
      %logistic3A_55 = arith.addf %logistic3A_54, %logistic3A_52 : vector<256x1024xf32>
      %logistic3A_56 = arith.divf %logistic3A_54, %logistic3A_55 : vector<256x1024xf32>
      %mul3A_57 = arith.mulf %add3A_36, %logistic3A_56 : vector<256x1024xf32>
      %mul3A_58 = arith.mulf %mul3A_57, %add3A_51 : vector<256x1024xf32>
      %get3A_59 = arith.constant 0 : index
      %get3A_60 = arith.constant 0 : index
      %get3A_61 = arith.constant 0 : index
      %get3A_62 = vector.load %arg11[%get3A_59, %get3A_60, %get3A_61] : memref<1x1024x1024xf32, #tpu.memory_space<vmem>>, vector<1x1024x1024xf32>
      %get3A_63 = vector.shape_cast %get3A_62 : vector<1x1024x1024xf32> to vector<1024x1024xf32>
      %dot_general3A_64 = arith.constant dense<0.000000e+00> : vector<256x1024xf32>
      %dot_general3A_65 = tpu.matmul %mul3A_58, %get3A_63, %dot_general3A_64 {dimension_numbers = #tpu.dot_dimension_numbers<[1], [0], [0], [1], [0, 0, 1, 1], [], []>, transpose_lhs_hint = false} : vector<256x1024xf32>, vector<1024x1024xf32>, vector<256x1024xf32> -> vector<256x1024xf32>
      %eq3A_66 = arith.constant 0 : i32
      %eq3A_67 = arith.cmpi eq, %arg1, %eq3A_66 : i32
      %convert_element_type3A_68 = arith.extui %eq3A_67 : i1 to i32
      %cond3A_69 = arith.constant 0 : i32
      %cond3A_70 = arith.cmpi ne, %convert_element_type3A_68, %cond3A_69 : i32
      scf.if %cond3A_70 {
        %get3A_80 = arith.constant 0 : index
        %get3A_81 = arith.constant 0 : index
        %get3A_82 = arith.constant 0 : index
        %get3A_83 = vector.load %arg12[%get3A_80, %get3A_81, %get3A_82] : memref<1x1x1024xf32, #tpu.memory_space<vmem>>, vector<1x1x1024xf32>
        %get3A_84 = vector.shape_cast %get3A_83 : vector<1x1x1024xf32> to vector<1024xf32>
        %broadcast_in_dim3A_85 = vector.shape_cast %get3A_84 : vector<1024xf32> to vector<1x1024xf32>
        %add3A_86 = vector.broadcast %broadcast_in_dim3A_85 : vector<1x1024xf32> to vector<256x1024xf32>
        %add3A_87 = arith.addf %dot_general3A_65, %add3A_86 : vector<256x1024xf32>
        %swap3A = arith.constant 256 : index
        %swap3A_88 = arith.constant 0 : index
        %swap3A_89 = vector.load %arg13[%swap3A, %swap3A_88] : memref<512x1024xf32, #tpu.memory_space<vmem>>, vector<256x1024xf32>
        tpu.vector_store %arg13[%swap3A, %swap3A_88], %add3A_87 {strides = array<i32>} : memref<512x1024xf32, #tpu.memory_space<vmem>>, vector<256x1024xf32>,
      } else {
      }
      %ne3A = arith.constant 0 : i32
      %ne3A_71 = arith.cmpi ne, %arg1, %ne3A : i32
      %convert_element_type3A_72 = arith.extui %ne3A_71 : i1 to i32
      %cond3A_73 = arith.constant 0 : i32
      %cond3A_74 = arith.cmpi ne, %convert_element_type3A_72, %cond3A_73 : i32
      scf.if %cond3A_74 {
        %get3A_80 = arith.constant 256 : index
        %get3A_81 = arith.constant 0 : index
        %get3A_82 = vector.load %arg13[%get3A_80, %get3A_81] : memref<512x1024xf32, #tpu.memory_space<vmem>>, vector<256x1024xf32>
        %add3A_83 = arith.addf %get3A_82, %dot_general3A_65 : vector<256x1024xf32>
        %swap3A = arith.constant 256 : index
        %swap3A_84 = arith.constant 0 : index
        %swap3A_85 = vector.load %arg13[%swap3A, %swap3A_84] : memref<512x1024xf32, #tpu.memory_space<vmem>>, vector<256x1024xf32>
        tpu.vector_store %arg13[%swap3A, %swap3A_84], %add3A_83 {strides = array<i32>} : memref<512x1024xf32, #tpu.memory_space<vmem>>, vector<256x1024xf32>,
      } else {
      }
      %eq3A_75 = arith.constant 1 : i32
      %eq3A_76 = arith.cmpi eq, %arg1, %eq3A_75 : i32
      %convert_element_type3A_77 = arith.extui %eq3A_76 : i1 to i32
      %cond3A_78 = arith.constant 0 : i32
      %cond3A_79 = arith.cmpi ne, %convert_element_type3A_77, %cond3A_78 : i32
      scf.if %cond3A_79 {
        %get3A_80 = arith.constant 256 : index
        %get3A_81 = arith.constant 0 : index
        %get3A_82 = vector.load %arg13[%get3A_80, %get3A_81] : memref<512x1024xf32, #tpu.memory_space<vmem>>, vector<256x1024xf32>
        %mul3A_83 = arith.constant 2 : i32
        %mul3A_84 = arith.muli %mul3A_83, %arg0 : i32
        %add3A_85 = arith.constant 1 : i32
        %add3A_86 = arith.addi %mul3A_84, %add3A_85 : i32
        %get3A_87 = arith.index_cast %add3A_86 : i32 to index
        %get3A_88 = memref.load %arg3[%get3A_87] : memref<16xi32, #tpu.memory_space<smem>>
        %get3A_89 = arith.index_cast %get3A_88 : i32 to index
        %get3A_90 = memref.load %arg6[%get3A_89] : memref<8xf32, #tpu.memory_space<smem>>
        %mul3A_91 = vector.broadcast %get3A_90 : f32 to vector<256x1024xf32>
        %mul3A_92 = arith.mulf %get3A_82, %mul3A_91 : vector<256x1024xf32>
        %swap3A = arith.constant 256 : index
        %swap3A_93 = arith.constant 0 : index
        %swap3A_94 = vector.load %arg13[%swap3A, %swap3A_93] : memref<512x1024xf32, #tpu.memory_space<vmem>>, vector<256x1024xf32>
        tpu.vector_store %arg13[%swap3A, %swap3A_93], %mul3A_92 {strides = array<i32>} : memref<512x1024xf32, #tpu.memory_space<vmem>>, vector<256x1024xf32>,
      } else {
      }
    } else {
    }
    return
  }
  func.func @transform_0(%arg0: i32, %arg1: i32, %arg2: i32, %arg3: memref<16xi32, #tpu.memory_space<smem>>, %arg4: memref<16xi32, #tpu.memory_space<smem>>) -> (i32, i32) {
    %c0_i32 = arith.constant 0 : i32
    %c0_i32_0 = arith.constant 0 : i32
    return %arg0, %c0_i32 : i32, i32
  }
  func.func @transform_1(%arg0: i32, %arg1: i32, %arg2: i32, %arg3: memref<16xi32, #tpu.memory_space<smem>>, %arg4: memref<16xi32, #tpu.memory_space<smem>>) -> i32 {
    %c0_i32 = arith.constant 0 : i32
    %c0_i32_0 = arith.constant 0 : i32
    return %c0_i32 : i32
  }
  func.func @transform_2(%arg0: i32, %arg1: i32, %arg2: i32, %arg3: memref<16xi32, #tpu.memory_space<smem>>, %arg4: memref<16xi32, #tpu.memory_space<smem>>) -> (i32, i32, i32) {
    %mul3A = arith.constant 2 : i32
    %mul3A_0 = arith.muli %mul3A, %arg0 : i32
    %add3A = arith.addi %mul3A_0, %arg2 : i32
    %get3A = arith.index_cast %add3A : i32 to index
    %get3A_1 = memref.load %arg3[%get3A] : memref<16xi32, #tpu.memory_space<smem>>
    %c0_i32 = arith.constant 0 : i32
    %c0_i32_2 = arith.constant 0 : i32
    return %get3A_1, %c0_i32, %arg1 : i32, i32, i32
  }
  func.func @transform_3(%arg0: i32, %arg1: i32, %arg2: i32, %arg3: memref<16xi32, #tpu.memory_space<smem>>, %arg4: memref<16xi32, #tpu.memory_space<smem>>) -> (i32, i32, i32) {
    %mul3A = arith.constant 2 : i32
    %mul3A_0 = arith.muli %mul3A, %arg0 : i32
    %add3A = arith.addi %mul3A_0, %arg2 : i32
    %get3A = arith.index_cast %add3A : i32 to index
    %get3A_1 = memref.load %arg3[%get3A] : memref<16xi32, #tpu.memory_space<smem>>
    %c0_i32 = arith.constant 0 : i32
    %c0_i32_2 = arith.constant 0 : i32
    return %get3A_1, %c0_i32, %arg1 : i32, i32, i32
  }
  func.func @transform_4(%arg0: i32, %arg1: i32, %arg2: i32, %arg3: memref<16xi32, #tpu.memory_space<smem>>, %arg4: memref<16xi32, #tpu.memory_space<smem>>) -> (i32, i32, i32) {
    %mul3A = arith.constant 2 : i32
    %mul3A_0 = arith.muli %mul3A, %arg0 : i32
    %add3A = arith.addi %mul3A_0, %arg2 : i32
    %get3A = arith.index_cast %add3A : i32 to index
    %get3A_1 = memref.load %arg3[%get3A] : memref<16xi32, #tpu.memory_space<smem>>
    %c0_i32 = arith.constant 0 : i32
    %c0_i32_2 = arith.constant 0 : i32
    return %get3A_1, %c0_i32, %arg1 : i32, i32, i32
  }
  func.func @transform_5(%arg0: i32, %arg1: i32, %arg2: i32, %arg3: memref<16xi32, #tpu.memory_space<smem>>, %arg4: memref<16xi32, #tpu.memory_space<smem>>) -> (i32, i32, i32) {
    %mul3A = arith.constant 2 : i32
    %mul3A_0 = arith.muli %mul3A, %arg0 : i32
    %add3A = arith.addi %mul3A_0, %arg2 : i32
    %get3A = arith.index_cast %add3A : i32 to index
    %get3A_1 = memref.load %arg3[%get3A] : memref<16xi32, #tpu.memory_space<smem>>
    %c0_i32 = arith.constant 0 : i32
    %c0_i32_2 = arith.constant 0 : i32
    return %get3A_1, %c0_i32, %arg1 : i32, i32, i32
  }
  func.func @transform_6(%arg0: i32, %arg1: i32, %arg2: i32, %arg3: memref<16xi32, #tpu.memory_space<smem>>, %arg4: memref<16xi32, #tpu.memory_space<smem>>) -> (i32, i32, i32) {
    %mul3A = arith.constant 2 : i32
    %mul3A_0 = arith.muli %mul3A, %arg0 : i32
    %add3A = arith.addi %mul3A_0, %arg2 : i32
    %get3A = arith.index_cast %add3A : i32 to index
    %get3A_1 = memref.load %arg3[%get3A] : memref<16xi32, #tpu.memory_space<smem>>
    %c0_i32 = arith.constant 0 : i32
    %c0_i32_2 = arith.constant 0 : i32
    return %get3A_1, %arg1, %c0_i32 : i32, i32, i32
  }
  func.func @transform_7(%arg0: i32, %arg1: i32, %arg2: i32, %arg3: memref<16xi32, #tpu.memory_space<smem>>, %arg4: memref<16xi32, #tpu.memory_space<smem>>) -> (i32, i32, i32) {
    %mul3A = arith.constant 2 : i32
    %mul3A_0 = arith.muli %mul3A, %arg0 : i32
    %add3A = arith.addi %mul3A_0, %arg2 : i32
    %get3A = arith.index_cast %add3A : i32 to index
    %get3A_1 = memref.load %arg3[%get3A] : memref<16xi32, #tpu.memory_space<smem>>
    %c0_i32 = arith.constant 0 : i32
    %c0_i32_2 = arith.constant 0 : i32
    %c0_i32_3 = arith.constant 0 : i32
    return %get3A_1, %c0_i32, %c0_i32_2 : i32, i32, i32
  }
  func.func @transform_8(%arg0: i32, %arg1: i32, %arg2: i32, %arg3: memref<16xi32, #tpu.memory_space<smem>>, %arg4: memref<16xi32, #tpu.memory_space<smem>>) -> (i32, i32) {
    %c0_i32 = arith.constant 0 : i32
    %c0_i32_0 = arith.constant 0 : i32
    return %arg0, %c0_i32 : i32, i32
  }
}

module attributes {stable_mosaic.version = 14 : i64} {
  func.func @_route_body(%arg0: i32, %arg1: memref<2048x768xf32, #tpu.memory_space<vmem>>, %arg2: memref<8x768xf32, #tpu.memory_space<vmem>>, %arg3: memref<2048xi32, #tpu.memory_space<vmem>>) attributes {dimension_semantics = [#tpu.dimension_semantics<arbitrary>], iteration_bounds = array<i64: 1>, scalar_prefetch = 0 : i64, scratch_operands = 0 : i64, tpu.core_type = #tpu.core_type<tc>, window_params = [{pipeline_mode = #tpu.pipeline_mode<synchronous>, transform_indices = @transform_0, window_bounds = array<i64: 2048, 768>}, {pipeline_mode = #tpu.pipeline_mode<synchronous>, transform_indices = @transform_1, window_bounds = array<i64: 8, 768>}, {pipeline_mode = #tpu.pipeline_mode<synchronous>, transform_indices = @transform_2, window_bounds = array<i64: 2048>}]} {
    %get3A = arith.constant 0 : index
    %get3A_0 = arith.constant 0 : index
    %get3A_1 = vector.load %arg2[%get3A, %get3A_0] : memref<8x768xf32, #tpu.memory_space<vmem>>, vector<8x768xf32>
    %mul3A = arith.mulf %get3A_1, %get3A_1 : vector<8x768xf32>
    %reduce_sum3A = arith.constant dense<0.000000e+00> : vector<8xf32>
    %reduce_sum3A_2 = vector.multi_reduction <add>, %mul3A, %reduce_sum3A [1] : vector<8x768xf32> to vector<8xf32>
    %broadcast_in_dim3A = vector.shape_cast %reduce_sum3A_2 : vector<8xf32> to vector<8x1xf32>
    %sqrt3A = math.sqrt %broadcast_in_dim3A : vector<8x1xf32>
    %max3A = arith.constant 9.99999996E-13 : f32
    %max3A_3 = vector.broadcast %max3A : f32 to vector<8x1xf32>
    %max3A_4 = arith.maximumf %sqrt3A, %max3A_3 : vector<8x1xf32>
    %div3A = vector.broadcast %max3A_4 : vector<8x1xf32> to vector<8x768xf32>
    %div3A_5 = arith.divf %get3A_1, %div3A : vector<8x768xf32>
    %get3A_6 = arith.constant 0 : index
    %get3A_7 = arith.constant 0 : index
    %get3A_8 = vector.load %arg1[%get3A_6, %get3A_7] : memref<2048x768xf32, #tpu.memory_space<vmem>>, vector<2048x768xf32>
    %mul3A_9 = arith.mulf %get3A_8, %get3A_8 : vector<2048x768xf32>
    %reduce_sum3A_10 = arith.constant dense<0.000000e+00> : vector<2048xf32>
    %reduce_sum3A_11 = vector.multi_reduction <add>, %mul3A_9, %reduce_sum3A_10 [1] : vector<2048x768xf32> to vector<2048xf32>
    %broadcast_in_dim3A_12 = vector.shape_cast %reduce_sum3A_11 : vector<2048xf32> to vector<2048x1xf32>
    %sqrt3A_13 = math.sqrt %broadcast_in_dim3A_12 : vector<2048x1xf32>
    %max3A_14 = arith.constant 9.99999996E-13 : f32
    %max3A_15 = vector.broadcast %max3A_14 : f32 to vector<2048x1xf32>
    %max3A_16 = arith.maximumf %sqrt3A_13, %max3A_15 : vector<2048x1xf32>
    %div3A_17 = vector.broadcast %max3A_16 : vector<2048x1xf32> to vector<2048x768xf32>
    %div3A_18 = arith.divf %get3A_8, %div3A_17 : vector<2048x768xf32>
    %dot_general3A = arith.constant dense<0.000000e+00> : vector<2048x8xf32>
    %dot_general3A_19 = tpu.matmul %div3A_18, %div3A_5, %dot_general3A {dimension_numbers = #tpu.dot_dimension_numbers<[1], [1], [0], [0], [0, 0, 1, 0], [], []>, transpose_lhs_hint = false} : vector<2048x768xf32>, vector<8x768xf32>, vector<2048x8xf32> -> vector<2048x8xf32>
    %argmax3A = tpu.reduce_index %dot_general3A_19 {axis = 1 : i32, kind = #tpu.reduction_kind<arg_max>} : vector<2048x8xf32> -> vector<2048xi32>
    %swap3A = arith.constant 0 : index
    %swap3A_20 = vector.load %arg3[%swap3A] : memref<2048xi32, #tpu.memory_space<vmem>>, vector<2048xi32>
    tpu.vector_store %arg3[%swap3A], %argmax3A {strides = array<i32>} : memref<2048xi32, #tpu.memory_space<vmem>>, vector<2048xi32>,
    return
  }
  func.func @transform_0(%arg0: i32) -> (i32, i32) {
    %c0_i32 = arith.constant 0 : i32
    %c0_i32_0 = arith.constant 0 : i32
    %c0_i32_1 = arith.constant 0 : i32
    return %c0_i32, %c0_i32_0 : i32, i32
  }
  func.func @transform_1(%arg0: i32) -> (i32, i32) {
    %c0_i32 = arith.constant 0 : i32
    %c0_i32_0 = arith.constant 0 : i32
    %c0_i32_1 = arith.constant 0 : i32
    return %c0_i32, %c0_i32_0 : i32, i32
  }
  func.func @transform_2(%arg0: i32) -> i32 {
    %c0_i32 = arith.constant 0 : i32
    %c0_i32_0 = arith.constant 0 : i32
    return %c0_i32 : i32
  }
}

module attributes {stable_mosaic.version = 14 : i64} {
  func.func @_shared_body(%arg0: i32, %arg1: i32, %arg2: memref<256x1024xbf16, #tpu.memory_space<vmem>>, %arg3: memref<256x1024xf32, #tpu.memory_space<vmem>>, %arg4: memref<1024x1024xbf16, #tpu.memory_space<vmem>>, %arg5: memref<1x1024xf32, #tpu.memory_space<vmem>>, %arg6: memref<1024x1024xbf16, #tpu.memory_space<vmem>>, %arg7: memref<1x1024xf32, #tpu.memory_space<vmem>>, %arg8: memref<256x1024xf32, #tpu.memory_space<vmem>>) attributes {dimension_semantics = [#tpu.dimension_semantics<arbitrary>, #tpu.dimension_semantics<arbitrary>], iteration_bounds = array<i64: 8, 4>, scalar_prefetch = 0 : i64, scratch_operands = 0 : i64, tpu.core_type = #tpu.core_type<tc>, window_params = [{transform_indices = @transform_0, window_bounds = array<i64: 256, 1024>}, {transform_indices = @transform_1, window_bounds = array<i64: 256, 1024>}, {transform_indices = @transform_2, window_bounds = array<i64: 1024, 1024>}, {transform_indices = @transform_3, window_bounds = array<i64: 1, 1024>}, {transform_indices = @transform_4, window_bounds = array<i64: 1024, 1024>}, {pipeline_mode = #tpu.pipeline_mode<synchronous>, transform_indices = @transform_5, window_bounds = array<i64: 1, 1024>}, {transform_indices = @transform_6, window_bounds = array<i64: 256, 1024>}]} {
    %eq3A = arith.constant 0 : i32
    %eq3A_0 = arith.cmpi eq, %arg1, %eq3A : i32
    %convert_element_type3A = arith.extui %eq3A_0 : i1 to i32
    %cond3A = arith.constant 0 : i32
    %cond3A_1 = arith.cmpi ne, %convert_element_type3A, %cond3A : i32
    scf.if %cond3A_1 {
      %get3A_29 = arith.constant 0 : index
      %get3A_30 = arith.constant 0 : index
      %get3A_31 = vector.load %arg3[%get3A_29, %get3A_30] : memref<256x1024xf32, #tpu.memory_space<vmem>>, vector<256x1024xf32>
      %get3A_32 = arith.constant 0 : index
      %get3A_33 = arith.constant 0 : index
      %get3A_34 = vector.load %arg7[%get3A_32, %get3A_33] : memref<1x1024xf32, #tpu.memory_space<vmem>>, vector<1x1024xf32>
      %add3A_35 = vector.broadcast %get3A_34 : vector<1x1024xf32> to vector<256x1024xf32>
      %add3A_36 = arith.addf %get3A_31, %add3A_35 : vector<256x1024xf32>
      %swap3A_37 = arith.constant 0 : index
      %swap3A_38 = arith.constant 0 : index
      %swap3A_39 = vector.load %arg8[%swap3A_37, %swap3A_38] : memref<256x1024xf32, #tpu.memory_space<vmem>>, vector<256x1024xf32>
      tpu.vector_store %arg8[%swap3A_37, %swap3A_38], %add3A_36 {strides = array<i32>} : memref<256x1024xf32, #tpu.memory_space<vmem>>, vector<256x1024xf32>,
    } else {
    }
    %get3A = arith.constant 0 : index
    %get3A_2 = arith.constant 0 : index
    %get3A_3 = vector.load %arg2[%get3A, %get3A_2] : memref<256x1024xbf16, #tpu.memory_space<vmem>>, vector<256x1024xbf16>
    %get3A_4 = arith.constant 0 : index
    %get3A_5 = arith.constant 0 : index
    %get3A_6 = vector.load %arg4[%get3A_4, %get3A_5] : memref<1024x1024xbf16, #tpu.memory_space<vmem>>, vector<1024x1024xbf16>
    %dot_general3A = arith.constant dense<0.000000e+00> : vector<256x1024xf32>
    %dot_general3A_7 = tpu.matmul %get3A_3, %get3A_6, %dot_general3A {dimension_numbers = #tpu.dot_dimension_numbers<[1], [0], [0], [1], [0, 0, 1, 1], [], []>, transpose_lhs_hint = false} : vector<256x1024xbf16>, vector<1024x1024xbf16>, vector<256x1024xf32> -> vector<256x1024xf32>
    %get3A_8 = arith.constant 0 : index
    %get3A_9 = arith.constant 0 : index
    %get3A_10 = vector.load %arg5[%get3A_8, %get3A_9] : memref<1x1024xf32, #tpu.memory_space<vmem>>, vector<1x1024xf32>
    %add3A = vector.broadcast %get3A_10 : vector<1x1024xf32> to vector<256x1024xf32>
    %add3A_11 = arith.addf %dot_general3A_7, %add3A : vector<256x1024xf32>
    %logistic3A = arith.negf %add3A_11 : vector<256x1024xf32>
    %logistic3A_12 = math.exp %logistic3A : vector<256x1024xf32>
    %logistic3A_13 = arith.constant 1.000000e+00 : f32
    %logistic3A_14 = vector.broadcast %logistic3A_13 : f32 to vector<256x1024xf32>
    %logistic3A_15 = arith.addf %logistic3A_14, %logistic3A_12 : vector<256x1024xf32>
    %logistic3A_16 = arith.divf %logistic3A_14, %logistic3A_15 : vector<256x1024xf32>
    %mul3A = arith.mulf %add3A_11, %logistic3A_16 : vector<256x1024xf32>
    %convert_element_type3A_17 = arith.truncf %mul3A : vector<256x1024xf32> to vector<256x1024xbf16>
    %get3A_18 = arith.constant 0 : index
    %get3A_19 = arith.constant 0 : index
    %get3A_20 = vector.load %arg8[%get3A_18, %get3A_19] : memref<256x1024xf32, #tpu.memory_space<vmem>>, vector<256x1024xf32>
    %get3A_21 = arith.constant 0 : index
    %get3A_22 = arith.constant 0 : index
    %get3A_23 = vector.load %arg6[%get3A_21, %get3A_22] : memref<1024x1024xbf16, #tpu.memory_space<vmem>>, vector<1024x1024xbf16>
    %dot_general3A_24 = arith.constant dense<0.000000e+00> : vector<256x1024xf32>
    %dot_general3A_25 = tpu.matmul %convert_element_type3A_17, %get3A_23, %dot_general3A_24 {dimension_numbers = #tpu.dot_dimension_numbers<[1], [0], [0], [1], [0, 0, 1, 1], [], []>, transpose_lhs_hint = false} : vector<256x1024xbf16>, vector<1024x1024xbf16>, vector<256x1024xf32> -> vector<256x1024xf32>
    %add3A_26 = arith.addf %get3A_20, %dot_general3A_25 : vector<256x1024xf32>
    %swap3A = arith.constant 0 : index
    %swap3A_27 = arith.constant 0 : index
    %swap3A_28 = vector.load %arg8[%swap3A, %swap3A_27] : memref<256x1024xf32, #tpu.memory_space<vmem>>, vector<256x1024xf32>
    tpu.vector_store %arg8[%swap3A, %swap3A_27], %add3A_26 {strides = array<i32>} : memref<256x1024xf32, #tpu.memory_space<vmem>>, vector<256x1024xf32>,
    return
  }
  func.func @transform_0(%arg0: i32, %arg1: i32) -> (i32, i32) {
    %c0_i32 = arith.constant 0 : i32
    %c0_i32_0 = arith.constant 0 : i32
    return %arg0, %c0_i32 : i32, i32
  }
  func.func @transform_1(%arg0: i32, %arg1: i32) -> (i32, i32) {
    %c0_i32 = arith.constant 0 : i32
    %c0_i32_0 = arith.constant 0 : i32
    return %arg0, %c0_i32 : i32, i32
  }
  func.func @transform_2(%arg0: i32, %arg1: i32) -> (i32, i32) {
    %c0_i32 = arith.constant 0 : i32
    %c0_i32_0 = arith.constant 0 : i32
    return %c0_i32, %arg1 : i32, i32
  }
  func.func @transform_3(%arg0: i32, %arg1: i32) -> (i32, i32) {
    %c0_i32 = arith.constant 0 : i32
    %c0_i32_0 = arith.constant 0 : i32
    return %c0_i32, %arg1 : i32, i32
  }
  func.func @transform_4(%arg0: i32, %arg1: i32) -> (i32, i32) {
    %c0_i32 = arith.constant 0 : i32
    %c0_i32_0 = arith.constant 0 : i32
    return %arg1, %c0_i32 : i32, i32
  }
  func.func @transform_5(%arg0: i32, %arg1: i32) -> (i32, i32) {
    %c0_i32 = arith.constant 0 : i32
    %c0_i32_0 = arith.constant 0 : i32
    %c0_i32_1 = arith.constant 0 : i32
    return %c0_i32, %c0_i32_0 : i32, i32
  }
  func.func @transform_6(%arg0: i32, %arg1: i32) -> (i32, i32) {
    %c0_i32 = arith.constant 0 : i32
    %c0_i32_0 = arith.constant 0 : i32
    return %arg0, %c0_i32 : i32, i32
  }
}

</mosaic_0001>

<sc_bundles>
// kernel: kernel.11.cloned.1.call-start
scs
__scs_entry_jumppad:
0x0: {  	(pc) =	sbr.rel $0x88, $3  }
0x1: {  	(tag) =	ssettag $0x0;
	lr =	simm.s32 $0x1  }
0x2: {  	[smem:$0x3F93] =	sst lr;
	_ =	strace $0xD0000000  }
0x3: {  	_ = 	snop  }
0x4: {  	_ = 	snop  }
0x5: {  	_ = 	snop  }
0x6: {  	_ = 	snop  }
0x7: {  	_ = 	snop  }
__scs_overlays_trampoline_lowered:
0x8: {  	[smem:$0x3FA2] =	sst s0  }
0x9: {  	[smem:$0x3FA3] =	sst s1  }
0xa: {  	[smem:$0x3FA4] =	sst s2  }
0xb: {  	[smem:$0x3FA5] =	sst s3  }
0xc: {  	[smem:$0x3FA6] =	sst s4  }
0xd: {  	[smem:$0x3FA7] =	sst s5  }
0xe: {  	[smem:$0x3FA8] =	sst s6  }
0xf: {  	[smem:$0x3FA9] =	sst s7  }
0x10: {  	[smem:$0x3FAA] =	sst s8  }
0x11: {  	[smem:$0x3FAB] =	sst s9;
	s0 =	simm.s32 @!p0 $0x0  }
0x12: {  	s1 =	sld [smem:$0x3F91];
	s0 =	simm.s32 @p0 $0x1  }
0x13: {  	[smem:$0x3FAC] =	sst s0;
	s0 =	simm.s32 @!p1 $0x0  }
0x14: {  	s2 =	sld [smem:$0x3F90];
	s0 =	simm.s32 @p1 $0x1  }
0x15: {  	[smem:$0x3FAD] =	sst s0;
	s0 =	simm.s32 @!p2 $0x0  }
0x16: {  	s3 =	sld [smem:$0x3FDB];
	s0 =	simm.s32 @p2 $0x1  }
0x17: {  	s4 =	simm.s32 $0x1BF5;
	[smem:$0x3FAF] =	sst s0  }
0x18: {  	s0 =	sld [smem:$0x3F92];
	_ =	swait.ge [sflag:s4], $0x0  }
0x19: {  	s7 =	sld [smem:$0x3F93]  }
0x1a: {  	s8 =	sadd.s32 $0xFFFFE003, lr  }
0x1b: {  	s9 =	sadd.s32 $0xFFFFFEF7, lr;
	s5 =	simm.s32 $0xFFFFFFFF;
	p2 =	slt.u32 s8, $0xFFFFF086  }
0x1c: {  	p1 =	slt.u32 s9, $0xF7A;
	s5 =	simm.s32 @!p2 $0x0  }
0x1d: {  	s5 =	simm.s32 @p1 $0x1;
	p0 =	seq.s32 s7, s2  }
0x1e: {  	s7 =	smul.u32 @!p0 $0xF7A, s2;
	p2 =	seq.s32 @!p0 s5, $0x0  }
0x1f: {  	s9 =	smul.u32 $0xF7A, s1;
	s8 =	simm.s32 @!p0 $0x1BF5;
	p2 =	por !p2, p0  }
0x20: {  	[sflag:s8] =	ssyncset.s32 @!p0 $0xFFFFF086;
	s6 =	sadd.s32 @!p0 s3, s7;
	s7 =	simm.s32 @!p0 $0x108  }
0x21: {  	s3 =	sadd.s32 s3, s9;
	s6 =	sadd.s32 @!p0 $0x88, s6;
	s7 =	simm.s32 @p2 $0x1082  }
0x22: {  	[simem:s7], [sflag:s8] =	dma.local @!p0 [hbm:s6], $0xF7A  }
0x23: {  	s9 =	sor.u32 $0xD0000000, s2;
	s6 =	simm.s32 $0x108;
	_ =	swait.ge @!p0 [sflag:s8], $0x0  }
0x24: {  	s3 =	sadd.s32 $0x88, s3;
	s6 =	simm.s32 @!p1 $0x1082;
	[sflag:s4] =	ssyncset.s32 $0xFFFFF086  }
0x25: {  	[simem:s6], [sflag:s4] =	dma.local [hbm:s3], $0xF7A  }
0x26: {  	[smem:$0x3F93] =	sst s1;
	(tag) =	ssettag s2;
	_ =	strace s9  }
0x27: {  	s1 =	sld [smem:$0x3FA3]  }
0x28: {  	s2 =	sld [smem:$0x3FA4]  }
0x29: {  	s4 =	sld [smem:$0x3FA6]  }
0x2a: {  	p0 =	seq.s32 s5, $0x0;
	s5 =	sld [smem:$0x3FA7]  }
0x2b: {  	s6 =	sld [smem:$0x3FA8]  }
0x2c: {  	s7 =	sld [smem:$0x3FA9]  }
0x2d: {  	s3 =	simm.s32 $0x108;
	s8 =	sld [smem:$0x3FAA]  }
0x2e: {  	s3 =	simm.s32 @!p0 $0x1082;
	s9 =	sld [smem:$0x3FAB]  }
0x2f: {  	lr =	sadd.s32 s0, s3;
	s0 =	sld [smem:$0x3FA2]  }
0x30: {  	s3 =	sld [smem:$0x3FA5]  }
0x31: {  	[smem:$0x3FAE] =	sst s10  }
0x32: {  	s10 =	sld [smem:$0x3FAC];
	_ =	sdelay $0x3  }
0x33: {  	p0 =	seq.s32 s10, $0x1;
	s10 =	sld [smem:$0x3FAE];
	_ =	sdelay $0x3  }
0x34: {  	[smem:$0x3FAE] =	sst s10  }
0x35: {  	s10 =	sld [smem:$0x3FAD];
	_ =	sdelay $0x3  }
0x36: {  	p1 =	seq.s32 s10, $0x1;
	s10 =	sld [smem:$0x3FAE];
	_ =	sdelay $0x3  }
0x37: {  	[smem:$0x3FAE] =	sst s10  }
0x38: {  	s10 =	sld [smem:$0x3FAF]  }
0x39: {  	_ = 	snop;
	(pc) =	sbr.ind lr, $3  }
0x3a: {  	_ = 	snop  }
0x3b: {  	_ = 	snop  }
0x3c: {  	p2 =	seq.s32 s10, $0x1;
	s10 =	sld [smem:$0x3FAE]  }
0x3d: {  	_ =	shalt  }
0x3e: {  	_ =	shalt  }
0x3f: {  	_ =	shalt  }
0x40: {  	_ =	shalt  }
0x41: {  	_ =	shalt  }
0x42: {  	_ =	shalt  }
0x43: {  	_ =	shalt  }
0x44: {  	_ =	shalt  }
0x45: {  	_ =	shalt  }
0x46: {  	_ =	shalt  }
0x47: {  	_ =	shalt  }
0x48: {  	_ =	shalt  }
0x49: {  	_ =	shalt  }
0x4a: {  	_ =	shalt  }
0x4b: {  	_ =	shalt  }
0x4c: {  	_ =	shalt  }
0x4d: {  	_ =	shalt  }
0x4e: {  	_ =	shalt  }
0x4f: {  	_ =	shalt  }
0x50: {  	_ =	shalt  }
0x51: {  	_ =	shalt  }
0x52: {  	_ =	shalt  }
0x53: {  	_ =	shalt  }
0x54: {  	_ =	shalt  }
0x55: {  	_ =	shalt  }
0x56: {  	_ =	shalt  }
0x57: {  	_ =	shalt  }
0x58: {  	_ =	shalt  }
0x59: {  	_ =	shalt  }
0x5a: {  	_ =	shalt  }
0x5b: {  	_ =	shalt  }
0x5c: {  	_ =	shalt  }
0x5d: {  	_ =	shalt  }
0x5e: {  	_ =	shalt  }
0x5f: {  	_ =	shalt  }
0x60: {  	_ =	shalt  }
0x61: {  	_ =	shalt  }
0x62: {  	_ =	shalt  }
0x63: {  	_ =	shalt  }
0x64: {  	_ =	shalt  }
0x65: {  	_ =	shalt  }
0x66: {  	_ =	shalt  }
0x67: {  	_ =	shalt  }
0x68: {  	_ =	shalt  }
0x69: {  	_ =	shalt  }
0x6a: {  	_ =	shalt  }
0x6b: {  	_ =	shalt  }
0x6c: {  	_ =	shalt  }
0x6d: {  	_ =	shalt  }
0x6e: {  	_ =	shalt  }
0x6f: {  	_ =	shalt  }
0x70: {  	_ =	shalt  }
0x71: {  	_ =	shalt  }
0x72: {  	_ =	shalt  }
0x73: {  	_ =	shalt  }
0x74: {  	_ =	shalt  }
0x75: {  	_ =	shalt  }
0x76: {  	_ =	shalt  }
0x77: {  	_ =	shalt  }
0x78: {  	_ =	shalt  }
0x79: {  	_ =	shalt  }
0x7a: {  	_ =	shalt  }
0x7b: {  	_ =	shalt  }
0x7c: {  	_ =	shalt  }
0x7d: {  	_ =	shalt  }
0x7e: {  	_ =	shalt  }
0x7f: {  	_ =	shalt  }
0x80: {  	_ =	shalt  }
0x81: {  	_ =	shalt  }
0x82: {  	_ =	shalt  }
0x83: {  	_ =	shalt  }
0x84: {  	_ =	shalt  }
0x85: {  	_ =	shalt  }
0x86: {  	_ =	shalt  }
0x87: {  	_ =	shalt  }
.Lfunc_end0:
.L_simem_size_0:
called_computation.1_lowered:
.L_overlay_start_0:
0x88: {  	s2 =	sld [smem:$0x3FD9]  }
0x89: {  	s3 =	sld [smem:$0x3FFE];
	_ =	sdelay $0x1  }
0x8a: {  	s1 =	srdreg.scid  }
0x8b: {  	s0 =	sand.u32 $0x1, s1  }
0x8c: {  	s17 =	sshll.u32 s0, $0xA;
	s2 =	sadd.s32 s3, s2  }
0x8d: {  	s2 =	sadd.s32 s2, s17  }
0x8e: {  	[smem:$0x3FBA] =	sst s2  }
0x8f: {  	_ = 	snop  }
0x90: {  	s2 =	sld [smem:$0x3FC9]  }
0x91: {  	s18 =	sld [smem:$0x3FD0];
	(tm) =	ssettm $0x1  }
0x92: {  	s4 =	sld [smem:$0x3FFB];
	_ =	sdelay $0x3  }
0x93: {  	_ =	strace s4  }
0x94: {  	s4 =	sld [smem:$0x3FFC];
	_ =	sdelay $0x3  }
0x95: {  	_ =	strace s4  }
0x96: {  	s4 =	sld [smem:$0x3FFD];
	_ =	sdelay $0x3  }
0x97: {  	_ =	strace s4  }
0x98: {  	_ =	strace $0x8FFFFFFF  }
0x99: {  	s19 =	sld [smem:$0x3FDB];
	_ =	sdelay $0x1  }
0x9a: {  	s5 =	simm.s32 $_scs_section_size  }
0x9b: {  	s6 =	simm.s32 $_size__tile_overlayer_lowered;
	s7 =	simm.s32 $_tile_overlayer_lowered  }
0x9c: {  	s22 =	simm.s32 $0x1BFF;
	s21 =	sshll.u32 s7, $0x1;
	s4 =	sadd.s32 s5, s19  }
0x9d: {  	s8 =	simm.s32 $0x0;
	s20 =	sshll.u32 s6, $0x1;
	s6 =	sadd.s32 s21, s4  }
0x9e: {  	[timem:s8], [sflag:s22] =	dma.local [hbm:s6], s20  }
0x9f: {  	_ =	swait.ge [sflag:s22], s20  }
0xa0: {  	s5 =	ssub.s32 $0x0, s20;
	[sflag:s22] =	ssyncset.done $0x0  }
0xa1: {  	[sflag:s22] =	ssyncadd.s32 s5;
	_ =	sdelay $0x1  }
0xa2: {  	s23 =	simm.s32 $0x1B8B  }
0xa3: {  	_ =	swait.ge [sflag:s23], $0x1  }
0xa4: {  	[sflag:s23] =	ssyncset.done $0x0  }
0xa5: {  	s25 =	simm.s32 $0x1B8E;
	s24 =	sld [smem:$0x3FFE];
	[sflag:s23] =	ssyncadd.s32 $0xFFFFFFFF  }
0xa6: {  	s26 =	simm.s32 $execute0_lowered;
	[smem:$0x3FD2] =	sst s25  }
0xa7: {  	s6 =	sshll.u32 s26, $0x1;
	_ =	strace $0x80000049;
	[dreg:$0x1] =	wrdreg $0xFFFFFFFF  }
0xa8: {  	s28 =	simm.s32 $_size_execute0_lowered;
	s4 =	sadd.s32 s4, s6;
	[dreg:$0x0] =	wrdreg $0x0  }
0xa9: {  	s6 =	sshll.u32 s28, $0x1;
	[dreg:$0x2] =	wrdreg s4  }
0xaa: {  	[dreg:$0x3] =	wrdreg s6  }
0xab: {  	[dreg:$0x4] =	wrdreg $0xC0  }
0xac: {  	_ =	task [dreg:s8], $0x5FFFF  }
0xad: {  	[dreg:$0x1] =	wrdreg $0xFFFFFFFF  }
0xae: {  	[dreg:$0x0] =	wrdreg $0x60  }
0xaf: {  	[dreg:$0x2] =	wrdreg s18  }
0xb0: {  	[dreg:$0x3] =	wrdreg s2  }
0xb1: {  	[dreg:$0x4] =	wrdreg s24  }
0xb2: {  	[dreg:$0x5] =	wrdreg $0x9  }
0xb3: {  	_ =	task.clear_ibuf [dreg:s8], $0x6FFFF;
	_ =	strace $0x90000049  }
0xb4: {  	s29 =	simm.s32 $0x9;
	_ =	strace $0x8000004B  }
0xb5: {  	_ =	swait.ge [sflag:s29], $0x1  }
0xb6: {  	[sflag:s29] =	ssyncadd.s32 $0xFFFFFFFF  }
0xb7: {  	_ =	strace $0x9000004B  }
0xb8: {  	_ =	sfence  }
0xb9: {  	s30 =	sld [smem:$0x0];
	_ =	sdelay $0x2  }
0xba: {  	s31 =	sshll.u32 s1, $0xD;
	s1 =	sshrl.u32 s1, $0x2  }
0xbb: {  	s3 =	sand.u32 $0x4000, s31;
	s1 =	sadd.s32 s1, s30  }
0xbc: {  	s0 =	sor.u32 s3, s0;
	s1 =	sshll.u32 s1, $0x11  }
0xbd: {  	s0 =	sor.u32 s1, s0  }
0xbe: {  	s0 =	sadd.s32 $0x8F2B, s0  }
0xbf: {  	[sflag:s0] =	ssyncadd.remote.s32 $0x1  }
0xc0: {  	_ =	sfence.sel $0xFFFF  }
0xc1: {  	[dreg:$0x0] =	wrdreg $0xFFFFFFFF;
	(pc) =	sbr.abs _section_cstart, $3  }
0xc2: {  	[dreg:$0x1] =	wrdreg $0xFFFFFFFF  }
0xc3: {  	_ =	task.clear_ibuf [dreg:s8], $0x2FFFF;
	_ =	strace $0x9FFFFFFF  }
0xc4: {  	(tm) =	ssettm $0x7FFFFFFF  }
0xc5: {  	_ =	shalt  }
tec
execute0_lowered:
.L_overlay_start_1:
0x0: {  	(tag) =	ssettag $0x1  }
0x1: {  	s0 =	rddreg [dreg:$0x0]  }
0x2: {  	s1 =	rddreg [dreg:$0x1]  }
0x3: {  	s2 =	rddreg [dreg:$0x2];
	s3 =	simm.s32 $0x0;
	s4 =	srdreg.scid  }
0x4: {  	s5 =	stileid.u32;
	s16 =	simm.s32 $0x3;
	s17 =	simm.s32 $0x100  }
0x5: {  	s21 =	simm.s32 $0x2100;
	s22 =	simm.s32 $0x2900;
	s23 =	simm.s32 $0x3100  }
0x6: {  	s28 =	simm.s32 $0x5100;
	s29 =	simm.s32 $0x5900;
	s30 =	simm.s32 $0x6100  }
0x7: {  	s31 =	simm.s32 $0x6900;
	s15 =	simm.s32 $0x8100;
	s18 =	simm.s32 $0x1  }
0x8: {  	s10 =	simm.s32 $0x2;
	s20 =	simm.s32 $0x1100;
	s12 =	simm.s32 $0x1900  }
0x9: {  	[smem:$0x7FF] =	sst s3;
	s6 =	sand.u32 $0x1, s4;
	s5 =	sshll.u32 s5, $0x8  }
0xa: {  	s4 =	sadd.s32 $0x3600, s2;
	s7 =	sshll.u32 s6, $0x7;
	s6 =	ssub.s32 $0x2, s6  }
0xb: {  	_ =	strace $0x8000004A;
	s5 =	sor.u32 s7, s5;
	s8 =	sshrl.u32 s6, $0x1  }
0xc: {  	s7 =	sshll.u32 s5, $0x7;
	s9 =	sshrl.u32 s5, $0x3;
	s6 =	ssub.s32 s6, s8  }
0xd: {  	s8 =	sadd.s32 $0x200, s1;
	s2 =	sadd.s32 s7, s2;
	s0 =	sadd.s32 s0, s9  }
0xe: {  	s7 =	sadd.s32 $0x100, s1;
	s9 =	sadd.s32 $0x300, s1;
	s14 =	smax.u32 s6, $0x1  }
.Ltmp0:
0xf: {  	[dreg:$0x4] =	wrdreg s0;
	s24 =	sadd.s32 $0x3800, s2;
	(pc) =	sbr.rel .LBB2_1-.Ltmp0, $4  }
0x10: {  	s6 =	simm.s32 $0x10100;
	s25 =	sadd.s32 $0x4800, s2;
	[dreg:$0x5] =	wrdreg s24  }
0x11: {  	v2 =	vlaneseq.u32;
	s26 =	sadd.s32 $0x5800, s2;
	s13 =	sadd.s32 $0x6800, s2;
	[dreg:$0x6] =	wrdreg s25  }
0x12: {  	vm0 =	vmmov $0xffff;
	v1 =	vshrl.u32 v2, $0x3;
	s0 =	simm.s32 $0x7100;
	s2 =	simm.s32 $0x7900;
	[dreg:$0x7] =	wrdreg s26  }
0x13: {  	v0 =	vand.u32 $0x7, v2;
	v2 =	vor.u32 $0x8, v2;
	v1 =	vmul.u32 $0x8, v1;
	s24 =	simm.s32 $0x3900;
	s25 =	simm.s32 $0x4100;
	s26 =	simm.s32 $0x4900  }
.LBB2_3:
0x14: {  	s14 =	sadd.s32 $0xFFFFFFFF, s14  }
0x15: {  	p0 =	sne.s32 s14, $0x0  }
.Ltmp1:
0x16: {  	_ = 	snop;
	(pc) =	sbr.rel @!p0 .LBB2_4-.Ltmp1, $1  }
0x17: {  	_ =	sdelay $0x3  }
.LBB2_1:
0x18: {  	s19 =	simm.s32 $0x80  }
0x19: {  	[tilespmem:s19], [sflag:$0x3] =	stream.linear.gather [hbm4b:s4+s3], $0x80, $0x38;
	[tilespmem:$0x18100] =	vst v63  }
0x1a: {  	_ =	swait.ge [sflag:s16], $0x80  }
0x1b: {  	[sflag:s16] =	ssyncset.done $0x0  }
0x1c: {  	[sflag:s16] =	ssyncadd.s32 $0xFFFFFF80  }
0x1d: {  	v3 =	vld [tilespmem:$0x80];
	_ =	sdelay $0x4  }
0x1e: {  	(v2sf) =	vpush v3, $0x0;
	_ =	sdelay $0xe  }
0x1f: {  	s11 =	spop (v2sf)  }
0x20: {  	p0 =	sge.s32 s5, s11  }
.Ltmp2:
0x21: {  	_ = 	snop;
	(pc) =	sbr.rel @p0 .LBB2_3-.Ltmp2, $1  }
0x22: {  	_ =	sdelay $0x3  }
0x23: {  	s19 =	rddreg [dreg:$0x4]  }
0x24: {  	[tilespmem:s3], [sflag:$0x3] =	stream.linear.gather [hbm4b:s19+s3], $0x80, $0x38;
	[tilespmem:$0x18100] =	vst v63  }
0x25: {  	_ =	swait.ge [sflag:s16], $0x80  }
0x26: {  	[sflag:s16] =	ssyncset.done $0x0  }
0x27: {  	[sflag:s16] =	ssyncadd.s32 $0xFFFFFF80  }
0x28: {  	v3 =	vld [tilespmem:$0x0];
	_ =	sdelay $0x2  }
0x29: {  	v4 =	vld [tilespmem:$0x10]  }
0x2a: {  	v5 =	vld [tilespmem:$0x20]  }
0x2b: {  	v6 =	vld [tilespmem:$0x30];
	vm1 =	vlt.s32 v3, $0x7FF  }
0x2c: {  	v7 =	vld [tilespmem:$0x40];
	v3 =	vnsel vm1, $0x7FF, v3  }
0x2d: {  	v8 =	vld [tilespmem:$0x50];
	v9 =	vshll.u32 v3, $0x3  }
0x2e: {  	v10 =	vld [tilespmem:$0x60];
	vm1 =	vlt.s32 v4, $0x7FF;
	v11 =	vand.u32 $0x7, v3;
	v9 =	vand.u32 $0xFFFFFFC0, v9  }
0x2f: {  	v55 =	vld [tilespmem:$0x70];
	[tilespmem:$0x0] =	vst v3;
	v3 =	vnsel vm1, $0x7FF, v4;
	vm1 =	vlt.s32 v5, $0x7FF;
	v54 =	vor.u32 v11, v9  }
0x30: {  	[tilespmem:$0x10] =	vst v3;
	v3 =	vnsel vm1, $0x7FF, v5;
	vm1 =	vlt.s32 v6, $0x7FF;
	v56 =	vperm.xlane v54, v0  }
0x31: {  	[tilespmem:$0x20] =	vst v3;
	v3 =	vnsel vm1, $0x7FF, v6;
	vm1 =	vlt.s32 v7, $0x7FF  }
0x32: {  	[tilespmem:$0x30] =	vst v3;
	v3 =	vnsel vm1, $0x7FF, v7;
	vm1 =	vlt.s32 v8, $0x7FF;
	v5 =	vadd.s32 v1, v56  }
0x33: {  	[tilespmem:$0x40] =	vst v3;
	v3 =	vnsel vm1, $0x7FF, v8;
	vm1 =	vlt.s32 v10, $0x7FF  }
0x34: {  	[tilespmem:$0x50] =	vst v3;
	v3 =	vnsel vm1, $0x7FF, v10;
	vm1 =	vlt.s32 v55, $0x7FF  }
0x35: {  	[tilespmem:$0x60] =	vst v3;
	v3 =	vnsel vm1, $0x7FF, v55  }
0x36: {  	[tilespmem:$0x70] =	vst v3  }
0x37: {  	[tilespmem:s17], [sflag:$0x1] =	stream.indirect_vreg.gather [hbm4b:s1+s3], $0x80, v5, vm0, $0xb8;
	[tilespmem:$0x18100] =	vst v63  }
0x38: {  	s11 =	simm.s32 $0x900;
	v3 =	vperm.xlane v54, v2  }
0x39: {  	[tilespmem:s11], [sflag:$0x1] =	stream.indirect_vreg.gather [hbm4b:s7+s3], $0x80, v5, vm0, $0xb8;
	[tilespmem:$0x18100] =	vst v63  }
0x3a: {  	v3 =	vadd.s32 v1, v3  }
0x3b: {  	[tilespmem:s20], [sflag:$0x1] =	stream.indirect_vreg.gather [hbm4b:s8+s3], $0x80, v5, vm0, $0xb8;
	[tilespmem:$0x18100] =	vst v63  }
0x3c: {  	_ = 	snop  }
0x3d: {  	[tilespmem:s12], [sflag:$0x1] =	stream.indirect_vreg.gather [hbm4b:s9+s3], $0x80, v5, vm0, $0xb8;
	[tilespmem:$0x18100] =	vst v63  }
0x3e: {  	_ = 	snop  }
0x3f: {  	[tilespmem:s21], [sflag:$0x1] =	stream.indirect_vreg.gather [hbm4b:s1+s3], $0x80, v3, vm0, $0xb8;
	[tilespmem:$0x18100] =	vst v63  }
0x40: {  	_ = 	snop  }
0x41: {  	[tilespmem:s22], [sflag:$0x1] =	stream.indirect_vreg.gather [hbm4b:s7+s3], $0x80, v3, vm0, $0xb8;
	[tilespmem:$0x18100] =	vst v63  }
0x42: {  	_ = 	snop  }
0x43: {  	[tilespmem:s23], [sflag:$0x1] =	stream.indirect_vreg.gather [hbm4b:s8+s3], $0x80, v3, vm0, $0xb8;
	[tilespmem:$0x18100] =	vst v63  }
0x44: {  	_ = 	snop  }
0x45: {  	[tilespmem:s24], [sflag:$0x1] =	stream.indirect_vreg.gather [hbm4b:s9+s3], $0x80, v3, vm0, $0xb8;
	[tilespmem:$0x18100] =	vst v63  }
0x46: {  	v3 =	vld [tilespmem:$0x10];
	_ =	sdelay $0x4  }
0x47: {  	v57 =	vshll.u32 v3, $0x3  }
0x48: {  	v3 =	vand.u32 $0x7, v3;
	v4 =	vand.u32 $0xFFFFFFC0, v57  }
0x49: {  	v3 =	vor.u32 v3, v4  }
0x4a: {  	v4 =	vperm.xlane v3, v0;
	_ =	sdelay $0x1  }
0x4b: {  	v4 =	vadd.s32 v1, v4;
	_ =	sdelay $0x4  }
0x4c: {  	[tilespmem:s25], [sflag:$0x1] =	stream.indirect_vreg.gather [hbm4b:s1+s3], $0x80, v4, vm0, $0xb8;
	[tilespmem:$0x18100] =	vst v63  }
0x4d: {  	v3 =	vperm.xlane v3, v2  }
0x4e: {  	[tilespmem:s26], [sflag:$0x1] =	stream.indirect_vreg.gather [hbm4b:s7+s3], $0x80, v4, vm0, $0xb8;
	[tilespmem:$0x18100] =	vst v63  }
0x4f: {  	v3 =	vadd.s32 v1, v3  }
0x50: {  	[tilespmem:s28], [sflag:$0x1] =	stream.indirect_vreg.gather [hbm4b:s8+s3], $0x80, v4, vm0, $0xb8;
	[tilespmem:$0x18100] =	vst v63  }
0x51: {  	_ = 	snop  }
0x52: {  	[tilespmem:s29], [sflag:$0x1] =	stream.indirect_vreg.gather [hbm4b:s9+s3], $0x80, v4, vm0, $0xb8;
	[tilespmem:$0x18100] =	vst v63  }
0x53: {  	_ = 	snop  }
0x54: {  	[tilespmem:s30], [sflag:$0x1] =	stream.indirect_vreg.gather [hbm4b:s1+s3], $0x80, v3, vm0, $0xb8;
	[tilespmem:$0x18100] =	vst v63  }
0x55: {  	_ = 	snop  }
0x56: {  	[tilespmem:s31], [sflag:$0x1] =	stream.indirect_vreg.gather [hbm4b:s7+s3], $0x80, v3, vm0, $0xb8;
	[tilespmem:$0x18100] =	vst v63  }
0x57: {  	_ = 	snop  }
0x58: {  	[tilespmem:s0], [sflag:$0x1] =	stream.indirect_vreg.gather [hbm4b:s8+s3], $0x80, v3, vm0, $0xb8;
	[tilespmem:$0x18100] =	vst v63  }
0x59: {  	_ = 	snop  }
0x5a: {  	[tilespmem:s2], [sflag:$0x1] =	stream.indirect_vreg.gather [hbm4b:s9+s3], $0x80, v3, vm0, $0xb8;
	[tilespmem:$0x18100] =	vst v63  }
0x5b: {  	v3 =	vld [tilespmem:$0x20];
	_ =	sdelay $0x4  }
0x5c: {  	v58 =	vshll.u32 v3, $0x3  }
0x5d: {  	v3 =	vand.u32 $0x7, v3;
	v4 =	vand.u32 $0xFFFFFFC0, v58  }
0x5e: {  	v3 =	vor.u32 v3, v4  }
0x5f: {  	v4 =	vperm.xlane v3, v0;
	_ =	sdelay $0x1  }
0x60: {  	v4 =	vadd.s32 v1, v4;
	_ =	sdelay $0x4  }
0x61: {  	[tilespmem:s15], [sflag:$0x1] =	stream.indirect_vreg.gather [hbm4b:s1+s3], $0x80, v4, vm0, $0xb8;
	[tilespmem:$0x18100] =	vst v63  }
0x62: {  	s19 =	simm.s32 $0x8900;
	v3 =	vperm.xlane v3, v2  }
0x63: {  	[tilespmem:s19], [sflag:$0x1] =	stream.indirect_vreg.gather [hbm4b:s7+s3], $0x80, v4, vm0, $0xb8;
	[tilespmem:$0x18100] =	vst v63  }
0x64: {  	v3 =	vadd.s32 v1, v3;
	s19 =	simm.s32 $0x9100  }
0x65: {  	[tilespmem:s19], [sflag:$0x1] =	stream.indirect_vreg.gather [hbm4b:s8+s3], $0x80, v4, vm0, $0xb8;
	[tilespmem:$0x18100] =	vst v63  }
0x66: {  	s19 =	simm.s32 $0x9900  }
0x67: {  	[tilespmem:s19], [sflag:$0x1] =	stream.indirect_vreg.gather [hbm4b:s9+s3], $0x80, v4, vm0, $0xb8;
	[tilespmem:$0x18100] =	vst v63  }
0x68: {  	s19 =	simm.s32 $0xA100  }
0x69: {  	[tilespmem:s19], [sflag:$0x1] =	stream.indirect_vreg.gather [hbm4b:s1+s3], $0x80, v3, vm0, $0xb8;
	[tilespmem:$0x18100] =	vst v63  }
0x6a: {  	s19 =	simm.s32 $0xA900  }
0x6b: {  	[tilespmem:s19], [sflag:$0x1] =	stream.indirect_vreg.gather [hbm4b:s7+s3], $0x80, v3, vm0, $0xb8;
	[tilespmem:$0x18100] =	vst v63  }
0x6c: {  	s19 =	simm.s32 $0xB100  }
0x6d: {  	[tilespmem:s19], [sflag:$0x1] =	stream.indirect_vreg.gather [hbm4b:s8+s3], $0x80, v3, vm0, $0xb8;
	[tilespmem:$0x18100] =	vst v63  }
0x6e: {  	s19 =	simm.s32 $0xB900  }
0x6f: {  	[tilespmem:s19], [sflag:$0x1] =	stream.indirect_vreg.gather [hbm4b:s9+s3], $0x80, v3, vm0, $0xb8;
	[tilespmem:$0x18100] =	vst v63  }
0x70: {  	v3 =	vld [tilespmem:$0x30];
	_ =	sdelay $0x4  }
0x71: {  	v59 =	vshll.u32 v3, $0x3  }
0x72: {  	v3 =	vand.u32 $0x7, v3;
	v4 =	vand.u32 $0xFFFFFFC0, v59  }
0x73: {  	v3 =	vor.u32 v3, v4  }
0x74: {  	v4 =	vperm.xlane v3, v0;
	_ =	sdelay $0x1  }
0x75: {  	v4 =	vadd.s32 v1, v4;
	_ =	sdelay $0x3  }
0x76: {  	s19 =	simm.s32 $0xC100  }
0x77: {  	[tilespmem:s19], [sflag:$0x1] =	stream.indirect_vreg.gather [hbm4b:s1+s3], $0x80, v4, vm0, $0xb8;
	[tilespmem:$0x18100] =	vst v63  }
0x78: {  	v3 =	vperm.xlane v3, v2;
	s19 =	simm.s32 $0xC900  }
0x79: {  	[tilespmem:s19], [sflag:$0x1] =	stream.indirect_vreg.gather [hbm4b:s7+s3], $0x80, v4, vm0, $0xb8;
	[tilespmem:$0x18100] =	vst v63  }
0x7a: {  	v3 =	vadd.s32 v1, v3;
	s19 =	simm.s32 $0xD100  }
0x7b: {  	[tilespmem:s19], [sflag:$0x1] =	stream.indirect_vreg.gather [hbm4b:s8+s3], $0x80, v4, vm0, $0xb8;
	[tilespmem:$0x18100] =	vst v63  }
0x7c: {  	s19 =	simm.s32 $0xD900  }
0x7d: {  	[tilespmem:s19], [sflag:$0x1] =	stream.indirect_vreg.gather [hbm4b:s9+s3], $0x80, v4, vm0, $0xb8;
	[tilespmem:$0x18100] =	vst v63  }
0x7e: {  	s19 =	simm.s32 $0xE100  }
0x7f: {  	[tilespmem:s19], [sflag:$0x1] =	stream.indirect_vreg.gather [hbm4b:s1+s3], $0x80, v3, vm0, $0xb8;
	[tilespmem:$0x18100] =	vst v63  }
0x80: {  	s19 =	simm.s32 $0xE900  }
0x81: {  	[tilespmem:s19], [sflag:$0x1] =	stream.indirect_vreg.gather [hbm4b:s7+s3], $0x80, v3, vm0, $0xb8;
	[tilespmem:$0x18100] =	vst v63  }
0x82: {  	s19 =	simm.s32 $0xF100  }
0x83: {  	[tilespmem:s19], [sflag:$0x1] =	stream.indirect_vreg.gather [hbm4b:s8+s3], $0x80, v3, vm0, $0xb8;
	[tilespmem:$0x18100] =	vst v63  }
0x84: {  	s19 =	simm.s32 $0xF900  }
0x85: {  	[tilespmem:s19], [sflag:$0x1] =	stream.indirect_vreg.gather [hbm4b:s9+s3], $0x80, v3, vm0, $0xb8;
	[tilespmem:$0x18100] =	vst v63  }
0x86: {  	v3 =	vld [tilespmem:$0x40];
	_ =	sdelay $0x4  }
0x87: {  	v60 =	vshll.u32 v3, $0x3  }
0x88: {  	v3 =	vand.u32 $0x7, v3;
	v4 =	vand.u32 $0xFFFFFFC0, v60  }
0x89: {  	v3 =	vor.u32 v3, v4  }
0x8a: {  	v4 =	vperm.xlane v3, v0;
	_ =	sdelay $0x1  }
0x8b: {  	v4 =	vadd.s32 v1, v4;
	_ =	sdelay $0x4  }
0x8c: {  	[tilespmem:s6], [sflag:$0x1] =	stream.indirect_vreg.gather [hbm4b:s1+s3], $0x80, v4, vm0, $0xb8;
	[tilespmem:$0x18100] =	vst v63  }
0x8d: {  	s19 =	simm.s32 $0x10900;
	v3 =	vperm.xlane v3, v2  }
0x8e: {  	[tilespmem:s19], [sflag:$0x1] =	stream.indirect_vreg.gather [hbm4b:s7+s3], $0x80, v4, vm0, $0xb8;
	[tilespmem:$0x18100] =	vst v63  }
0x8f: {  	v3 =	vadd.s32 v1, v3;
	s19 =	simm.s32 $0x11100  }
0x90: {  	[tilespmem:s19], [sflag:$0x1] =	stream.indirect_vreg.gather [hbm4b:s8+s3], $0x80, v4, vm0, $0xb8;
	[tilespmem:$0x18100] =	vst v63  }
0x91: {  	s19 =	simm.s32 $0x11900  }
0x92: {  	[tilespmem:s19], [sflag:$0x1] =	stream.indirect_vreg.gather [hbm4b:s9+s3], $0x80, v4, vm0, $0xb8;
	[tilespmem:$0x18100] =	vst v63  }
0x93: {  	s19 =	simm.s32 $0x12100  }
0x94: {  	[tilespmem:s19], [sflag:$0x1] =	stream.indirect_vreg.gather [hbm4b:s1+s3], $0x80, v3, vm0, $0xb8;
	[tilespmem:$0x18100] =	vst v63  }
0x95: {  	s19 =	simm.s32 $0x12900  }
0x96: {  	[tilespmem:s19], [sflag:$0x1] =	stream.indirect_vreg.gather [hbm4b:s7+s3], $0x80, v3, vm0, $0xb8;
	[tilespmem:$0x18100] =	vst v63  }
0x97: {  	s19 =	simm.s32 $0x13100  }
0x98: {  	[tilespmem:s19], [sflag:$0x1] =	stream.indirect_vreg.gather [hbm4b:s8+s3], $0x80, v3, vm0, $0xb8;
	[tilespmem:$0x18100] =	vst v63  }
0x99: {  	s19 =	simm.s32 $0x13900  }
0x9a: {  	[tilespmem:s19], [sflag:$0x1] =	stream.indirect_vreg.gather [hbm4b:s9+s3], $0x80, v3, vm0, $0xb8;
	[tilespmem:$0x18100] =	vst v63  }
0x9b: {  	v3 =	vld [tilespmem:$0x50];
	_ =	sdelay $0x4  }
0x9c: {  	v61 =	vshll.u32 v3, $0x3  }
0x9d: {  	v3 =	vand.u32 $0x7, v3;
	v4 =	vand.u32 $0xFFFFFFC0, v61  }
0x9e: {  	v3 =	vor.u32 v3, v4  }
0x9f: {  	v4 =	vperm.xlane v3, v0;
	_ =	sdelay $0x1  }
0xa0: {  	v4 =	vadd.s32 v1, v4;
	_ =	sdelay $0x3  }
0xa1: {  	s19 =	simm.s32 $0x14100  }
0xa2: {  	[tilespmem:s19], [sflag:$0x1] =	stream.indirect_vreg.gather [hbm4b:s1+s3], $0x80, v4, vm0, $0xb8;
	[tilespmem:$0x18100] =	vst v63  }
0xa3: {  	v3 =	vperm.xlane v3, v2;
	s19 =	simm.s32 $0x14900  }
0xa4: {  	[tilespmem:s19], [sflag:$0x1] =	stream.indirect_vreg.gather [hbm4b:s7+s3], $0x80, v4, vm0, $0xb8;
	[tilespmem:$0x18100] =	vst v63  }
0xa5: {  	v3 =	vadd.s32 v1, v3;
	s19 =	simm.s32 $0x15100  }
0xa6: {  	[tilespmem:s19], [sflag:$0x1] =	stream.indirect_vreg.gather [hbm4b:s8+s3], $0x80, v4, vm0, $0xb8;
	[tilespmem:$0x18100] =	vst v63  }
0xa7: {  	s19 =	simm.s32 $0x15900  }
0xa8: {  	[tilespmem:s19], [sflag:$0x1] =	stream.indirect_vreg.gather [hbm4b:s9+s3], $0x80, v4, vm0, $0xb8;
	[tilespmem:$0x18100] =	vst v63  }
0xa9: {  	s19 =	simm.s32 $0x16100  }
0xaa: {  	[tilespmem:s19], [sflag:$0x1] =	stream.indirect_vreg.gather [hbm4b:s1+s3], $0x80, v3, vm0, $0xb8;
	[tilespmem:$0x18100] =	vst v63  }
0xab: {  	s19 =	simm.s32 $0x16900  }
0xac: {  	[tilespmem:s19], [sflag:$0x1] =	stream.indirect_vreg.gather [hbm4b:s7+s3], $0x80, v3, vm0, $0xb8;
	[tilespmem:$0x18100] =	vst v63  }
0xad: {  	s19 =	simm.s32 $0x17100  }
0xae: {  	[tilespmem:s19], [sflag:$0x1] =	stream.indirect_vreg.gather [hbm4b:s8+s3], $0x80, v3, vm0, $0xb8;
	[tilespmem:$0x18100] =	vst v63  }
0xaf: {  	s19 =	simm.s32 $0x17900  }
0xb0: {  	[tilespmem:s19], [sflag:$0x1] =	stream.indirect_vreg.gather [hbm4b:s9+s3], $0x80, v3, vm0, $0xb8;
	[tilespmem:$0x18100] =	vst v63  }
0xb1: {  	_ =	swait.ge [sflag:s18], $0x8000  }
0xb2: {  	[sflag:s18] =	ssyncset.done $0x0  }
0xb3: {  	s19 =	rddreg [dreg:$0x5];
	[sflag:s18] =	ssyncadd.s32 $0xFFFF8000  }
0xb4: {  	[hbm4b:s19+s3] =	stream.linear.scatter [tilespmem:s17], [sflag:$0x2], $0x8000, $0x38;
	[tilespmem:$0x18100] =	vst v63  }
0xb5: {  	_ =	swait.ge [sflag:s10], $0x8000  }
0xb6: {  	[sflag:s10] =	ssyncset.done $0x0  }
0xb7: {  	[sflag:s10] =	ssyncadd.s32 $0xFFFF8000  }
0xb8: {  	v3 =	vld [tilespmem:$0x60];
	_ =	sdelay $0x4  }
0xb9: {  	v62 =	vshll.u32 v3, $0x3  }
0xba: {  	v3 =	vand.u32 $0x7, v3;
	v4 =	vand.u32 $0xFFFFFFC0, v62  }
0xbb: {  	v3 =	vor.u32 v3, v4  }
0xbc: {  	v4 =	vperm.xlane v3, v0;
	_ =	sdelay $0x1  }
0xbd: {  	v4 =	vadd.s32 v1, v4;
	_ =	sdelay $0x4  }
0xbe: {  	[tilespmem:s17], [sflag:$0x1] =	stream.indirect_vreg.gather [hbm4b:s1+s3], $0x80, v4, vm0, $0xb8;
	[tilespmem:$0x18100] =	vst v63  }
0xbf: {  	v3 =	vperm.xlane v3, v2  }
0xc0: {  	[tilespmem:s11], [sflag:$0x1] =	stream.indirect_vreg.gather [hbm4b:s7+s3], $0x80, v4, vm0, $0xb8;
	[tilespmem:$0x18100] =	vst v63  }
0xc1: {  	v3 =	vadd.s32 v1, v3  }
0xc2: {  	[tilespmem:s20], [sflag:$0x1] =	stream.indirect_vreg.gather [hbm4b:s8+s3], $0x80, v4, vm0, $0xb8;
	[tilespmem:$0x18100] =	vst v63  }
0xc3: {  	_ = 	snop  }
0xc4: {  	[tilespmem:s12], [sflag:$0x1] =	stream.indirect_vreg.gather [hbm4b:s9+s3], $0x80, v4, vm0, $0xb8;
	[tilespmem:$0x18100] =	vst v63  }
0xc5: {  	_ = 	snop  }
0xc6: {  	[tilespmem:s21], [sflag:$0x1] =	stream.indirect_vreg.gather [hbm4b:s1+s3], $0x80, v3, vm0, $0xb8;
	[tilespmem:$0x18100] =	vst v63  }
0xc7: {  	_ = 	snop  }
0xc8: {  	[tilespmem:s22], [sflag:$0x1] =	stream.indirect_vreg.gather [hbm4b:s7+s3], $0x80, v3, vm0, $0xb8;
	[tilespmem:$0x18100] =	vst v63  }
0xc9: {  	_ = 	snop  }
0xca: {  	[tilespmem:s23], [sflag:$0x1] =	stream.indirect_vreg.gather [hbm4b:s8+s3], $0x80, v3, vm0, $0xb8;
	[tilespmem:$0x18100] =	vst v63  }
0xcb: {  	_ = 	snop  }
0xcc: {  	[tilespmem:s24], [sflag:$0x1] =	stream.indirect_vreg.gather [hbm4b:s9+s3], $0x80, v3, vm0, $0xb8;
	[tilespmem:$0x18100] =	vst v63  }
0xcd: {  	v3 =	vld [tilespmem:$0x70];
	_ =	sdelay $0x4  }
0xce: {  	v63 =	vshll.u32 v3, $0x3  }
0xcf: {  	v3 =	vand.u32 $0x7, v3;
	v4 =	vand.u32 $0xFFFFFFC0, v63  }
0xd0: {  	v3 =	vor.u32 v3, v4  }
0xd1: {  	v4 =	vperm.xlane v3, v0;
	_ =	sdelay $0x1  }
0xd2: {  	v4 =	vadd.s32 v1, v4;
	_ =	sdelay $0x4  }
0xd3: {  	[tilespmem:s25], [sflag:$0x1] =	stream.indirect_vreg.gather [hbm4b:s1+s3], $0x80, v4, vm0, $0xb8;
	[tilespmem:$0x18100] =	vst v63  }
0xd4: {  	v3 =	vperm.xlane v3, v2  }
0xd5: {  	[tilespmem:s26], [sflag:$0x1] =	stream.indirect_vreg.gather [hbm4b:s7+s3], $0x80, v4, vm0, $0xb8;
	[tilespmem:$0x18100] =	vst v63  }
0xd6: {  	v3 =	vadd.s32 v1, v3  }
0xd7: {  	[tilespmem:s28], [sflag:$0x1] =	stream.indirect_vreg.gather [hbm4b:s8+s3], $0x80, v4, vm0, $0xb8;
	[tilespmem:$0x18100] =	vst v63  }
0xd8: {  	_ = 	snop  }
0xd9: {  	[tilespmem:s29], [sflag:$0x1] =	stream.indirect_vreg.gather [hbm4b:s9+s3], $0x80, v4, vm0, $0xb8;
	[tilespmem:$0x18100] =	vst v63  }
0xda: {  	_ = 	snop  }
0xdb: {  	[tilespmem:s30], [sflag:$0x1] =	stream.indirect_vreg.gather [hbm4b:s1+s3], $0x80, v3, vm0, $0xb8;
	[tilespmem:$0x18100] =	vst v63  }
0xdc: {  	_ = 	snop  }
0xdd: {  	[tilespmem:s31], [sflag:$0x1] =	stream.indirect_vreg.gather [hbm4b:s7+s3], $0x80, v3, vm0, $0xb8;
	[tilespmem:$0x18100] =	vst v63  }
0xde: {  	_ = 	snop  }
0xdf: {  	[tilespmem:s0], [sflag:$0x1] =	stream.indirect_vreg.gather [hbm4b:s8+s3], $0x80, v3, vm0, $0xb8;
	[tilespmem:$0x18100] =	vst v63  }
0xe0: {  	_ = 	snop  }
0xe1: {  	[tilespmem:s2], [sflag:$0x1] =	stream.indirect_vreg.gather [hbm4b:s9+s3], $0x80, v3, vm0, $0xb8;
	[tilespmem:$0x18100] =	vst v63  }
0xe2: {  	_ =	swait.ge [sflag:s18], $0x8000  }
0xe3: {  	[sflag:s18] =	ssyncset.done $0x0  }
0xe4: {  	s19 =	rddreg [dreg:$0x6];
	[sflag:s18] =	ssyncadd.s32 $0xFFFF8000  }
0xe5: {  	[hbm4b:s19+s3] =	stream.linear.scatter [tilespmem:s15], [sflag:$0x2], $0x8000, $0x38;
	[tilespmem:$0x18100] =	vst v63  }
0xe6: {  	_ =	swait.ge [sflag:s18], $0x8000  }
0xe7: {  	[sflag:s18] =	ssyncset.done $0x0  }
0xe8: {  	s19 =	rddreg [dreg:$0x7];
	[sflag:s18] =	ssyncadd.s32 $0xFFFF8000  }
0xe9: {  	[hbm4b:s19+s3] =	stream.linear.scatter [tilespmem:s6], [sflag:$0x2], $0x8000, $0x38;
	[tilespmem:$0x18100] =	vst v63  }
0xea: {  	_ =	swait.ge [sflag:s18], $0x8000  }
0xeb: {  	[sflag:s18] =	ssyncset.done $0x0  }
0xec: {  	[sflag:s18] =	ssyncadd.s32 $0xFFFF8000  }
0xed: {  	[hbm4b:s13+s3] =	stream.linear.scatter [tilespmem:s17], [sflag:$0x2], $0x8000, $0x38;
	[tilespmem:$0x18100] =	vst v63  }
0xee: {  	_ =	swait.ge [sflag:s10], $0x8000  }
0xef: {  	[sflag:s10] =	ssyncset.done $0x0  }
0xf0: {  	[sflag:s10] =	ssyncadd.s32 $0xFFFF8000  }
0xf1: {  	_ =	swait.ge [sflag:s10], $0x8000  }
.Ltmp3:
0xf2: {  	[sflag:s10] =	ssyncset.done $0x0;
	(pc) =	sbr.rel .LBB2_3-.Ltmp3, $4  }
0xf3: {  	[sflag:s10] =	ssyncadd.s32 $0xFFFF8000  }
0xf4: {  	_ =	swait.ge [sflag:s10], $0x8000  }
0xf5: {  	[sflag:s10] =	ssyncset.done $0x0  }
0xf6: {  	[sflag:s10] =	ssyncadd.s32 $0xFFFF8000  }
.LBB2_4:
0xf7: {  	_ =	sfence.sel $0x180000  }
0xf8: {  	[bflag:$0x0] =	sbarrier.arrive $0xFFFF  }
0xf9: {  	_ =	strace $0x9000004A  }
0xfa: {  	s0 =	stileid.u32;
	[bflag:$0x2] =	sbarrier.arrive $0xFFFF  }
0xfb: {  	p0 =	sne.s32 s0, $0x0;
	s0 =	rddreg [dreg:$0x3]  }
0xfc: {  	s0 =	sadd.s32 @!p0 $0x100000, s0  }
0xfd: {  	[sflag:s0] =	ssyncadd.tile.s32 @!p0 $0x1;
	_ =	shalt  }
.Lfunc_end2:
_tile_overlayer_lowered:
.L_overlay_start_2:
0xfe: {  	(tag) =	ssettag $0x2  }
0xff: {  	s0 =	rddreg [dreg:$0x0];
	s2 =	stileid.u32  }
0x100: {  	s1 =	rddreg [dreg:$0x1];
	p0 =	sne.s32 s2, $0x0  }
0x101: {  	s3 =	rddreg [dreg:$0x2];
	[bflag:$0x3] =	sbarrier.arrive $0xFFFF;
	s2 =	simm.s32 @!p0 $0x1C03  }
0x102: {  	[timem:s3], [sflag:s2] =	dma.local @!p0 [hbm:s0], s1  }
0x103: {  	s0 =	simm.s32 @!p0 $0x3  }
0x104: {  	_ =	swait.ge @!p0 [sflag:s0], s1  }
0x105: {  	s1 =	ssub.s32 @!p0 $0x0, s1;
	[sflag:s0] =	ssyncset.done @!p0 $0x0  }
0x106: {  	[sflag:s0] =	ssyncadd.s32 @!p0 s1  }
0x107: {  	[bflag:$0x3] =	sbarrier.arrive $0xFFFF  }
0x108: {  	_ =	shalt  }

// kernel: kernel.14.cloned.1.call-start
scs
__scs_entry_jumppad:
0x0: {  	(pc) =	sbr.rel $0x88, $3  }
0x1: {  	(tag) =	ssettag $0x0;
	lr =	simm.s32 $0x1  }
0x2: {  	[smem:$0x3F93] =	sst lr;
	_ =	strace $0xD0000000  }
0x3: {  	_ = 	snop  }
0x4: {  	_ = 	snop  }
0x5: {  	_ = 	snop  }
0x6: {  	_ = 	snop  }
0x7: {  	_ = 	snop  }
__scs_overlays_trampoline_lowered:
0x8: {  	[smem:$0x3FA2] =	sst s0  }
0x9: {  	[smem:$0x3FA3] =	sst s1  }
0xa: {  	[smem:$0x3FA4] =	sst s2  }
0xb: {  	[smem:$0x3FA5] =	sst s3  }
0xc: {  	[smem:$0x3FA6] =	sst s4  }
0xd: {  	[smem:$0x3FA7] =	sst s5  }
0xe: {  	[smem:$0x3FA8] =	sst s6  }
0xf: {  	[smem:$0x3FA9] =	sst s7  }
0x10: {  	[smem:$0x3FAA] =	sst s8  }
0x11: {  	[smem:$0x3FAB] =	sst s9;
	s0 =	simm.s32 @!p0 $0x0  }
0x12: {  	s1 =	sld [smem:$0x3F91];
	s0 =	simm.s32 @p0 $0x1  }
0x13: {  	[smem:$0x3FAC] =	sst s0;
	s0 =	simm.s32 @!p1 $0x0  }
0x14: {  	s2 =	sld [smem:$0x3F90];
	s0 =	simm.s32 @p1 $0x1  }
0x15: {  	[smem:$0x3FAD] =	sst s0;
	s0 =	simm.s32 @!p2 $0x0  }
0x16: {  	s3 =	sld [smem:$0x3FDB];
	s0 =	simm.s32 @p2 $0x1  }
0x17: {  	s4 =	simm.s32 $0x1BF5;
	[smem:$0x3FAF] =	sst s0  }
0x18: {  	s0 =	sld [smem:$0x3F92];
	_ =	swait.ge [sflag:s4], $0x0  }
0x19: {  	s7 =	sld [smem:$0x3F93]  }
0x1a: {  	s8 =	sadd.s32 $0xFFFFE003, lr  }
0x1b: {  	s9 =	sadd.s32 $0xFFFFFEF7, lr;
	s5 =	simm.s32 $0xFFFFFFFF;
	p2 =	slt.u32 s8, $0xFFFFF086  }
0x1c: {  	p1 =	slt.u32 s9, $0xF7A;
	s5 =	simm.s32 @!p2 $0x0  }
0x1d: {  	s5 =	simm.s32 @p1 $0x1;
	p0 =	seq.s32 s7, s2  }
0x1e: {  	s7 =	smul.u32 @!p0 $0xF7A, s2;
	p2 =	seq.s32 @!p0 s5, $0x0  }
0x1f: {  	s9 =	smul.u32 $0xF7A, s1;
	s8 =	simm.s32 @!p0 $0x1BF5;
	p2 =	por !p2, p0  }
0x20: {  	[sflag:s8] =	ssyncset.s32 @!p0 $0xFFFFF086;
	s6 =	sadd.s32 @!p0 s3, s7;
	s7 =	simm.s32 @!p0 $0x108  }
0x21: {  	s3 =	sadd.s32 s3, s9;
	s6 =	sadd.s32 @!p0 $0x88, s6;
	s7 =	simm.s32 @p2 $0x1082  }
0x22: {  	[simem:s7], [sflag:s8] =	dma.local @!p0 [hbm:s6], $0xF7A  }
0x23: {  	s9 =	sor.u32 $0xD0000000, s2;
	s6 =	simm.s32 $0x108;
	_ =	swait.ge @!p0 [sflag:s8], $0x0  }
0x24: {  	s3 =	sadd.s32 $0x88, s3;
	s6 =	simm.s32 @!p1 $0x1082;
	[sflag:s4] =	ssyncset.s32 $0xFFFFF086  }
0x25: {  	[simem:s6], [sflag:s4] =	dma.local [hbm:s3], $0xF7A  }
0x26: {  	[smem:$0x3F93] =	sst s1;
	(tag) =	ssettag s2;
	_ =	strace s9  }
0x27: {  	s1 =	sld [smem:$0x3FA3]  }
0x28: {  	s2 =	sld [smem:$0x3FA4]  }
0x29: {  	s4 =	sld [smem:$0x3FA6]  }
0x2a: {  	p0 =	seq.s32 s5, $0x0;
	s5 =	sld [smem:$0x3FA7]  }
0x2b: {  	s6 =	sld [smem:$0x3FA8]  }
0x2c: {  	s7 =	sld [smem:$0x3FA9]  }
0x2d: {  	s3 =	simm.s32 $0x108;
	s8 =	sld [smem:$0x3FAA]  }
0x2e: {  	s3 =	simm.s32 @!p0 $0x1082;
	s9 =	sld [smem:$0x3FAB]  }
0x2f: {  	lr =	sadd.s32 s0, s3;
	s0 =	sld [smem:$0x3FA2]  }
0x30: {  	s3 =	sld [smem:$0x3FA5]  }
0x31: {  	[smem:$0x3FAE] =	sst s10  }
0x32: {  	s10 =	sld [smem:$0x3FAC];
	_ =	sdelay $0x3  }
0x33: {  	p0 =	seq.s32 s10, $0x1;
	s10 =	sld [smem:$0x3FAE];
	_ =	sdelay $0x3  }
0x34: {  	[smem:$0x3FAE] =	sst s10  }
0x35: {  	s10 =	sld [smem:$0x3FAD];
	_ =	sdelay $0x3  }
0x36: {  	p1 =	seq.s32 s10, $0x1;
	s10 =	sld [smem:$0x3FAE];
	_ =	sdelay $0x3  }
0x37: {  	[smem:$0x3FAE] =	sst s10  }
0x38: {  	s10 =	sld [smem:$0x3FAF]  }
0x39: {  	_ = 	snop;
	(pc) =	sbr.ind lr, $3  }
0x3a: {  	_ = 	snop  }
0x3b: {  	_ = 	snop  }
0x3c: {  	p2 =	seq.s32 s10, $0x1;
	s10 =	sld [smem:$0x3FAE]  }
0x3d: {  	_ =	shalt  }
0x3e: {  	_ =	shalt  }
0x3f: {  	_ =	shalt  }
0x40: {  	_ =	shalt  }
0x41: {  	_ =	shalt  }
0x42: {  	_ =	shalt  }
0x43: {  	_ =	shalt  }
0x44: {  	_ =	shalt  }
0x45: {  	_ =	shalt  }
0x46: {  	_ =	shalt  }
0x47: {  	_ =	shalt  }
0x48: {  	_ =	shalt  }
0x49: {  	_ =	shalt  }
0x4a: {  	_ =	shalt  }
0x4b: {  	_ =	shalt  }
0x4c: {  	_ =	shalt  }
0x4d: {  	_ =	shalt  }
0x4e: {  	_ =	shalt  }
0x4f: {  	_ =	shalt  }
0x50: {  	_ =	shalt  }
0x51: {  	_ =	shalt  }
0x52: {  	_ =	shalt  }
0x53: {  	_ =	shalt  }
0x54: {  	_ =	shalt  }
0x55: {  	_ =	shalt  }
0x56: {  	_ =	shalt  }
0x57: {  	_ =	shalt  }
0x58: {  	_ =	shalt  }
0x59: {  	_ =	shalt  }
0x5a: {  	_ =	shalt  }
0x5b: {  	_ =	shalt  }
0x5c: {  	_ =	shalt  }
0x5d: {  	_ =	shalt  }
0x5e: {  	_ =	shalt  }
0x5f: {  	_ =	shalt  }
0x60: {  	_ =	shalt  }
0x61: {  	_ =	shalt  }
0x62: {  	_ =	shalt  }
0x63: {  	_ =	shalt  }
0x64: {  	_ =	shalt  }
0x65: {  	_ =	shalt  }
0x66: {  	_ =	shalt  }
0x67: {  	_ =	shalt  }
0x68: {  	_ =	shalt  }
0x69: {  	_ =	shalt  }
0x6a: {  	_ =	shalt  }
0x6b: {  	_ =	shalt  }
0x6c: {  	_ =	shalt  }
0x6d: {  	_ =	shalt  }
0x6e: {  	_ =	shalt  }
0x6f: {  	_ =	shalt  }
0x70: {  	_ =	shalt  }
0x71: {  	_ =	shalt  }
0x72: {  	_ =	shalt  }
0x73: {  	_ =	shalt  }
0x74: {  	_ =	shalt  }
0x75: {  	_ =	shalt  }
0x76: {  	_ =	shalt  }
0x77: {  	_ =	shalt  }
0x78: {  	_ =	shalt  }
0x79: {  	_ =	shalt  }
0x7a: {  	_ =	shalt  }
0x7b: {  	_ =	shalt  }
0x7c: {  	_ =	shalt  }
0x7d: {  	_ =	shalt  }
0x7e: {  	_ =	shalt  }
0x7f: {  	_ =	shalt  }
0x80: {  	_ =	shalt  }
0x81: {  	_ =	shalt  }
0x82: {  	_ =	shalt  }
0x83: {  	_ =	shalt  }
0x84: {  	_ =	shalt  }
0x85: {  	_ =	shalt  }
0x86: {  	_ =	shalt  }
0x87: {  	_ =	shalt  }
.Lfunc_end0:
.L_simem_size_0:
called_computation.2_lowered:
.L_overlay_start_0:
0x88: {  	s2 =	sld [smem:$0x3FD9]  }
0x89: {  	s3 =	sld [smem:$0x3FFE];
	_ =	sdelay $0x1  }
0x8a: {  	s1 =	srdreg.scid  }
0x8b: {  	s0 =	sand.u32 $0x1, s1  }
0x8c: {  	s17 =	sshll.u32 s0, $0xA;
	s2 =	sadd.s32 s3, s2  }
0x8d: {  	s2 =	sadd.s32 s2, s17  }
0x8e: {  	[smem:$0x3FBA] =	sst s2  }
0x8f: {  	_ = 	snop  }
0x90: {  	s2 =	sld [smem:$0x3FD0];
	(tm) =	ssettm $0x1  }
0x91: {  	s18 =	sld [smem:$0x3FFB];
	_ =	sdelay $0x3  }
0x92: {  	_ =	strace s18  }
0x93: {  	s3 =	sld [smem:$0x3FFC];
	_ =	sdelay $0x3  }
0x94: {  	_ =	strace s3  }
0x95: {  	s3 =	sld [smem:$0x3FFD];
	_ =	sdelay $0x3  }
0x96: {  	_ =	strace s3  }
0x97: {  	_ =	strace $0x8FFFFFFF  }
0x98: {  	s19 =	sld [smem:$0x3FDB];
	_ =	sdelay $0x1  }
0x99: {  	s4 =	simm.s32 $_scs_section_size  }
0x9a: {  	s5 =	simm.s32 $_size__tile_overlayer_lowered;
	s6 =	simm.s32 $_tile_overlayer_lowered  }
0x9b: {  	s22 =	simm.s32 $0x1BFF;
	s21 =	sshll.u32 s6, $0x1;
	s3 =	sadd.s32 s4, s19  }
0x9c: {  	s7 =	simm.s32 $0x0;
	s20 =	sshll.u32 s5, $0x1;
	s5 =	sadd.s32 s21, s3  }
0x9d: {  	[timem:s7], [sflag:s22] =	dma.local [hbm:s5], s20  }
0x9e: {  	_ =	swait.ge [sflag:s22], s20  }
0x9f: {  	s4 =	ssub.s32 $0x0, s20;
	[sflag:s22] =	ssyncset.done $0x0  }
0xa0: {  	[sflag:s22] =	ssyncadd.s32 s4;
	_ =	sdelay $0x1  }
0xa1: {  	s23 =	simm.s32 $0x1B8B  }
0xa2: {  	_ =	swait.ge [sflag:s23], $0x1  }
0xa3: {  	[sflag:s23] =	ssyncset.done $0x0  }
0xa4: {  	s25 =	simm.s32 $0x1B8E;
	s24 =	sld [smem:$0x3FFE];
	[sflag:s23] =	ssyncadd.s32 $0xFFFFFFFF  }
0xa5: {  	s26 =	simm.s32 $execute0_lowered;
	[smem:$0x3FD2] =	sst s25  }
0xa6: {  	s5 =	sshll.u32 s26, $0x1;
	_ =	strace $0x8000004C;
	[dreg:$0x1] =	wrdreg $0xFFFFFFFF  }
0xa7: {  	s28 =	simm.s32 $_size_execute0_lowered;
	s3 =	sadd.s32 s3, s5;
	[dreg:$0x0] =	wrdreg $0x0  }
0xa8: {  	s5 =	sshll.u32 s28, $0x1;
	[dreg:$0x2] =	wrdreg s3  }
0xa9: {  	[dreg:$0x3] =	wrdreg s5  }
0xaa: {  	[dreg:$0x4] =	wrdreg $0xC0  }
0xab: {  	_ =	task [dreg:s7], $0x5FFFF  }
0xac: {  	[dreg:$0x1] =	wrdreg $0xFFFFFFFF  }
0xad: {  	[dreg:$0x0] =	wrdreg $0x60  }
0xae: {  	[dreg:$0x2] =	wrdreg s24  }
0xaf: {  	[dreg:$0x3] =	wrdreg s2  }
0xb0: {  	[dreg:$0x4] =	wrdreg $0x9  }
0xb1: {  	_ =	task.clear_ibuf [dreg:s7], $0x5FFFF;
	_ =	strace $0x9000004C  }
0xb2: {  	s29 =	simm.s32 $0x9;
	_ =	strace $0x8000004E  }
0xb3: {  	_ =	swait.ge [sflag:s29], $0x1  }
0xb4: {  	[sflag:s29] =	ssyncadd.s32 $0xFFFFFFFF  }
0xb5: {  	_ =	strace $0x9000004E  }
0xb6: {  	_ =	sfence  }
0xb7: {  	s30 =	sld [smem:$0x0];
	_ =	sdelay $0x2  }
0xb8: {  	s31 =	sshll.u32 s1, $0xD;
	s1 =	sshrl.u32 s1, $0x2  }
0xb9: {  	s3 =	sand.u32 $0x4000, s31;
	s1 =	sadd.s32 s1, s30  }
0xba: {  	s0 =	sor.u32 s3, s0;
	s1 =	sshll.u32 s1, $0x11  }
0xbb: {  	s0 =	sor.u32 s1, s0  }
0xbc: {  	s0 =	sadd.s32 $0x8F2B, s0  }
0xbd: {  	[sflag:s0] =	ssyncadd.remote.s32 $0x1  }
0xbe: {  	_ =	sfence.sel $0xFFFF  }
0xbf: {  	[dreg:$0x0] =	wrdreg $0xFFFFFFFF;
	(pc) =	sbr.abs _section_cstart, $3  }
0xc0: {  	[dreg:$0x1] =	wrdreg $0xFFFFFFFF  }
0xc1: {  	_ =	task.clear_ibuf [dreg:s7], $0x2FFFF;
	_ =	strace $0x9FFFFFFF  }
0xc2: {  	(tm) =	ssettm $0x7FFFFFFF  }
0xc3: {  	_ =	shalt  }
tec
execute0_lowered:
.L_overlay_start_1:
0x0: {  	(tag) =	ssettag $0x1  }
0x1: {  	s0 =	rddreg [dreg:$0x0]  }
0x2: {  	s1 =	rddreg [dreg:$0x1]  }
0x3: {  	s2 =	simm.s32 $0x0;
	s3 =	srdreg.scid;
	s5 =	stileid.u32  }
0x4: {  	s28 =	simm.s32 $0xA80;
	s29 =	simm.s32 $0x1280;
	s30 =	simm.s32 $0x1A80  }
0x5: {  	s31 =	simm.s32 $0x2280;
	[smem:$0x7FF] =	sst s2;
	s4 =	sand.u32 $0x1, s3  }
0x6: {  	s6 =	sadd.s32 $0x3800, s0;
	s5 =	sshll.u32 s5, $0x8;
	s3 =	sadd.s32 $0x3600, s0  }
0x7: {  	s13 =	sadd.s32 $0x83900, s0;
	s14 =	sadd.s32 $0x83A00, s0;
	s15 =	sadd.s32 $0x83B00, s0  }
0x8: {  	_ =	strace $0x8000004D;
	s7 =	sshll.u32 s4, $0x7;
	s8 =	ssub.s32 $0x2, s4  }
0x9: {  	s4 =	sor.u32 s7, s5;
	s5 =	sadd.s32 $0x83800, s0;
	s17 =	sshrl.u32 s8, $0x1  }
0xa: {  	s0 =	simm.s32 $0x2A80;
	s9 =	sshrl.u32 s4, $0x3;
	s7 =	ssub.s32 s8, s17  }
0xb: {  	s19 =	sor.u32 $0x20, s4;
	s10 =	sor.u32 $0x40, s4;
	s11 =	sor.u32 $0x60, s4  }
0xc: {  	s22 =	sshll.u32 s4, $0x7;
	s8 =	simm.s32 $0x6280;
	s18 =	sadd.s32 s1, s9  }
0xd: {  	s20 =	sshrl.u32 s19, $0x3;
	s21 =	sshrl.u32 s10, $0x3;
	s12 =	sshrl.u32 s11, $0x3  }
0xe: {  	s23 =	sshll.u32 s19, $0x7;
	s24 =	sshll.u32 s10, $0x7;
	s26 =	sshll.u32 s11, $0x7  }
0xf: {  	s17 =	smax.u32 s7, $0x1;
	s19 =	simm.s32 $0x3;
	s7 =	simm.s32 $0x5A80  }
0x10: {  	s10 =	simm.s32 $0x7280;
	s11 =	simm.s32 $0x2;
	[dreg:$0x3] =	wrdreg s18  }
0x11: {  	s9 =	sadd.s32 s1, s20;
	s25 =	sadd.s32 s6, s24;
	s16 =	sadd.s32 s6, s26  }
0x12: {  	s26 =	simm.s32 $0x1;
	s20 =	simm.s32 $0x3A80;
	[dreg:$0x4] =	wrdreg s9  }
0x13: {  	s18 =	simm.s32 $0x7A80;
	s9 =	sadd.s32 s1, s21;
	[dreg:$0x9] =	wrdreg s25  }
.Ltmp0:
0x14: {  	s1 =	sadd.s32 s1, s12;
	[dreg:$0x5] =	wrdreg s9;
	(pc) =	sbr.rel .LBB2_1-.Ltmp0, $4  }
0x15: {  	s25 =	simm.s32 $0x10280;
	s21 =	simm.s32 $0x4280;
	[dreg:$0x6] =	wrdreg s1  }
0x16: {  	v2 =	vlaneseq.u32;
	s1 =	sadd.s32 s6, s22;
	s22 =	simm.s32 $0x4A80;
	s9 =	simm.s32 $0x6A80  }
0x17: {  	vm0 =	vmmov $0xffff;
	v1 =	vshrl.u32 v2, $0x3;
	[dreg:$0x7] =	wrdreg s1;
	s1 =	sadd.s32 s6, s23;
	s23 =	simm.s32 $0x280  }
0x18: {  	v0 =	vand.u32 $0x7, v2;
	v2 =	vor.u32 $0x8, v2;
	v1 =	vmul.u32 $0x8, v1;
	s6 =	simm.s32 $0x5280;
	[dreg:$0x8] =	wrdreg s1;
	s1 =	simm.s32 $0x3280  }
.LBB2_3:
0x19: {  	s17 =	sadd.s32 $0xFFFFFFFF, s17  }
0x1a: {  	p0 =	sne.s32 s17, $0x0  }
.Ltmp1:
0x1b: {  	_ = 	snop;
	(pc) =	sbr.rel @!p0 .LBB2_4-.Ltmp1, $1  }
0x1c: {  	_ =	sdelay $0x3  }
.LBB2_1:
0x1d: {  	s12 =	simm.s32 $0x200  }
0x1e: {  	[tilespmem:s12], [sflag:$0x3] =	stream.linear.gather [hbm4b:s3+s2], $0x80, $0x38;
	[tilespmem:$0x18280] =	vst v63  }
0x1f: {  	_ =	swait.ge [sflag:s19], $0x80  }
0x20: {  	[sflag:s19] =	ssyncset.done $0x0  }
0x21: {  	[sflag:s19] =	ssyncadd.s32 $0xFFFFFF80  }
0x22: {  	v3 =	vld [tilespmem:$0x200];
	_ =	sdelay $0x4  }
0x23: {  	(v2sf) =	vpush v3, $0x0;
	_ =	sdelay $0xe  }
0x24: {  	s24 =	spop (v2sf)  }
0x25: {  	p0 =	sge.s32 s4, s24  }
.Ltmp2:
0x26: {  	_ = 	snop;
	(pc) =	sbr.rel @p0 .LBB2_3-.Ltmp2, $1  }
0x27: {  	_ =	sdelay $0x3  }
0x28: {  	s12 =	rddreg [dreg:$0x3]  }
0x29: {  	[tilespmem:s2], [sflag:$0x3] =	stream.linear.gather [hbm4b:s12+s2], $0x20, $0x38;
	[tilespmem:$0x18280] =	vst v63  }
0x2a: {  	_ =	swait.ge [sflag:s19], $0x20  }
0x2b: {  	[sflag:s19] =	ssyncset.done $0x0  }
0x2c: {  	s24 =	simm.s32 $0x80;
	s12 =	rddreg [dreg:$0x4];
	[sflag:s19] =	ssyncadd.s32 $0xFFFFFFE0  }
0x2d: {  	[tilespmem:s24], [sflag:$0x3] =	stream.linear.gather [hbm4b:s12+s2], $0x20, $0x38;
	[tilespmem:$0x18280] =	vst v63  }
0x2e: {  	_ =	swait.ge [sflag:s19], $0x20  }
0x2f: {  	[sflag:s19] =	ssyncset.done $0x0  }
0x30: {  	s24 =	simm.s32 $0x100;
	s12 =	rddreg [dreg:$0x5];
	[sflag:s19] =	ssyncadd.s32 $0xFFFFFFE0  }
0x31: {  	[tilespmem:s24], [sflag:$0x3] =	stream.linear.gather [hbm4b:s12+s2], $0x20, $0x38;
	[tilespmem:$0x18280] =	vst v63  }
0x32: {  	_ =	swait.ge [sflag:s19], $0x20  }
0x33: {  	[sflag:s19] =	ssyncset.done $0x0  }
0x34: {  	s24 =	simm.s32 $0x180;
	s12 =	rddreg [dreg:$0x6];
	[sflag:s19] =	ssyncadd.s32 $0xFFFFFFE0  }
0x35: {  	[tilespmem:s24], [sflag:$0x3] =	stream.linear.gather [hbm4b:s12+s2], $0x20, $0x38;
	[tilespmem:$0x18280] =	vst v63  }
0x36: {  	_ =	swait.ge [sflag:s19], $0x20  }
0x37: {  	[sflag:s19] =	ssyncset.done $0x0  }
0x38: {  	s24 =	rddreg [dreg:$0x7];
	[sflag:s19] =	ssyncadd.s32 $0xFFFFFFE0  }
0x39: {  	[tilespmem:s23], [sflag:$0x1] =	stream.linear.gather [hbm4b:s24+s2], $0x8000, $0x38;
	[tilespmem:$0x18280] =	vst v63  }
0x3a: {  	s12 =	rddreg [dreg:$0x8];
	s24 =	simm.s32 $0x8280  }
0x3b: {  	[tilespmem:s24], [sflag:$0x1] =	stream.linear.gather [hbm4b:s12+s2], $0x8000, $0x38;
	[tilespmem:$0x18280] =	vst v63  }
0x3c: {  	s12 =	rddreg [dreg:$0x9]  }
0x3d: {  	[tilespmem:s25], [sflag:$0x1] =	stream.linear.gather [hbm4b:s12+s2], $0x8000, $0x38;
	[tilespmem:$0x18280] =	vst v63  }
0x3e: {  	_ =	swait.ge [sflag:s26], $0x8000  }
0x3f: {  	[sflag:s26] =	ssyncset.done $0x0  }
0x40: {  	[sflag:s26] =	ssyncadd.s32 $0xFFFF8000  }
0x41: {  	v3 =	vld [tilespmem:$0x0];
	_ =	sdelay $0x4  }
0x42: {  	v4 =	vshll.u32 v3, $0x3  }
0x43: {  	v3 =	vand.u32 $0x7, v3;
	v4 =	vand.u32 $0xFFFFFFC0, v4  }
0x44: {  	v3 =	vor.u32 v3, v4  }
0x45: {  	v4 =	vperm.xlane v3, v0;
	_ =	sdelay $0x1  }
0x46: {  	v4 =	vadd.s32 v1, v4;
	_ =	sdelay $0x4  }
0x47: {  	[hbm4b:s5+s2] =	stream.indirect_vreg.scatter [tilespmem:s23], [sflag:$0x2], $0x80, v4, vm0, $0xb8;
	[tilespmem:$0x18280] =	vst v63  }
0x48: {  	v3 =	vperm.xlane v3, v2  }
0x49: {  	[hbm4b:s13+s2] =	stream.indirect_vreg.scatter [tilespmem:s28], [sflag:$0x2], $0x80, v4, vm0, $0xb8;
	[tilespmem:$0x18280] =	vst v63  }
0x4a: {  	v3 =	vadd.s32 v1, v3  }
0x4b: {  	[hbm4b:s14+s2] =	stream.indirect_vreg.scatter [tilespmem:s29], [sflag:$0x2], $0x80, v4, vm0, $0xb8;
	[tilespmem:$0x18280] =	vst v63  }
0x4c: {  	_ = 	snop  }
0x4d: {  	[hbm4b:s15+s2] =	stream.indirect_vreg.scatter [tilespmem:s30], [sflag:$0x2], $0x80, v4, vm0, $0xb8;
	[tilespmem:$0x18280] =	vst v63  }
0x4e: {  	_ = 	snop  }
0x4f: {  	[hbm4b:s5+s2] =	stream.indirect_vreg.scatter [tilespmem:s31], [sflag:$0x2], $0x80, v3, vm0, $0xb8;
	[tilespmem:$0x18280] =	vst v63  }
0x50: {  	_ = 	snop  }
0x51: {  	[hbm4b:s13+s2] =	stream.indirect_vreg.scatter [tilespmem:s0], [sflag:$0x2], $0x80, v3, vm0, $0xb8;
	[tilespmem:$0x18280] =	vst v63  }
0x52: {  	_ = 	snop  }
0x53: {  	[hbm4b:s14+s2] =	stream.indirect_vreg.scatter [tilespmem:s1], [sflag:$0x2], $0x80, v3, vm0, $0xb8;
	[tilespmem:$0x18280] =	vst v63  }
0x54: {  	_ = 	snop  }
0x55: {  	[hbm4b:s15+s2] =	stream.indirect_vreg.scatter [tilespmem:s20], [sflag:$0x2], $0x80, v3, vm0, $0xb8;
	[tilespmem:$0x18280] =	vst v63  }
0x56: {  	v3 =	vld [tilespmem:$0x10];
	_ =	sdelay $0x4  }
0x57: {  	v57 =	vshll.u32 v3, $0x3  }
0x58: {  	v3 =	vand.u32 $0x7, v3;
	v4 =	vand.u32 $0xFFFFFFC0, v57  }
0x59: {  	v3 =	vor.u32 v3, v4  }
0x5a: {  	v4 =	vperm.xlane v3, v0;
	_ =	sdelay $0x1  }
0x5b: {  	v4 =	vadd.s32 v1, v4;
	_ =	sdelay $0x4  }
0x5c: {  	[hbm4b:s5+s2] =	stream.indirect_vreg.scatter [tilespmem:s21], [sflag:$0x2], $0x80, v4, vm0, $0xb8;
	[tilespmem:$0x18280] =	vst v63  }
0x5d: {  	v3 =	vperm.xlane v3, v2  }
0x5e: {  	[hbm4b:s13+s2] =	stream.indirect_vreg.scatter [tilespmem:s22], [sflag:$0x2], $0x80, v4, vm0, $0xb8;
	[tilespmem:$0x18280] =	vst v63  }
0x5f: {  	v3 =	vadd.s32 v1, v3  }
0x60: {  	[hbm4b:s14+s2] =	stream.indirect_vreg.scatter [tilespmem:s6], [sflag:$0x2], $0x80, v4, vm0, $0xb8;
	[tilespmem:$0x18280] =	vst v63  }
0x61: {  	_ = 	snop  }
0x62: {  	[hbm4b:s15+s2] =	stream.indirect_vreg.scatter [tilespmem:s7], [sflag:$0x2], $0x80, v4, vm0, $0xb8;
	[tilespmem:$0x18280] =	vst v63  }
0x63: {  	_ = 	snop  }
0x64: {  	[hbm4b:s5+s2] =	stream.indirect_vreg.scatter [tilespmem:s8], [sflag:$0x2], $0x80, v3, vm0, $0xb8;
	[tilespmem:$0x18280] =	vst v63  }
0x65: {  	_ = 	snop  }
0x66: {  	[hbm4b:s13+s2] =	stream.indirect_vreg.scatter [tilespmem:s9], [sflag:$0x2], $0x80, v3, vm0, $0xb8;
	[tilespmem:$0x18280] =	vst v63  }
0x67: {  	_ = 	snop  }
0x68: {  	[hbm4b:s14+s2] =	stream.indirect_vreg.scatter [tilespmem:s10], [sflag:$0x2], $0x80, v3, vm0, $0xb8;
	[tilespmem:$0x18280] =	vst v63  }
0x69: {  	_ = 	snop  }
0x6a: {  	[hbm4b:s15+s2] =	stream.indirect_vreg.scatter [tilespmem:s18], [sflag:$0x2], $0x80, v3, vm0, $0xb8;
	[tilespmem:$0x18280] =	vst v63  }
0x6b: {  	_ =	swait.ge [sflag:s11], $0x8000  }
0x6c: {  	[sflag:s11] =	ssyncset.done $0x0  }
0x6d: {  	[sflag:s11] =	ssyncadd.s32 $0xFFFF8000  }
0x6e: {  	[tilespmem:s23], [sflag:$0x1] =	stream.linear.gather [hbm4b:s16+s2], $0x8000, $0x38;
	[tilespmem:$0x18280] =	vst v63  }
0x6f: {  	_ =	swait.ge [sflag:s26], $0x8000  }
0x70: {  	[sflag:s26] =	ssyncset.done $0x0  }
0x71: {  	[sflag:s26] =	ssyncadd.s32 $0xFFFF8000  }
0x72: {  	v3 =	vld [tilespmem:$0x80];
	_ =	sdelay $0x4  }
0x73: {  	v58 =	vshll.u32 v3, $0x3  }
0x74: {  	v3 =	vand.u32 $0x7, v3;
	v4 =	vand.u32 $0xFFFFFFC0, v58  }
0x75: {  	v3 =	vor.u32 v3, v4  }
0x76: {  	v4 =	vperm.xlane v3, v0;
	_ =	sdelay $0x1  }
0x77: {  	v4 =	vadd.s32 v1, v4;
	_ =	sdelay $0x4  }
0x78: {  	[hbm4b:s5+s2] =	stream.indirect_vreg.scatter [tilespmem:s24], [sflag:$0x2], $0x80, v4, vm0, $0xb8;
	[tilespmem:$0x18280] =	vst v63  }
0x79: {  	v3 =	vperm.xlane v3, v2;
	s24 =	simm.s32 $0x8A80  }
0x7a: {  	[hbm4b:s13+s2] =	stream.indirect_vreg.scatter [tilespmem:s24], [sflag:$0x2], $0x80, v4, vm0, $0xb8;
	[tilespmem:$0x18280] =	vst v63  }
0x7b: {  	v3 =	vadd.s32 v1, v3;
	s24 =	simm.s32 $0x9280  }
0x7c: {  	[hbm4b:s14+s2] =	stream.indirect_vreg.scatter [tilespmem:s24], [sflag:$0x2], $0x80, v4, vm0, $0xb8;
	[tilespmem:$0x18280] =	vst v63  }
0x7d: {  	s24 =	simm.s32 $0x9A80  }
0x7e: {  	[hbm4b:s15+s2] =	stream.indirect_vreg.scatter [tilespmem:s24], [sflag:$0x2], $0x80, v4, vm0, $0xb8;
	[tilespmem:$0x18280] =	vst v63  }
0x7f: {  	s24 =	simm.s32 $0xA280  }
0x80: {  	[hbm4b:s5+s2] =	stream.indirect_vreg.scatter [tilespmem:s24], [sflag:$0x2], $0x80, v3, vm0, $0xb8;
	[tilespmem:$0x18280] =	vst v63  }
0x81: {  	s24 =	simm.s32 $0xAA80  }
0x82: {  	[hbm4b:s13+s2] =	stream.indirect_vreg.scatter [tilespmem:s24], [sflag:$0x2], $0x80, v3, vm0, $0xb8;
	[tilespmem:$0x18280] =	vst v63  }
0x83: {  	s24 =	simm.s32 $0xB280  }
0x84: {  	[hbm4b:s14+s2] =	stream.indirect_vreg.scatter [tilespmem:s24], [sflag:$0x2], $0x80, v3, vm0, $0xb8;
	[tilespmem:$0x18280] =	vst v63  }
0x85: {  	s24 =	simm.s32 $0xBA80  }
0x86: {  	[hbm4b:s15+s2] =	stream.indirect_vreg.scatter [tilespmem:s24], [sflag:$0x2], $0x80, v3, vm0, $0xb8;
	[tilespmem:$0x18280] =	vst v63  }
0x87: {  	v3 =	vld [tilespmem:$0x90];
	_ =	sdelay $0x4  }
0x88: {  	v59 =	vshll.u32 v3, $0x3  }
0x89: {  	v3 =	vand.u32 $0x7, v3;
	v4 =	vand.u32 $0xFFFFFFC0, v59  }
0x8a: {  	v3 =	vor.u32 v3, v4  }
0x8b: {  	v4 =	vperm.xlane v3, v0;
	_ =	sdelay $0x1  }
0x8c: {  	v4 =	vadd.s32 v1, v4;
	_ =	sdelay $0x3  }
0x8d: {  	s24 =	simm.s32 $0xC280  }
0x8e: {  	[hbm4b:s5+s2] =	stream.indirect_vreg.scatter [tilespmem:s24], [sflag:$0x2], $0x80, v4, vm0, $0xb8;
	[tilespmem:$0x18280] =	vst v63  }
0x8f: {  	v3 =	vperm.xlane v3, v2;
	s24 =	simm.s32 $0xCA80  }
0x90: {  	[hbm4b:s13+s2] =	stream.indirect_vreg.scatter [tilespmem:s24], [sflag:$0x2], $0x80, v4, vm0, $0xb8;
	[tilespmem:$0x18280] =	vst v63  }
0x91: {  	v3 =	vadd.s32 v1, v3;
	s24 =	simm.s32 $0xD280  }
0x92: {  	[hbm4b:s14+s2] =	stream.indirect_vreg.scatter [tilespmem:s24], [sflag:$0x2], $0x80, v4, vm0, $0xb8;
	[tilespmem:$0x18280] =	vst v63  }
0x93: {  	s24 =	simm.s32 $0xDA80  }
0x94: {  	[hbm4b:s15+s2] =	stream.indirect_vreg.scatter [tilespmem:s24], [sflag:$0x2], $0x80, v4, vm0, $0xb8;
	[tilespmem:$0x18280] =	vst v63  }
0x95: {  	s24 =	simm.s32 $0xE280  }
0x96: {  	[hbm4b:s5+s2] =	stream.indirect_vreg.scatter [tilespmem:s24], [sflag:$0x2], $0x80, v3, vm0, $0xb8;
	[tilespmem:$0x18280] =	vst v63  }
0x97: {  	s24 =	simm.s32 $0xEA80  }
0x98: {  	[hbm4b:s13+s2] =	stream.indirect_vreg.scatter [tilespmem:s24], [sflag:$0x2], $0x80, v3, vm0, $0xb8;
	[tilespmem:$0x18280] =	vst v63  }
0x99: {  	s24 =	simm.s32 $0xF280  }
0x9a: {  	[hbm4b:s14+s2] =	stream.indirect_vreg.scatter [tilespmem:s24], [sflag:$0x2], $0x80, v3, vm0, $0xb8;
	[tilespmem:$0x18280] =	vst v63  }
0x9b: {  	s24 =	simm.s32 $0xFA80  }
0x9c: {  	[hbm4b:s15+s2] =	stream.indirect_vreg.scatter [tilespmem:s24], [sflag:$0x2], $0x80, v3, vm0, $0xb8;
	[tilespmem:$0x18280] =	vst v63  }
0x9d: {  	_ =	swait.ge [sflag:s26], $0x8000  }
0x9e: {  	[sflag:s26] =	ssyncset.done $0x0  }
0x9f: {  	[sflag:s26] =	ssyncadd.s32 $0xFFFF8000  }
0xa0: {  	v3 =	vld [tilespmem:$0x100];
	_ =	sdelay $0x4  }
0xa1: {  	v60 =	vshll.u32 v3, $0x3  }
0xa2: {  	v3 =	vand.u32 $0x7, v3;
	v4 =	vand.u32 $0xFFFFFFC0, v60  }
0xa3: {  	v3 =	vor.u32 v3, v4  }
0xa4: {  	v4 =	vperm.xlane v3, v0;
	_ =	sdelay $0x1  }
0xa5: {  	v4 =	vadd.s32 v1, v4;
	_ =	sdelay $0x4  }
0xa6: {  	[hbm4b:s5+s2] =	stream.indirect_vreg.scatter [tilespmem:s25], [sflag:$0x2], $0x80, v4, vm0, $0xb8;
	[tilespmem:$0x18280] =	vst v63  }
0xa7: {  	s24 =	simm.s32 $0x10A80;
	v3 =	vperm.xlane v3, v2  }
0xa8: {  	[hbm4b:s13+s2] =	stream.indirect_vreg.scatter [tilespmem:s24], [sflag:$0x2], $0x80, v4, vm0, $0xb8;
	[tilespmem:$0x18280] =	vst v63  }
0xa9: {  	v3 =	vadd.s32 v1, v3;
	s24 =	simm.s32 $0x11280  }
0xaa: {  	[hbm4b:s14+s2] =	stream.indirect_vreg.scatter [tilespmem:s24], [sflag:$0x2], $0x80, v4, vm0, $0xb8;
	[tilespmem:$0x18280] =	vst v63  }
0xab: {  	s24 =	simm.s32 $0x11A80  }
0xac: {  	[hbm4b:s15+s2] =	stream.indirect_vreg.scatter [tilespmem:s24], [sflag:$0x2], $0x80, v4, vm0, $0xb8;
	[tilespmem:$0x18280] =	vst v63  }
0xad: {  	s24 =	simm.s32 $0x12280  }
0xae: {  	[hbm4b:s5+s2] =	stream.indirect_vreg.scatter [tilespmem:s24], [sflag:$0x2], $0x80, v3, vm0, $0xb8;
	[tilespmem:$0x18280] =	vst v63  }
0xaf: {  	s24 =	simm.s32 $0x12A80  }
0xb0: {  	[hbm4b:s13+s2] =	stream.indirect_vreg.scatter [tilespmem:s24], [sflag:$0x2], $0x80, v3, vm0, $0xb8;
	[tilespmem:$0x18280] =	vst v63  }
0xb1: {  	s24 =	simm.s32 $0x13280  }
0xb2: {  	[hbm4b:s14+s2] =	stream.indirect_vreg.scatter [tilespmem:s24], [sflag:$0x2], $0x80, v3, vm0, $0xb8;
	[tilespmem:$0x18280] =	vst v63  }
0xb3: {  	s24 =	simm.s32 $0x13A80  }
0xb4: {  	[hbm4b:s15+s2] =	stream.indirect_vreg.scatter [tilespmem:s24], [sflag:$0x2], $0x80, v3, vm0, $0xb8;
	[tilespmem:$0x18280] =	vst v63  }
0xb5: {  	v3 =	vld [tilespmem:$0x110];
	_ =	sdelay $0x4  }
0xb6: {  	v61 =	vshll.u32 v3, $0x3  }
0xb7: {  	v3 =	vand.u32 $0x7, v3;
	v4 =	vand.u32 $0xFFFFFFC0, v61  }
0xb8: {  	v3 =	vor.u32 v3, v4  }
0xb9: {  	v4 =	vperm.xlane v3, v0;
	_ =	sdelay $0x1  }
0xba: {  	v4 =	vadd.s32 v1, v4;
	_ =	sdelay $0x3  }
0xbb: {  	s24 =	simm.s32 $0x14280  }
0xbc: {  	[hbm4b:s5+s2] =	stream.indirect_vreg.scatter [tilespmem:s24], [sflag:$0x2], $0x80, v4, vm0, $0xb8;
	[tilespmem:$0x18280] =	vst v63  }
0xbd: {  	v3 =	vperm.xlane v3, v2;
	s24 =	simm.s32 $0x14A80  }
0xbe: {  	[hbm4b:s13+s2] =	stream.indirect_vreg.scatter [tilespmem:s24], [sflag:$0x2], $0x80, v4, vm0, $0xb8;
	[tilespmem:$0x18280] =	vst v63  }
0xbf: {  	v3 =	vadd.s32 v1, v3;
	s24 =	simm.s32 $0x15280  }
0xc0: {  	[hbm4b:s14+s2] =	stream.indirect_vreg.scatter [tilespmem:s24], [sflag:$0x2], $0x80, v4, vm0, $0xb8;
	[tilespmem:$0x18280] =	vst v63  }
0xc1: {  	s24 =	simm.s32 $0x15A80  }
0xc2: {  	[hbm4b:s15+s2] =	stream.indirect_vreg.scatter [tilespmem:s24], [sflag:$0x2], $0x80, v4, vm0, $0xb8;
	[tilespmem:$0x18280] =	vst v63  }
0xc3: {  	s24 =	simm.s32 $0x16280  }
0xc4: {  	[hbm4b:s5+s2] =	stream.indirect_vreg.scatter [tilespmem:s24], [sflag:$0x2], $0x80, v3, vm0, $0xb8;
	[tilespmem:$0x18280] =	vst v63  }
0xc5: {  	s24 =	simm.s32 $0x16A80  }
0xc6: {  	[hbm4b:s13+s2] =	stream.indirect_vreg.scatter [tilespmem:s24], [sflag:$0x2], $0x80, v3, vm0, $0xb8;
	[tilespmem:$0x18280] =	vst v63  }
0xc7: {  	s24 =	simm.s32 $0x17280  }
0xc8: {  	[hbm4b:s14+s2] =	stream.indirect_vreg.scatter [tilespmem:s24], [sflag:$0x2], $0x80, v3, vm0, $0xb8;
	[tilespmem:$0x18280] =	vst v63  }
0xc9: {  	s24 =	simm.s32 $0x17A80  }
0xca: {  	[hbm4b:s15+s2] =	stream.indirect_vreg.scatter [tilespmem:s24], [sflag:$0x2], $0x80, v3, vm0, $0xb8;
	[tilespmem:$0x18280] =	vst v63  }
0xcb: {  	_ =	swait.ge [sflag:s26], $0x8000  }
0xcc: {  	[sflag:s26] =	ssyncset.done $0x0  }
0xcd: {  	[sflag:s26] =	ssyncadd.s32 $0xFFFF8000  }
0xce: {  	v3 =	vld [tilespmem:$0x180];
	_ =	sdelay $0x4  }
0xcf: {  	v62 =	vshll.u32 v3, $0x3  }
0xd0: {  	v3 =	vand.u32 $0x7, v3;
	v4 =	vand.u32 $0xFFFFFFC0, v62  }
0xd1: {  	v3 =	vor.u32 v3, v4  }
0xd2: {  	v4 =	vperm.xlane v3, v0;
	_ =	sdelay $0x1  }
0xd3: {  	v4 =	vadd.s32 v1, v4;
	_ =	sdelay $0x4  }
0xd4: {  	[hbm4b:s5+s2] =	stream.indirect_vreg.scatter [tilespmem:s23], [sflag:$0x2], $0x80, v4, vm0, $0xb8;
	[tilespmem:$0x18280] =	vst v63  }
0xd5: {  	v3 =	vperm.xlane v3, v2  }
0xd6: {  	[hbm4b:s13+s2] =	stream.indirect_vreg.scatter [tilespmem:s28], [sflag:$0x2], $0x80, v4, vm0, $0xb8;
	[tilespmem:$0x18280] =	vst v63  }
0xd7: {  	v3 =	vadd.s32 v1, v3  }
0xd8: {  	[hbm4b:s14+s2] =	stream.indirect_vreg.scatter [tilespmem:s29], [sflag:$0x2], $0x80, v4, vm0, $0xb8;
	[tilespmem:$0x18280] =	vst v63  }
0xd9: {  	_ = 	snop  }
0xda: {  	[hbm4b:s15+s2] =	stream.indirect_vreg.scatter [tilespmem:s30], [sflag:$0x2], $0x80, v4, vm0, $0xb8;
	[tilespmem:$0x18280] =	vst v63  }
0xdb: {  	_ = 	snop  }
0xdc: {  	[hbm4b:s5+s2] =	stream.indirect_vreg.scatter [tilespmem:s31], [sflag:$0x2], $0x80, v3, vm0, $0xb8;
	[tilespmem:$0x18280] =	vst v63  }
0xdd: {  	_ = 	snop  }
0xde: {  	[hbm4b:s13+s2] =	stream.indirect_vreg.scatter [tilespmem:s0], [sflag:$0x2], $0x80, v3, vm0, $0xb8;
	[tilespmem:$0x18280] =	vst v63  }
0xdf: {  	_ = 	snop  }
0xe0: {  	[hbm4b:s14+s2] =	stream.indirect_vreg.scatter [tilespmem:s1], [sflag:$0x2], $0x80, v3, vm0, $0xb8;
	[tilespmem:$0x18280] =	vst v63  }
0xe1: {  	_ = 	snop  }
0xe2: {  	[hbm4b:s15+s2] =	stream.indirect_vreg.scatter [tilespmem:s20], [sflag:$0x2], $0x80, v3, vm0, $0xb8;
	[tilespmem:$0x18280] =	vst v63  }
0xe3: {  	v3 =	vld [tilespmem:$0x190];
	_ =	sdelay $0x4  }
0xe4: {  	v63 =	vshll.u32 v3, $0x3  }
0xe5: {  	v3 =	vand.u32 $0x7, v3;
	v4 =	vand.u32 $0xFFFFFFC0, v63  }
0xe6: {  	v3 =	vor.u32 v3, v4  }
0xe7: {  	v4 =	vperm.xlane v3, v0;
	_ =	sdelay $0x1  }
0xe8: {  	v4 =	vadd.s32 v1, v4;
	_ =	sdelay $0x4  }
0xe9: {  	[hbm4b:s5+s2] =	stream.indirect_vreg.scatter [tilespmem:s21], [sflag:$0x2], $0x80, v4, vm0, $0xb8;
	[tilespmem:$0x18280] =	vst v63  }
0xea: {  	v3 =	vperm.xlane v3, v2  }
0xeb: {  	[hbm4b:s13+s2] =	stream.indirect_vreg.scatter [tilespmem:s22], [sflag:$0x2], $0x80, v4, vm0, $0xb8;
	[tilespmem:$0x18280] =	vst v63  }
0xec: {  	v3 =	vadd.s32 v1, v3  }
0xed: {  	[hbm4b:s14+s2] =	stream.indirect_vreg.scatter [tilespmem:s6], [sflag:$0x2], $0x80, v4, vm0, $0xb8;
	[tilespmem:$0x18280] =	vst v63  }
0xee: {  	_ = 	snop  }
0xef: {  	[hbm4b:s15+s2] =	stream.indirect_vreg.scatter [tilespmem:s7], [sflag:$0x2], $0x80, v4, vm0, $0xb8;
	[tilespmem:$0x18280] =	vst v63  }
0xf0: {  	_ = 	snop  }
0xf1: {  	[hbm4b:s5+s2] =	stream.indirect_vreg.scatter [tilespmem:s8], [sflag:$0x2], $0x80, v3, vm0, $0xb8;
	[tilespmem:$0x18280] =	vst v63  }
0xf2: {  	_ = 	snop  }
0xf3: {  	[hbm4b:s13+s2] =	stream.indirect_vreg.scatter [tilespmem:s9], [sflag:$0x2], $0x80, v3, vm0, $0xb8;
	[tilespmem:$0x18280] =	vst v63  }
0xf4: {  	_ = 	snop  }
0xf5: {  	[hbm4b:s14+s2] =	stream.indirect_vreg.scatter [tilespmem:s10], [sflag:$0x2], $0x80, v3, vm0, $0xb8;
	[tilespmem:$0x18280] =	vst v63  }
0xf6: {  	_ = 	snop  }
0xf7: {  	[hbm4b:s15+s2] =	stream.indirect_vreg.scatter [tilespmem:s18], [sflag:$0x2], $0x80, v3, vm0, $0xb8;
	[tilespmem:$0x18280] =	vst v63  }
0xf8: {  	_ =	swait.ge [sflag:s11], $0x8000  }
0xf9: {  	[sflag:s11] =	ssyncset.done $0x0  }
0xfa: {  	[sflag:s11] =	ssyncadd.s32 $0xFFFF8000  }
0xfb: {  	_ =	swait.ge [sflag:s11], $0x8000  }
.Ltmp3:
0xfc: {  	[sflag:s11] =	ssyncset.done $0x0;
	(pc) =	sbr.rel .LBB2_3-.Ltmp3, $4  }
0xfd: {  	[sflag:s11] =	ssyncadd.s32 $0xFFFF8000  }
0xfe: {  	_ =	swait.ge [sflag:s11], $0x8000  }
0xff: {  	[sflag:s11] =	ssyncset.done $0x0  }
0x100: {  	[sflag:s11] =	ssyncadd.s32 $0xFFFF8000  }
.LBB2_4:
0x101: {  	_ =	sfence.sel $0x180000  }
0x102: {  	[bflag:$0x0] =	sbarrier.arrive $0xFFFF  }
0x103: {  	_ =	strace $0x9000004D  }
0x104: {  	s0 =	stileid.u32;
	[bflag:$0x2] =	sbarrier.arrive $0xFFFF  }
0x105: {  	p0 =	sne.s32 s0, $0x0;
	s0 =	rddreg [dreg:$0x2]  }
0x106: {  	s0 =	sadd.s32 @!p0 $0x100000, s0  }
0x107: {  	[sflag:s0] =	ssyncadd.tile.s32 @!p0 $0x1;
	_ =	shalt  }
.Lfunc_end2:
_tile_overlayer_lowered:
.L_overlay_start_2:
0x108: {  	(tag) =	ssettag $0x2  }
0x109: {  	s0 =	rddreg [dreg:$0x0];
	s2 =	stileid.u32  }
0x10a: {  	s1 =	rddreg [dreg:$0x1];
	p0 =	sne.s32 s2, $0x0  }
0x10b: {  	s3 =	rddreg [dreg:$0x2];
	[bflag:$0x3] =	sbarrier.arrive $0xFFFF;
	s2 =	simm.s32 @!p0 $0x1C03  }
0x10c: {  	[timem:s3], [sflag:s2] =	dma.local @!p0 [hbm:s0], s1  }
0x10d: {  	s0 =	simm.s32 @!p0 $0x3  }
0x10e: {  	_ =	swait.ge @!p0 [sflag:s0], s1  }
0x10f: {  	s1 =	ssub.s32 @!p0 $0x0, s1;
	[sflag:s0] =	ssyncset.done @!p0 $0x0  }
0x110: {  	[sflag:s0] =	ssyncadd.s32 @!p0 s1  }
0x111: {  	[bflag:$0x3] =	sbarrier.arrive $0xFFFF  }
0x112: {  	_ =	shalt  }

// kernel: kernel.8.cloned.1.call-start
scs
__scs_entry_jumppad:
0x0: {  	(pc) =	sbr.rel $0x88, $3  }
0x1: {  	(tag) =	ssettag $0x0;
	lr =	simm.s32 $0x1  }
0x2: {  	[smem:$0x3F93] =	sst lr;
	_ =	strace $0xD0000000  }
0x3: {  	_ = 	snop  }
0x4: {  	_ = 	snop  }
0x5: {  	_ = 	snop  }
0x6: {  	_ = 	snop  }
0x7: {  	_ = 	snop  }
__scs_overlays_trampoline_lowered:
0x8: {  	[smem:$0x3FA2] =	sst s0  }
0x9: {  	[smem:$0x3FA3] =	sst s1  }
0xa: {  	[smem:$0x3FA4] =	sst s2  }
0xb: {  	[smem:$0x3FA5] =	sst s3  }
0xc: {  	[smem:$0x3FA6] =	sst s4  }
0xd: {  	[smem:$0x3FA7] =	sst s5  }
0xe: {  	[smem:$0x3FA8] =	sst s6  }
0xf: {  	[smem:$0x3FA9] =	sst s7  }
0x10: {  	[smem:$0x3FAA] =	sst s8  }
0x11: {  	[smem:$0x3FAB] =	sst s9;
	s0 =	simm.s32 @!p0 $0x0  }
0x12: {  	s1 =	sld [smem:$0x3F91];
	s0 =	simm.s32 @p0 $0x1  }
0x13: {  	[smem:$0x3FAC] =	sst s0;
	s0 =	simm.s32 @!p1 $0x0  }
0x14: {  	s2 =	sld [smem:$0x3F90];
	s0 =	simm.s32 @p1 $0x1  }
0x15: {  	[smem:$0x3FAD] =	sst s0;
	s0 =	simm.s32 @!p2 $0x0  }
0x16: {  	s3 =	sld [smem:$0x3FDB];
	s0 =	simm.s32 @p2 $0x1  }
0x17: {  	s4 =	simm.s32 $0x1BF5;
	[smem:$0x3FAF] =	sst s0  }
0x18: {  	s0 =	sld [smem:$0x3F92];
	_ =	swait.ge [sflag:s4], $0x0  }
0x19: {  	s7 =	sld [smem:$0x3F93]  }
0x1a: {  	s8 =	sadd.s32 $0xFFFFE003, lr  }
0x1b: {  	s9 =	sadd.s32 $0xFFFFFEF7, lr;
	s5 =	simm.s32 $0xFFFFFFFF;
	p2 =	slt.u32 s8, $0xFFFFF086  }
0x1c: {  	p1 =	slt.u32 s9, $0xF7A;
	s5 =	simm.s32 @!p2 $0x0  }
0x1d: {  	s5 =	simm.s32 @p1 $0x1;
	p0 =	seq.s32 s7, s2  }
0x1e: {  	s7 =	smul.u32 @!p0 $0xF7A, s2;
	p2 =	seq.s32 @!p0 s5, $0x0  }
0x1f: {  	s9 =	smul.u32 $0xF7A, s1;
	s8 =	simm.s32 @!p0 $0x1BF5;
	p2 =	por !p2, p0  }
0x20: {  	[sflag:s8] =	ssyncset.s32 @!p0 $0xFFFFF086;
	s6 =	sadd.s32 @!p0 s3, s7;
	s7 =	simm.s32 @!p0 $0x108  }
0x21: {  	s3 =	sadd.s32 s3, s9;
	s6 =	sadd.s32 @!p0 $0x88, s6;
	s7 =	simm.s32 @p2 $0x1082  }
0x22: {  	[simem:s7], [sflag:s8] =	dma.local @!p0 [hbm:s6], $0xF7A  }
0x23: {  	s9 =	sor.u32 $0xD0000000, s2;
	s6 =	simm.s32 $0x108;
	_ =	swait.ge @!p0 [sflag:s8], $0x0  }
0x24: {  	s3 =	sadd.s32 $0x88, s3;
	s6 =	simm.s32 @!p1 $0x1082;
	[sflag:s4] =	ssyncset.s32 $0xFFFFF086  }
0x25: {  	[simem:s6], [sflag:s4] =	dma.local [hbm:s3], $0xF7A  }
0x26: {  	[smem:$0x3F93] =	sst s1;
	(tag) =	ssettag s2;
	_ =	strace s9  }
0x27: {  	s1 =	sld [smem:$0x3FA3]  }
0x28: {  	s2 =	sld [smem:$0x3FA4]  }
0x29: {  	s4 =	sld [smem:$0x3FA6]  }
0x2a: {  	p0 =	seq.s32 s5, $0x0;
	s5 =	sld [smem:$0x3FA7]  }
0x2b: {  	s6 =	sld [smem:$0x3FA8]  }
0x2c: {  	s7 =	sld [smem:$0x3FA9]  }
0x2d: {  	s3 =	simm.s32 $0x108;
	s8 =	sld [smem:$0x3FAA]  }
0x2e: {  	s3 =	simm.s32 @!p0 $0x1082;
	s9 =	sld [smem:$0x3FAB]  }
0x2f: {  	lr =	sadd.s32 s0, s3;
	s0 =	sld [smem:$0x3FA2]  }
0x30: {  	s3 =	sld [smem:$0x3FA5]  }
0x31: {  	[smem:$0x3FAE] =	sst s10  }
0x32: {  	s10 =	sld [smem:$0x3FAC];
	_ =	sdelay $0x3  }
0x33: {  	p0 =	seq.s32 s10, $0x1;
	s10 =	sld [smem:$0x3FAE];
	_ =	sdelay $0x3  }
0x34: {  	[smem:$0x3FAE] =	sst s10  }
0x35: {  	s10 =	sld [smem:$0x3FAD];
	_ =	sdelay $0x3  }
0x36: {  	p1 =	seq.s32 s10, $0x1;
	s10 =	sld [smem:$0x3FAE];
	_ =	sdelay $0x3  }
0x37: {  	[smem:$0x3FAE] =	sst s10  }
0x38: {  	s10 =	sld [smem:$0x3FAF]  }
0x39: {  	_ = 	snop;
	(pc) =	sbr.ind lr, $3  }
0x3a: {  	_ = 	snop  }
0x3b: {  	_ = 	snop  }
0x3c: {  	p2 =	seq.s32 s10, $0x1;
	s10 =	sld [smem:$0x3FAE]  }
0x3d: {  	_ =	shalt  }
0x3e: {  	_ =	shalt  }
0x3f: {  	_ =	shalt  }
0x40: {  	_ =	shalt  }
0x41: {  	_ =	shalt  }
0x42: {  	_ =	shalt  }
0x43: {  	_ =	shalt  }
0x44: {  	_ =	shalt  }
0x45: {  	_ =	shalt  }
0x46: {  	_ =	shalt  }
0x47: {  	_ =	shalt  }
0x48: {  	_ =	shalt  }
0x49: {  	_ =	shalt  }
0x4a: {  	_ =	shalt  }
0x4b: {  	_ =	shalt  }
0x4c: {  	_ =	shalt  }
0x4d: {  	_ =	shalt  }
0x4e: {  	_ =	shalt  }
0x4f: {  	_ =	shalt  }
0x50: {  	_ =	shalt  }
0x51: {  	_ =	shalt  }
0x52: {  	_ =	shalt  }
0x53: {  	_ =	shalt  }
0x54: {  	_ =	shalt  }
0x55: {  	_ =	shalt  }
0x56: {  	_ =	shalt  }
0x57: {  	_ =	shalt  }
0x58: {  	_ =	shalt  }
0x59: {  	_ =	shalt  }
0x5a: {  	_ =	shalt  }
0x5b: {  	_ =	shalt  }
0x5c: {  	_ =	shalt  }
0x5d: {  	_ =	shalt  }
0x5e: {  	_ =	shalt  }
0x5f: {  	_ =	shalt  }
0x60: {  	_ =	shalt  }
0x61: {  	_ =	shalt  }
0x62: {  	_ =	shalt  }
0x63: {  	_ =	shalt  }
0x64: {  	_ =	shalt  }
0x65: {  	_ =	shalt  }
0x66: {  	_ =	shalt  }
0x67: {  	_ =	shalt  }
0x68: {  	_ =	shalt  }
0x69: {  	_ =	shalt  }
0x6a: {  	_ =	shalt  }
0x6b: {  	_ =	shalt  }
0x6c: {  	_ =	shalt  }
0x6d: {  	_ =	shalt  }
0x6e: {  	_ =	shalt  }
0x6f: {  	_ =	shalt  }
0x70: {  	_ =	shalt  }
0x71: {  	_ =	shalt  }
0x72: {  	_ =	shalt  }
0x73: {  	_ =	shalt  }
0x74: {  	_ =	shalt  }
0x75: {  	_ =	shalt  }
0x76: {  	_ =	shalt  }
0x77: {  	_ =	shalt  }
0x78: {  	_ =	shalt  }
0x79: {  	_ =	shalt  }
0x7a: {  	_ =	shalt  }
0x7b: {  	_ =	shalt  }
0x7c: {  	_ =	shalt  }
0x7d: {  	_ =	shalt  }
0x7e: {  	_ =	shalt  }
0x7f: {  	_ =	shalt  }
0x80: {  	_ =	shalt  }
0x81: {  	_ =	shalt  }
0x82: {  	_ =	shalt  }
0x83: {  	_ =	shalt  }
0x84: {  	_ =	shalt  }
0x85: {  	_ =	shalt  }
0x86: {  	_ =	shalt  }
0x87: {  	_ =	shalt  }
.Lfunc_end0:
.L_simem_size_0:
called_computation_lowered:
.L_overlay_start_0:
0x88: {  	s2 =	sld [smem:$0x3FD9]  }
0x89: {  	s3 =	sld [smem:$0x3FFE];
	_ =	sdelay $0x1  }
0x8a: {  	s1 =	srdreg.scid  }
0x8b: {  	s0 =	sand.u32 $0x1, s1  }
0x8c: {  	s17 =	sshll.u32 s0, $0xA;
	s2 =	sadd.s32 s3, s2  }
0x8d: {  	s2 =	sadd.s32 s2, s17  }
0x8e: {  	[smem:$0x3FBA] =	sst s2  }
0x8f: {  	_ = 	snop  }
0x90: {  	s2 =	sld [smem:$0x3FD0];
	(tm) =	ssettm $0x1  }
0x91: {  	s18 =	sld [smem:$0x3FFB];
	_ =	sdelay $0x3  }
0x92: {  	_ =	strace s18  }
0x93: {  	s3 =	sld [smem:$0x3FFC];
	_ =	sdelay $0x3  }
0x94: {  	_ =	strace s3  }
0x95: {  	s3 =	sld [smem:$0x3FFD];
	_ =	sdelay $0x3  }
0x96: {  	_ =	strace s3  }
0x97: {  	_ =	strace $0x8FFFFFFF  }
0x98: {  	s19 =	sld [smem:$0x3FDB];
	_ =	sdelay $0x1  }
0x99: {  	s4 =	simm.s32 $_scs_section_size  }
0x9a: {  	s5 =	simm.s32 $_size__tile_overlayer_lowered;
	s6 =	simm.s32 $_tile_overlayer_lowered  }
0x9b: {  	s22 =	simm.s32 $0x1BFF;
	s21 =	sshll.u32 s6, $0x1;
	s3 =	sadd.s32 s4, s19  }
0x9c: {  	s7 =	simm.s32 $0x0;
	s20 =	sshll.u32 s5, $0x1;
	s5 =	sadd.s32 s21, s3  }
0x9d: {  	[timem:s7], [sflag:s22] =	dma.local [hbm:s5], s20  }
0x9e: {  	_ =	swait.ge [sflag:s22], s20  }
0x9f: {  	s4 =	ssub.s32 $0x0, s20;
	[sflag:s22] =	ssyncset.done $0x0  }
0xa0: {  	[sflag:s22] =	ssyncadd.s32 s4;
	_ =	sdelay $0x1  }
0xa1: {  	s23 =	simm.s32 $0x1B8B  }
0xa2: {  	_ =	swait.ge [sflag:s23], $0x1  }
0xa3: {  	[sflag:s23] =	ssyncset.done $0x0  }
0xa4: {  	s25 =	simm.s32 $0x1B8E;
	s24 =	sld [smem:$0x3FFE];
	[sflag:s23] =	ssyncadd.s32 $0xFFFFFFFF  }
0xa5: {  	s26 =	simm.s32 $execute0_lowered;
	[smem:$0x3FD2] =	sst s25  }
0xa6: {  	s5 =	sshll.u32 s26, $0x1;
	_ =	strace $0x80000046;
	[dreg:$0x1] =	wrdreg $0xFFFFFFFF  }
0xa7: {  	s28 =	simm.s32 $_size_execute0_lowered;
	s3 =	sadd.s32 s3, s5;
	[dreg:$0x0] =	wrdreg $0x0  }
0xa8: {  	s5 =	sshll.u32 s28, $0x1;
	[dreg:$0x2] =	wrdreg s3  }
0xa9: {  	[dreg:$0x3] =	wrdreg s5  }
0xaa: {  	[dreg:$0x4] =	wrdreg $0xC0  }
0xab: {  	_ =	task [dreg:s7], $0x5FFFF  }
0xac: {  	[dreg:$0x1] =	wrdreg $0xFFFFFFFF  }
0xad: {  	[dreg:$0x0] =	wrdreg $0x60  }
0xae: {  	[dreg:$0x2] =	wrdreg s24  }
0xaf: {  	[dreg:$0x3] =	wrdreg s2  }
0xb0: {  	[dreg:$0x4] =	wrdreg $0x9  }
0xb1: {  	_ =	task.clear_ibuf [dreg:s7], $0x5FFFF;
	_ =	strace $0x90000046  }
0xb2: {  	s29 =	simm.s32 $0x9;
	_ =	strace $0x80000048  }
0xb3: {  	_ =	swait.ge [sflag:s29], $0x1  }
0xb4: {  	[sflag:s29] =	ssyncadd.s32 $0xFFFFFFFF  }
0xb5: {  	_ =	strace $0x90000048  }
0xb6: {  	_ =	sfence  }
0xb7: {  	s30 =	sld [smem:$0x0];
	_ =	sdelay $0x2  }
0xb8: {  	s31 =	sshll.u32 s1, $0xD;
	s1 =	sshrl.u32 s1, $0x2  }
0xb9: {  	s3 =	sand.u32 $0x4000, s31;
	s1 =	sadd.s32 s1, s30  }
0xba: {  	s0 =	sor.u32 s3, s0;
	s1 =	sshll.u32 s1, $0x11  }
0xbb: {  	s0 =	sor.u32 s1, s0  }
0xbc: {  	s0 =	sadd.s32 $0x8F2B, s0  }
0xbd: {  	[sflag:s0] =	ssyncadd.remote.s32 $0x1  }
0xbe: {  	_ =	sfence.sel $0xFFFF  }
0xbf: {  	[dreg:$0x0] =	wrdreg $0xFFFFFFFF;
	(pc) =	sbr.abs _section_cstart, $3  }
0xc0: {  	[dreg:$0x1] =	wrdreg $0xFFFFFFFF  }
0xc1: {  	_ =	task.clear_ibuf [dreg:s7], $0x2FFFF;
	_ =	strace $0x9FFFFFFF  }
0xc2: {  	(tm) =	ssettm $0x7FFFFFFF  }
0xc3: {  	_ =	shalt  }
tec
execute0_lowered:
.L_overlay_start_1:
0x0: {  	(tag) =	ssettag $0x1  }
0x1: {  	s6 =	rddreg [dreg:$0x0]  }
0x2: {  	s7 =	rddreg [dreg:$0x1]  }
0x3: {  	s3 =	srdreg.scid;
	s1 =	stileid.u32;
	s2 =	simm.s32 $0x0  }
0x4: {  	s4 =	sand.u32 $0x1, s3;
	s30 =	sshll.u32 s1, $0x1;
	[smem:$0x7FF] =	sst s2  }
0x5: {  	s3 =	sadd.s32 $0x3000, s6;
	s11 =	sor.u32 s4, s30;
	_ =	strace $0x80000047  }
0x6: {  	v2 =	vimm.s32 $0x0;
	s8 =	ssub.s32 $0x2, s4;
	s4 =	sadd.s32 $0x3200, s6;
	s5 =	sshll.u32 s11, $0x7  }
0x7: {  	vm0 =	vmmov $0x1;
	vm1 =	vcmask $0x704;
	vm2 =	vcmask $0xB08;
	s10 =	sshrl.u32 s8, $0x1;
	s31 =	sshll.u32 s11, $0x4;
	p0 =	sne.s32 s11, $0x0  }
0x8: {  	vm3 =	vcmask $0xF0C;
	vm4 =	vcmask $0x1310;
	s11 =	simm.s32 $0x0;
	v0 =	vmov s5;
	s9 =	sadd.s32 $0x80, s5;
	s5 =	sadd.s32 $0x3400, s6  }
0x9: {  	vm5 =	vcmask $0x1714;
	vm6 =	vcmask $0x1B18;
	vm7 =	vcmask $0x1F1C;
	s6 =	sadd.s32 $0x3600, s6;
	s8 =	ssub.s32 s8, s10;
	s7 =	sadd.s32 s7, s31  }
0xa: {  	v3 =	vimm.s32 $0x800;
	v4 =	vlaneseq.u32;
	s10 =	simm.s32 $0x800;
	v1 =	vmov s9;
	s8 =	smax.u32 s8, $0x1;
	s9 =	simm.s32 $0x1  }
.LBB2_1:
0xb: {  	[tilespmem:s2], [sflag:$0x1] =	stream.linear.gather [hbm4b:s3+s2], $0x800, $0x38;
	[tilespmem:$0x900] =	vst v63  }
0xc: {  	_ =	swait.ge [sflag:s9], $0x800  }
0xd: {  	[sflag:s9] =	ssyncset.done $0x0  }
0xe: {  	s12 =	simm.s32 $0x0;
	[sflag:s9] =	ssyncadd.s32 $0xFFFFF800  }
0xf: {  	v6 =	vld [tilespmem:s12+$0x0];
	_ =	sdelay $0x4  }
0x10: {  	vm8 =	veq.s32 v6, $0x0  }
0x11: {  	vm9 =	veq.s32 v6, $0x1;
	v5 =	vsel vm8, $0x1, v2  }
0x12: {  	s31 =	simm.s32 $0x10;
	vm8 =	veq.s32 v6, $0x2;
	v7 =	vsel vm9, $0x1, v2;
	(xrf0) =	vadd.scan.msk.s32 $0xffff, v5  }
0x13: {  	vm9 =	veq.s32 v6, $0x3;
	v5 =	vld [tilespmem:s31+$0x0];
	v8 =	vsel vm8, $0x1, v2;
	(xrf0) =	vadd.scan.msk.s32 $0xffff, v7  }
0x14: {  	vm8 =	veq.s32 v6, $0x4;
	v7 =	vsel vm9, $0x1, v2;
	(xrf0) =	vadd.scan.msk.s32 $0xffff, v8  }
0x15: {  	v8 =	vsel vm8, $0x1, v2;
	vm8 =	veq.s32 v6, $0x5;
	(xrf0) =	vadd.scan.msk.s32 $0xffff, v7  }
0x16: {  	v7 =	vsel vm8, $0x1, v2;
	vm8 =	veq.s32 v6, $0x6;
	(xrf0) =	vadd.scan.msk.s32 $0xffff, v8  }
0x17: {  	vm10 =	veq.s32 v6, $0x7;
	v6 =	vimm.s32 $0x0;
	v9 =	vsel vm8, $0x1, v2;
	(xrf0) =	vadd.scan.msk.s32 $0xffff, v7  }
0x18: {  	s12 =	simm.s32 $0x80;
	vm9 =	veq.s32 v5, $0x3;
	vm8 =	veq.s32 v5, $0x4;
	v7 =	vsel vm10, $0x1, v2;
	v8, _, _ =	vpop (xrf0);
	(xrf0) =	vadd.scan.msk.s32 $0xffff, v9  }
.LBB2_2:
0x19: {  	p1 =	sne.s32 s12, $0x1FC0;
	vm11 =	veq.s32 v5, $0x1;
	vm10 =	veq.s32 v5, $0x2;
	v8 =	vbroadcast v8, $0xF;
	v9, _, _ =	vpop (xrf0);
	(xrf0) =	vadd.scan.msk.s32 $0xffff, v7  }
0x1a: {  	vm12 =	veq.s32 v5, $0x0;
	v7 =	vsel vm11, $0x1, v2;
	v9 =	vbroadcast v9, $0xF;
	v10, _, _ =	vpop (xrf0)  }
0x1b: {  	v11 =	vsel vm12, $0x1, v2;
	v8 =	vnsel vm0, $0x0, v8;
	v10 =	vbroadcast v10, $0xF;
	v12, _, _ =	vpop (xrf0)  }
0x1c: {  	v6 =	vadd.s32 v6, v8;
	v8 =	vnsel vm1, $0x0, v9;
	v9 =	vbroadcast v12, $0xF;
	v12, _, _ =	vpop (xrf0)  }
0x1d: {  	v6 =	vadd.s32 v8, v6;
	v8 =	vnsel vm2, $0x0, v10;
	v10 =	vbroadcast v12, $0xF;
	v12, _, _ =	vpop (xrf0)  }
0x1e: {  	v6 =	vadd.s32 v8, v6;
	v8 =	vnsel vm3, $0x0, v9;
	v9 =	vbroadcast v12, $0xF;
	v12, _, _ =	vpop (xrf0)  }
0x1f: {  	v6 =	vadd.s32 v8, v6;
	v8 =	vnsel vm4, $0x0, v10;
	v10 =	vbroadcast v12, $0xF;
	v12, _, _ =	vpop (xrf0)  }
0x20: {  	s13 =	sshra.s32 s12, $0x2;
	(xrf0) =	vadd.scan.msk.s32 $0xffff, v11;
	v6 =	vadd.s32 v8, v6;
	v8 =	vnsel vm5, $0x0, v9;
	v9 =	vbroadcast v12, $0xF;
	v11 =	vmovc v5  }
0x21: {  	v12 =	vsel vm10, $0x1, v2;
	v5 =	vld [tilespmem:s13+$0x0];
	(xrf0) =	vadd.scan.msk.s32 $0xffff, v7;
	v6 =	vadd.s32 v8, v6;
	v7 =	vnsel vm6, $0x0, v10  }
.Ltmp0:
0x22: {  	v8 =	vsel vm9, $0x1, v2;
	(xrf0) =	vadd.scan.msk.s32 $0xffff, v12;
	v6 =	vadd.s32 v7, v6;
	v7 =	vnsel vm7, $0x0, v9;
	(pc) =	sbr.rel @p1 .LBB2_2-.Ltmp0, $4  }
0x23: {  	v9 =	vsel vm8, $0x1, v2;
	vm8 =	veq.s32 v11, $0x5;
	(xrf0) =	vadd.scan.msk.s32 $0xffff, v8;
	v6 =	vadd.s32 v7, v6  }
0x24: {  	v7 =	vsel vm8, $0x1, v2;
	vm8 =	veq.s32 v11, $0x6;
	(xrf0) =	vadd.scan.msk.s32 $0xffff, v9  }
0x25: {  	vm10 =	veq.s32 v11, $0x7;
	v9 =	vsel vm8, $0x1, v2;
	(xrf0) =	vadd.scan.msk.s32 $0xffff, v7  }
0x26: {  	s12 =	sadd.s32 $0x40, s12;
	v7 =	vsel vm10, $0x1, v2;
	vm9 =	veq.s32 v5, $0x3;
	vm8 =	veq.s32 v5, $0x4;
	v8, _, _ =	vpop (xrf0);
	(xrf0) =	vadd.scan.msk.s32 $0xffff, v9  }
0x27: {  	vm10 =	veq.s32 v5, $0x1;
	v8 =	vbroadcast v8, $0xF;
	v9, _, _ =	vpop (xrf0)  }
0x28: {  	vm11 =	veq.s32 v5, $0x2;
	vm12 =	veq.s32 v5, $0x0;
	v9 =	vbroadcast v9, $0xF;
	v11, _, _ =	vpop (xrf0)  }
0x29: {  	v10 =	vsel vm10, $0x1, v2;
	v8 =	vnsel vm0, $0x0, v8;
	v11 =	vbroadcast v11, $0xF;
	v13, _, _ =	vpop (xrf0)  }
0x2a: {  	(xrf0) =	vadd.scan.msk.s32 $0xffff, v7;
	v6 =	vadd.s32 v6, v8;
	v7 =	vnsel vm1, $0x0, v9;
	v8 =	vbroadcast v13, $0xF  }
0x2b: {  	v12 =	vsel vm12, $0x1, v2;
	v6 =	vadd.s32 v7, v6;
	v7 =	vnsel vm2, $0x0, v11  }
0x2c: {  	v58, _, _ =	vpop (xrf0);
	(xrf0) =	vadd.scan.msk.s32 $0xffff, v12;
	v6 =	vadd.s32 v7, v6;
	v7 =	vnsel vm3, $0x0, v8;
	v8 =	vsel vm11, $0x1, v2  }
0x2d: {  	v9 =	vbroadcast v58, $0xF;
	v59, _, _ =	vpop (xrf0);
	(xrf0) =	vadd.scan.msk.s32 $0xffff, v10  }
0x2e: {  	v61 =	vsel vm8, $0x1, v2;
	v6 =	vadd.s32 v7, v6;
	v7 =	vsel vm9, $0x1, v2;
	(xrf0) =	vadd.scan.msk.s32 $0xffff, v8  }
0x2f: {  	vm8 =	veq.s32 v5, $0x5;
	v60 =	vbroadcast v59, $0xF;
	v9 =	vnsel vm4, $0x0, v9;
	v8, _, _ =	vpop (xrf0);
	(xrf0) =	vadd.scan.msk.s32 $0xffff, v7  }
0x30: {  	v7 =	vbroadcast v8, $0xF;
	v8 =	vsel vm8, $0x1, v2;
	vm8 =	veq.s32 v5, $0x6;
	(xrf0) =	vadd.scan.msk.s32 $0xffff, v61  }
0x31: {  	v6 =	vadd.s32 v9, v6;
	v62, _, _ =	vpop (xrf0);
	v63 =	vsel vm8, $0x1, v2;
	vm8 =	veq.s32 v5, $0x7;
	(xrf0) =	vadd.scan.msk.s32 $0xffff, v8  }
0x32: {  	v5 =	vnsel vm5, $0x0, v60;
	v8 =	vbroadcast v62, $0xF;
	v13, _, _ =	vpop (xrf0);
	v12 =	vsel vm8, $0x1, v2;
	(xrf0) =	vadd.scan.msk.s32 $0xffff, v63  }
0x33: {  	v5 =	vadd.s32 v5, v6;
	v6 =	vnsel vm6, $0x0, v7;
	v7 =	vbroadcast v13, $0xF;
	v14, _, _ =	vpop (xrf0);
	(xrf0) =	vadd.scan.msk.s32 $0xffff, v12  }
0x34: {  	v5 =	vadd.s32 v6, v5;
	v6 =	vnsel vm7, $0x0, v8;
	v8 =	vbroadcast v14, $0xF;
	v15, _, _ =	vpop (xrf0)  }
0x35: {  	v5 =	vadd.s32 v6, v5;
	v6 =	vnsel vm0, $0x0, v7;
	v7 =	vbroadcast v15, $0xF;
	v16, _, _ =	vpop (xrf0)  }
0x36: {  	v5 =	vadd.s32 v5, v6;
	v6 =	vnsel vm1, $0x0, v8;
	v8 =	vbroadcast v16, $0xF;
	v17, _, _ =	vpop (xrf0)  }
0x37: {  	v5 =	vadd.s32 v6, v5;
	v6 =	vnsel vm2, $0x0, v7;
	v7 =	vbroadcast v17, $0xF;
	v18, _, _ =	vpop (xrf0)  }
0x38: {  	v5 =	vadd.s32 v6, v5;
	v6 =	vnsel vm3, $0x0, v8;
	v8 =	vbroadcast v18, $0xF;
	v19, _, _ =	vpop (xrf0)  }
0x39: {  	v5 =	vadd.s32 v6, v5;
	v6 =	vnsel vm4, $0x0, v7;
	v7 =	vbroadcast v19, $0xF;
	v20, _, _ =	vpop (xrf0)  }
0x3a: {  	v5 =	vadd.s32 v6, v5;
	v6 =	vnsel vm5, $0x0, v8;
	v8 =	vbroadcast v20, $0xF  }
0x3b: {  	v5 =	vadd.s32 v6, v5;
	v6 =	vnsel vm6, $0x0, v7  }
0x3c: {  	v5 =	vadd.s32 v6, v5;
	v6 =	vnsel vm7, $0x0, v8  }
0x3d: {  	v5 =	vadd.s32 v6, v5  }
0x3e: {  	v5 =	vadd.s32 $0xFF, v5  }
0x3f: {  	v5 =	vand.u32 $0xFFFFFF00, v5  }
0x40: {  	(xrf0) =	vadd.scan.msk.s32 $0xffff, v5;
	_ =	sdelay $0x5  }
0x41: {  	v6, _, _ =	vpop (xrf0)  }
0x42: {  	[tilespmem:$0x800] =	vst v3;
	v5 =	vsub.s32 v6, v5  }
0x43: {  	[tilespmem:$0x810] =	vst v3;
	(v2sf) =	vpush v5, $0x0  }
0x44: {  	[tilespmem:$0x820] =	vst v3;
	(v2sf) =	vpush v5, $0x1  }
0x45: {  	[tilespmem:$0x830] =	vst v3;
	(v2sf) =	vpush v5, $0x2  }
0x46: {  	[tilespmem:$0x840] =	vst v3;
	(v2sf) =	vpush v5, $0x3  }
0x47: {  	[tilespmem:$0x850] =	vst v3;
	(v2sf) =	vpush v5, $0x4  }
0x48: {  	[tilespmem:$0x860] =	vst v3;
	(v2sf) =	vpush v5, $0x5  }
0x49: {  	[tilespmem:$0x870] =	vst v3;
	s12 =	simm.s32 $0x10  }
0x4a: {  	v7 =	vld [tilespmem:s12+$0xFFFFFFF0];
	(v2sf) =	vpush v5, $0x6;
	_ =	sdelay $0x1  }
0x4b: {  	(v2sf) =	vpush v5, $0x7;
	_ =	sdelay $0x2  }
0x4c: {  	vm13 =	veq.s32 v7, $0x0;
	vm11 =	veq.s32 v7, $0x1;
	vm8 =	veq.s32 v7, $0x2  }
0x4d: {  	vm9 =	veq.s32 v7, $0x3;
	vm10 =	veq.s32 v7, $0x4;
	v25 =	vsel vm13, $0x1, v2  }
0x4e: {  	vm12 =	veq.s32 v7, $0x5;
	vm14 =	veq.s32 v7, $0x6;
	vm15 =	veq.s32 v7, $0x7;
	(xrf0) =	vadd.scan.msk.s32 $0xffff, v25  }
0x4f: {  	v15 =	vsel vm11, $0x1, v2;
	v26 =	vsel vm8, $0x1, v2;
	v16 =	vsel vm9, $0x1, v2;
	s16 =	spop (v2sf)  }
0x50: {  	v29 =	vsel vm10, $0x1, v2;
	v17 =	vsel vm12, $0x1, v2;
	v31 =	vsel vm14, $0x1, v2;
	(xrf0) =	vadd.scan.msk.s32 $0xffff, v15;
	s20 =	spop (v2sf)  }
0x51: {  	v32 =	vsel vm15, $0x1, v2;
	(xrf0) =	vadd.scan.msk.s32 $0xffff, v26;
	v14 =	vmov s16;
	s18 =	spop (v2sf);
	v8 =	vmov s20  }
0x52: {  	v28 =	vadd.s32 $0xFFFFFFFF, v14;
	s19 =	spop (v2sf);
	v8 =	vadd.s32 $0xFFFFFFFF, v8;
	v24 =	vmov s18  }
0x53: {  	(xrf0) =	vadd.scan.msk.s32 $0xffff, v16;
	v13 =	vbroadcast v28, $0x0;
	s17 =	spop (v2sf);
	v22 =	vmov s19;
	v12 =	vadd.s32 $0xFFFFFFFF, v24  }
0x54: {  	(xrf0) =	vadd.scan.msk.s32 $0xffff, v29;
	v33, _, _ =	vpop (xrf0);
	v8 =	vbroadcast v8, $0x0;
	s14 =	spop (v2sf);
	v10 =	vadd.s32 $0xFFFFFFFF, v22;
	v30 =	vmov s17  }
0x55: {  	(xrf0) =	vadd.scan.msk.s32 $0xffff, v17;
	v13 =	vadd.s32 v33, v13;
	v12 =	vbroadcast v12, $0x0;
	v27 =	vmov s14  }
0x56: {  	(xrf0) =	vadd.scan.msk.s32 $0xffff, v31;
	v35, _, _ =	vpop (xrf0);
	s13 =	spop (v2sf);
	v34 =	vadd.s32 $0xFFFFFFFF, v30;
	v10 =	vbroadcast v10, $0x0;
	v13 =	vnsel vm13, $0x0, v13  }
0x57: {  	(xrf0) =	vadd.scan.msk.s32 $0xffff, v32;
	v36, _, _ =	vpop (xrf0);
	v8 =	vadd.s32 v35, v8;
	v21 =	vmov s13;
	v7 =	vadd.s32 $0xFFFFFFFF, v27  }
0x58: {  	s15 =	spop (v2sf);
	v14 =	vbroadcast v34, $0x0;
	v8 =	vsel vm11, v8, v13;
	v12 =	vadd.s32 v36, v12  }
0x59: {  	v37, _, _ =	vpop (xrf0);
	v9 =	vadd.s32 $0xFFFFFFFF, v21;
	v23 =	vmov s15;
	v7 =	vbroadcast v7, $0x0  }
0x5a: {  	v38, _, _ =	vpop (xrf0);
	v8 =	vsel vm8, v12, v8;
	v10 =	vadd.s32 v37, v10;
	v11 =	vadd.s32 $0xFFFFFFFF, v23  }
0x5b: {  	v40, _, _ =	vpop (xrf0);
	v9 =	vbroadcast v9, $0x0;
	v8 =	vsel vm9, v10, v8;
	v39 =	vadd.s32 v38, v14  }
0x5c: {  	v41, _, _ =	vpop (xrf0);
	v11 =	vbroadcast v11, $0x0;
	v8 =	vsel vm10, v39, v8;
	v7 =	vadd.s32 v40, v7  }
0x5d: {  	v42, _, _ =	vpop (xrf0);
	v7 =	vsel vm12, v7, v8;
	v8 =	vadd.s32 v41, v9  }
0x5e: {  	v7 =	vsel vm14, v8, v7;
	v8 =	vadd.s32 v42, v11  }
0x5f: {  	v7 =	vsel vm15, v8, v7  }
0x60: {  	vm8 =	vge.s32 v7, v0;
	vm15 =	vlt.s32 v7, v1;
	v8 =	vsub.s32 v7, v0  }
0x61: {  	v7 =	vand.u32 $0x7F, v7;
	vm8 =	vmand vm8, vm15;
	v8 =	vand.u32 $0xFFFFFF80, v8  }
0x62: {  	(v2sf) =	vpush v33, $0xF;
	v7 =	vor.u32 v7, v8  }
0x63: {  	(v2sf) =	vpush v35, $0xF;
	_ =	sdelay $0x1  }
0x64: {  	s21 =	simm.s32 $0x0;
	(v2sf) =	vpush v36, $0xF  }
0x65: {  	(v2sf) =	vpush v37, $0xF;
	v8 =	vor.u32 s21, v4  }
0x66: {  	[tilespmem:v7+s10+$0x0] =	vst.idx.msk vm8, v8  }
0x67: {  	(v2sf) =	vpush v38, $0xF;
	v7 =	vld [tilespmem:s12+$0x0];
	_ =	sdelay $0x1  }
0x68: {  	(v2sf) =	vpush v40, $0xF  }
0x69: {  	(v2sf) =	vpush v41, $0xF;
	_ =	sdelay $0x1  }
0x6a: {  	vm15 =	veq.s32 v7, $0x0  }
0x6b: {  	(v2sf) =	vpush v42, $0xF;
	vm11 =	veq.s32 v7, $0x1;
	v8 =	vsel vm15, $0x1, v2  }
0x6c: {  	vm8 =	veq.s32 v7, $0x6;
	(xrf0) =	vadd.scan.msk.s32 $0xffff, v8;
	v8 =	vsel vm11, $0x1, v2  }
0x6d: {  	(xrf0) =	vadd.scan.msk.s32 $0xffff, v8;
	v8 =	vsel vm8, $0x1, v2  }
0x6e: {  	s28 =	spop (v2sf);
	vm10 =	veq.s32 v7, $0x3;
	(xrf0) =	vadd.scan.msk.s32 $0xffff, v8  }
0x6f: {  	s22 =	spop (v2sf);
	vm9 =	veq.s32 v7, $0x7;
	v43 =	vsel vm10, $0x1, v2  }
0x70: {  	s21 =	sadd.s32 s20, s22;
	vm14 =	veq.s32 v7, $0x2;
	v44 =	vsel vm9, $0x1, v2;
	(xrf0) =	vadd.scan.msk.s32 $0xffff, v43  }
0x71: {  	s29 =	spop (v2sf);
	v45 =	vmov s21;
	vm13 =	veq.s32 v7, $0x5;
	v46 =	vsel vm14, $0x1, v2;
	(xrf0) =	vadd.scan.msk.s32 $0xffff, v44  }
0x72: {  	s23 =	spop (v2sf);
	s22 =	sadd.s32 s18, s29;
	v9 =	vadd.s32 $0xFFFFFFFF, v45;
	vm12 =	veq.s32 v7, $0x4;
	v49 =	vsel vm13, $0x1, v2;
	v47, _, _ =	vpop (xrf0);
	(xrf0) =	vadd.scan.msk.s32 $0xffff, v46  }
0x73: {  	s19 =	sadd.s32 s19, s23;
	v52 =	vmov s22;
	v9 =	vbroadcast v9, $0x0;
	v7 =	vsel vm12, $0x1, v2;
	v48, _, _ =	vpop (xrf0);
	(xrf0) =	vadd.scan.msk.s32 $0xffff, v49  }
0x74: {  	s24 =	spop (v2sf);
	v51 =	vmov s19;
	v12 =	vadd.s32 $0xFFFFFFFF, v52;
	(v2sf) =	vpush v47, $0xF;
	v50, _, _ =	vpop (xrf0);
	(xrf0) =	vadd.scan.msk.s32 $0xffff, v7  }
0x75: {  	s16 =	sadd.s32 s16, s28;
	s23 =	sadd.s32 s17, s24;
	v11 =	vadd.s32 $0xFFFFFFFF, v51;
	v12 =	vbroadcast v12, $0x0;
	(v2sf) =	vpush v48, $0xF  }
0x76: {  	s30 =	spop (v2sf);
	v55 =	vmov s23;
	v8 =	vmov s16;
	v7, _, _ =	vpop (xrf0);
	(v2sf) =	vpush v50, $0xF  }
0x77: {  	s25 =	spop (v2sf);
	s20 =	sadd.s32 s14, s30;
	v11 =	vbroadcast v11, $0x0;
	v8 =	vadd.s32 $0xFFFFFFFF, v8;
	(v2sf) =	vpush v7, $0xF;
	v53, _, _ =	vpop (xrf0)  }
0x78: {  	s17 =	sadd.s32 s13, s25;
	v57 =	vmov s20;
	v8 =	vbroadcast v8, $0x0;
	(v2sf) =	vpush v53, $0xF;
	v54, _, _ =	vpop (xrf0)  }
0x79: {  	v58 =	vadd.s32 $0xFFFFFFFF, v55;
	v60 =	vmov s17;
	v59, _, _ =	vpop (xrf0);
	(v2sf) =	vpush v54, $0xF  }
0x7a: {  	s31 =	spop (v2sf);
	v15 =	vadd.s32 $0xFFFFFFFF, v57;
	v8 =	vadd.s32 v47, v8;
	v61, _, _ =	vpop (xrf0);
	(v2sf) =	vpush v59, $0xF  }
0x7b: {  	s18 =	sadd.s32 s15, s31;
	v8 =	vnsel vm15, $0x0, v8;
	v9 =	vadd.s32 v48, v9;
	(v2sf) =	vpush v61, $0xF  }
0x7c: {  	v56 =	vmov s18;
	v8 =	vsel vm11, v9, v8;
	v12 =	vadd.s32 v54, v12  }
0x7d: {  	v7 =	vadd.s32 v7, v11;
	v8 =	vsel vm14, v12, v8;
	v12 =	vbroadcast v58, $0x0  }
0x7e: {  	v62 =	vadd.s32 $0xFFFFFFFF, v60;
	v7 =	vsel vm10, v7, v8;
	v8 =	vbroadcast v15, $0x0  }
0x7f: {  	v11 =	vadd.s32 $0xFFFFFFFF, v56;
	v15 =	vbroadcast v62, $0x0;
	v12 =	vadd.s32 v61, v12  }
0x80: {  	v11 =	vbroadcast v11, $0x0;
	v7 =	vsel vm12, v12, v7;
	v8 =	vadd.s32 v59, v8  }
0x81: {  	v7 =	vsel vm13, v8, v7;
	v8 =	vadd.s32 v50, v15  }
0x82: {  	s14 =	simm.s32 $0x0;
	v63 =	vadd.s32 v53, v11;
	v7 =	vsel vm8, v8, v7  }
0x83: {  	s13 =	simm.s32 $0x10;
	s15 =	simm.s32 $0x30;
	v7 =	vsel vm9, v63, v7;
	s24 =	spop (v2sf)  }
.LBB2_4:
0x84: {  	s14 =	sadd.s32 $0x2, s14;
	vm8 =	vge.s32 v7, v0;
	vm9 =	vlt.s32 v7, v1;
	v8 =	vsub.s32 v7, v0;
	s12 =	sadd.s32 $0x20, s12;
	s25 =	spop (v2sf)  }
0x85: {  	v7 =	vand.u32 $0x7F, v7;
	p1 =	slt.u32 s14, $0x7E;
	s21 =	sadd.s32 s21, s25;
	vm8 =	vmand vm8, vm9;
	v8 =	vand.u32 $0xFFFFFF80, v8;
	s25 =	spop (v2sf)  }
0x86: {  	v9 =	vmov s21;
	s17 =	sadd.s32 s17, s25;
	v7 =	vor.u32 v7, v8;
	s25 =	spop (v2sf)  }
0x87: {  	v8 =	vadd.s32 $0xFFFFFFFF, v9;
	v9 =	vmov s17;
	s19 =	sadd.s32 s19, s25;
	s25 =	spop (v2sf)  }
0x88: {  	v9 =	vadd.s32 $0xFFFFFFFF, v9;
	s18 =	sadd.s32 s18, s25;
	s25 =	spop (v2sf)  }
0x89: {  	v12 =	vor.u32 s13, v4;
	s13 =	smov.u32 s15;
	v10 =	vmov s19;
	v11 =	vmov s18;
	s22 =	sadd.s32 s22, s25;
	s25 =	spop (v2sf)  }
0x8a: {  	s16 =	sadd.s32 s16, s24;
	v10 =	vadd.s32 $0xFFFFFFFF, v10;
	v13 =	vmov s22;
	v11 =	vadd.s32 $0xFFFFFFFF, v11;
	s20 =	sadd.s32 s20, s25;
	s24 =	spop (v2sf)  }
0x8b: {  	v14 =	vmov s16;
	v13 =	vadd.s32 $0xFFFFFFFF, v13;
	v15 =	vmov s20;
	s23 =	sadd.s32 s23, s24;
	[tilespmem:v7+s10+$0x0] =	vst.idx.msk vm8, v12  }
0x8c: {  	v12 =	vadd.s32 $0xFFFFFFFF, v14;
	v7 =	vld [tilespmem:s12+$0xFFFFFFF0];
	v14 =	vmov s23;
	v15 =	vadd.s32 $0xFFFFFFFF, v15  }
0x8d: {  	v14 =	vadd.s32 $0xFFFFFFFF, v14;
	_ =	sdelay $0x3  }
0x8e: {  	vm15 =	veq.s32 v7, $0x0  }
0x8f: {  	vm14 =	veq.s32 v7, $0x1;
	v16 =	vsel vm15, $0x1, v2  }
0x90: {  	vm10 =	veq.s32 v7, $0x2;
	v17 =	vsel vm14, $0x1, v2;
	(xrf0) =	vadd.scan.msk.s32 $0xffff, v16  }
0x91: {  	v9 =	vbroadcast v9, $0x0;
	vm8 =	veq.s32 v7, $0x3;
	v16 =	vsel vm10, $0x1, v2;
	(xrf0) =	vadd.scan.msk.s32 $0xffff, v17  }
0x92: {  	v11 =	vbroadcast v11, $0x0;
	vm9 =	veq.s32 v7, $0x4;
	v17 =	vsel vm8, $0x1, v2;
	(xrf0) =	vadd.scan.msk.s32 $0xffff, v16  }
0x93: {  	v8 =	vbroadcast v8, $0x0;
	vm11 =	veq.s32 v7, $0x5;
	v16 =	vsel vm9, $0x1, v2;
	(xrf0) =	vadd.scan.msk.s32 $0xffff, v17  }
0x94: {  	v15 =	vbroadcast v15, $0x0;
	vm12 =	veq.s32 v7, $0x6;
	v18 =	vsel vm11, $0x1, v2;
	(xrf0) =	vadd.scan.msk.s32 $0xffff, v16  }
0x95: {  	v12 =	vbroadcast v12, $0x0;
	vm13 =	veq.s32 v7, $0x7;
	v19 =	vsel vm12, $0x1, v2;
	(xrf0) =	vadd.scan.msk.s32 $0xffff, v18  }
0x96: {  	v7 =	vbroadcast v10, $0x0;
	v10 =	vbroadcast v14, $0x0;
	v18 =	vsel vm13, $0x1, v2;
	v17, _, _ =	vpop (xrf0);
	(xrf0) =	vadd.scan.msk.s32 $0xffff, v19  }
0x97: {  	v19 =	vbroadcast v13, $0x0;
	v12 =	vadd.s32 v17, v12;
	(v2sf) =	vpush v17, $0xF;
	v16, _, _ =	vpop (xrf0);
	(xrf0) =	vadd.scan.msk.s32 $0xffff, v18  }
0x98: {  	v17 =	vnsel vm15, $0x0, v12;
	v8 =	vadd.s32 v16, v8;
	(v2sf) =	vpush v16, $0xF;
	v14, _, _ =	vpop (xrf0)  }
0x99: {  	v8 =	vsel vm14, v8, v17;
	v16 =	vadd.s32 v14, v19;
	(v2sf) =	vpush v14, $0xF;
	v13, _, _ =	vpop (xrf0)  }
0x9a: {  	v8 =	vsel vm10, v16, v8;
	v7 =	vadd.s32 v13, v7;
	(v2sf) =	vpush v13, $0xF;
	v12, _, _ =	vpop (xrf0)  }
0x9b: {  	v7 =	vsel vm8, v7, v8;
	v8 =	vadd.s32 v12, v10;
	(v2sf) =	vpush v12, $0xF;
	v10, _, _ =	vpop (xrf0)  }
0x9c: {  	v7 =	vsel vm9, v8, v7;
	v8 =	vadd.s32 v10, v15;
	(v2sf) =	vpush v10, $0xF;
	v10, _, _ =	vpop (xrf0)  }
0x9d: {  	v7 =	vsel vm11, v8, v7;
	v8 =	vadd.s32 v10, v9;
	(v2sf) =	vpush v10, $0xF;
	v9, _, _ =	vpop (xrf0)  }
0x9e: {  	v7 =	vsel vm12, v8, v7;
	v8 =	vadd.s32 v9, v11;
	(v2sf) =	vpush v9, $0xF  }
0x9f: {  	v7 =	vsel vm13, v8, v7  }
0xa0: {  	vm8 =	vge.s32 v7, v0;
	vm9 =	vlt.s32 v7, v1;
	v8 =	vsub.s32 v7, v0  }
0xa1: {  	v7 =	vand.u32 $0x7F, v7;
	vm8 =	vmand vm8, vm9;
	v8 =	vand.u32 $0xFFFFFF80, v8  }
0xa2: {  	v7 =	vor.u32 v7, v8;
	_ =	sdelay $0x2  }
0xa3: {  	s24 =	sadd.s32 $0xFFFFFFF0, s15  }
0xa4: {  	v8 =	vor.u32 s24, v4;
	s28 =	spop (v2sf)  }
0xa5: {  	[tilespmem:v7+s10+$0x0] =	vst.idx.msk vm8, v8;
	s29 =	spop (v2sf)  }
0xa6: {  	v7 =	vld [tilespmem:s12+$0x0];
	s30 =	spop (v2sf)  }
0xa7: {  	s31 =	spop (v2sf)  }
0xa8: {  	s0 =	spop (v2sf)  }
0xa9: {  	s26 =	spop (v2sf)  }
0xaa: {  	s25 =	spop (v2sf)  }
0xab: {  	vm15 =	veq.s32 v7, $0x0;
	vm14 =	veq.s32 v7, $0x1;
	vm8 =	veq.s32 v7, $0x7;
	s24 =	spop (v2sf)  }
0xac: {  	vm12 =	veq.s32 v7, $0x3;
	v8 =	vsel vm15, $0x1, v2;
	v9 =	vsel vm14, $0x1, v2  }
0xad: {  	vm9 =	veq.s32 v7, $0x6;
	v10 =	vsel vm12, $0x1, v2;
	v11 =	vsel vm8, $0x1, v2;
	(xrf0) =	vadd.scan.msk.s32 $0xffff, v8  }
0xae: {  	vm11 =	veq.s32 v7, $0x4;
	vm10 =	veq.s32 v7, $0x5;
	v8 =	vsel vm9, $0x1, v2;
	(xrf0) =	vadd.scan.msk.s32 $0xffff, v9  }
0xaf: {  	s16 =	sadd.s32 s16, s28;
	vm13 =	veq.s32 v7, $0x2;
	v7 =	vsel vm11, $0x1, v2;
	(xrf0) =	vadd.scan.msk.s32 $0xffff, v8  }
0xb0: {  	s21 =	sadd.s32 s21, s29;
	v9 =	vsel vm13, $0x1, v2;
	v8 =	vmov s16;
	(xrf0) =	vadd.scan.msk.s32 $0xffff, v10  }
0xb1: {  	v13 =	vmov s21;
	v12 =	vsel vm10, $0x1, v2;
	v8 =	vadd.s32 $0xFFFFFFFF, v8;
	(xrf0) =	vadd.scan.msk.s32 $0xffff, v11  }
0xb2: {  	v8 =	vbroadcast v8, $0x0;
	v11 =	vadd.s32 $0xFFFFFFFF, v13;
	(xrf0) =	vadd.scan.msk.s32 $0xffff, v9  }
0xb3: {  	v11 =	vbroadcast v11, $0x0;
	v10, _, _ =	vpop (xrf0);
	(xrf0) =	vadd.scan.msk.s32 $0xffff, v12  }
0xb4: {  	s22 =	sadd.s32 s22, s30;
	v8 =	vadd.s32 v10, v8;
	(v2sf) =	vpush v10, $0xF;
	v10, _, _ =	vpop (xrf0);
	(xrf0) =	vadd.scan.msk.s32 $0xffff, v7  }
0xb5: {  	s19 =	sadd.s32 s19, s31;
	v7 =	vnsel vm15, $0x0, v8;
	v8 =	vadd.s32 v10, v11;
	(v2sf) =	vpush v10, $0xF;
	v9, _, _ =	vpop (xrf0)  }
0xb6: {  	s23 =	sadd.s32 s23, s0;
	v7 =	vsel vm14, v8, v7;
	v8 =	vmov s19;
	v10, _, _ =	vpop (xrf0);
	(v2sf) =	vpush v9, $0xF  }
0xb7: {  	s20 =	sadd.s32 s20, s26;
	v11 =	vmov s22;
	v8 =	vadd.s32 $0xFFFFFFFF, v8;
	(v2sf) =	vpush v10, $0xF;
	v12, _, _ =	vpop (xrf0)  }
0xb8: {  	s17 =	sadd.s32 s17, s25;
	v11 =	vadd.s32 $0xFFFFFFFF, v11;
	v8 =	vbroadcast v8, $0x0;
	v13, _, _ =	vpop (xrf0);
	(v2sf) =	vpush v12, $0xF  }
0xb9: {  	v14 =	vmov s23;
	s18 =	sadd.s32 s18, s24;
	v11 =	vbroadcast v11, $0x0;
	(v2sf) =	vpush v13, $0xF;
	v15, _, _ =	vpop (xrf0)  }
0xba: {  	v8 =	vadd.s32 v10, v8;
	v10 =	vmov s18;
	v16, _, _ =	vpop (xrf0);
	(v2sf) =	vpush v15, $0xF  }
0xbb: {  	v11 =	vadd.s32 v13, v11;
	v13 =	vmov s20;
	(v2sf) =	vpush v16, $0xF  }
0xbc: {  	v7 =	vsel vm13, v11, v7;
	v11 =	vadd.s32 $0xFFFFFFFF, v14;
	v14 =	vmov s17  }
0xbd: {  	v7 =	vsel vm12, v8, v7;
	v8 =	vbroadcast v11, $0x0;
	v11 =	vadd.s32 $0xFFFFFFFF, v13  }
0xbe: {  	v13 =	vadd.s32 $0xFFFFFFFF, v14;
	v10 =	vadd.s32 $0xFFFFFFFF, v10;
	v11 =	vbroadcast v11, $0x0  }
.Ltmp1:
0xbf: {  	v13 =	vbroadcast v13, $0x0;
	v10 =	vbroadcast v10, $0x0;
	v8 =	vadd.s32 v16, v8;
	(pc) =	sbr.rel @p1 .LBB2_4-.Ltmp1, $4  }
0xc0: {  	v7 =	vsel vm11, v8, v7;
	v8 =	vadd.s32 v15, v11  }
0xc1: {  	v7 =	vsel vm10, v8, v7;
	v8 =	vadd.s32 v9, v13;
	v9 =	vadd.s32 v12, v10  }
0xc2: {  	v7 =	vsel vm9, v8, v7  }
0xc3: {  	s15 =	sadd.s32 $0x20, s15;
	v7 =	vsel vm8, v9, v7;
	s24 =	spop (v2sf)  }
0xc4: {  	vm8 =	vge.s32 v7, v0;
	vm9 =	vlt.s32 v7, v1;
	v8 =	vsub.s32 v7, v0  }
0xc5: {  	s0 =	spop (v2sf);
	v7 =	vand.u32 $0x7F, v7;
	vm8 =	vmand vm8, vm9;
	v8 =	vand.u32 $0xFFFFFF80, v8  }
0xc6: {  	s0 =	spop (v2sf);
	v7 =	vor.u32 v7, v8  }
0xc7: {  	s0 =	spop (v2sf)  }
0xc8: {  	s0 =	spop (v2sf)  }
0xc9: {  	s0 =	spop (v2sf)  }
0xca: {  	v63 =	vor.u32 s13, v4;
	s0 =	spop (v2sf)  }
0xcb: {  	s0 =	spop (v2sf);
	[tilespmem:v7+s10+$0x0] =	vst.idx.msk vm8, v63  }
0xcc: {  	[hbm4b:s7+s2] =	stream.linear.scatter [tilespmem:s10], [sflag:$0x1], $0x80, $0x38;
	[tilespmem:$0x900] =	vst v63  }
0xcd: {  	v6 =	vxor.u32 @!p0 $0x80000000, v6;
	_ =	swait.ge [sflag:s9], $0x80  }
0xce: {  	(xrf0) =	vmax.scan.msk.u32 @!p0 $0xffff, v6;
	_ =	sdelay $0x5  }
0xcf: {  	v6, _, _ =	vpop @!p0 (xrf0)  }
0xd0: {  	(v2sf) =	vpush @!p0 v6, $0xF;
	_ =	sdelay $0xe  }
0xd1: {  	s0 =	spop @!p0 (v2sf)  }
0xd2: {  	v6 =	vlaneseq.u32 @!p0;
	s0 =	sxor.u32 @!p0 $0x80000000, s0  }
0xd3: {  	v6 =	vmul.u32 @!p0 $0x100, v6;
	v7 =	vmov @!p0 s0  }
0xd4: {  	v8 =	vadd.s32 @!p0 $0xFFFFFF00, v7  }
0xd5: {  	v9 =	vbroadcast @!p0 v5, $0x0;
	v10 =	vbroadcast @!p0 v5, $0x1;
	vm8 =	vlt.s32 @!p0 v8, v6  }
0xd6: {  	v11 =	vimm.s32 @!p0 $0x0;
	v8 =	vsel @!p0 vm8, v8, v6  }
0xd7: {  	vm8 =	vlt.s32 @!p0 v8, v9;
	vm9 =	vge.s32 @!p0 v8, v10;
	v9 =	vbroadcast @!p0 v5, $0x2  }
0xd8: {  	v13 =	vbroadcast @!p0 v5, $0x3;
	v10 =	vsel @!p0 vm8, $0xFFFFFFFF, v11;
	v12 =	vsel @!p0 vm9, $0x1, v11  }
0xd9: {  	v10 =	vadd.s32 @!p0 v12, v10;
	vm8 =	vge.s32 @!p0 v8, v9  }
0xda: {  	v12 =	vbroadcast @!p0 v5, $0x4;
	v9 =	vsel @!p0 vm8, $0x1, v11;
	vm8 =	vge.s32 @!p0 v8, v13  }
0xdb: {  	v13 =	vbroadcast @!p0 v5, $0x5;
	v9 =	vadd.s32 @!p0 v9, v10;
	v10 =	vsel @!p0 vm8, $0x1, v11  }
0xdc: {  	vm8 =	vge.s32 @!p0 v8, v12;
	v9 =	vadd.s32 @!p0 v10, v9;
	v10 =	vbroadcast @!p0 v5, $0x6  }
0xdd: {  	vm9 =	vge.s32 @!p0 v8, v13;
	v12 =	vsel @!p0 vm8, $0x1, v11;
	v5 =	vbroadcast @!p0 v5, $0x7  }
0xde: {  	v9 =	vadd.s32 @!p0 v12, v9;
	vm8 =	vge.s32 @!p0 v8, v10;
	v10 =	vsel @!p0 vm9, $0x1, v11  }
0xdf: {  	v9 =	vadd.s32 @!p0 v10, v9;
	v10 =	vsel @!p0 vm8, $0x1, v11;
	vm8 =	vge.s32 @!p0 v8, v5  }
0xe0: {  	[sflag:s9] =	ssyncset.done $0x0;
	v5 =	vadd.s32 @!p0 v10, v9;
	v8 =	vsel @!p0 vm8, $0x1, v11  }
0xe1: {  	[sflag:s9] =	ssyncadd.s32 $0xFFFFFF80;
	v5 =	vadd.s32 @!p0 v8, v5  }
0xe2: {  	s12 =	simm.s32 @!p0 $0x880;
	s13 =	simm.s32 @!p0 $0x1;
	s0 =	simm.s32 @!p0 $0x0;
	[tilespmem:$0x880] =	vst @!p0 v5  }
0xe3: {  	[hbm4b:s4+s0] =	stream.linear.scatter @!p0 [tilespmem:s12], [sflag:$0x1], $0x80, $0x38;
	[tilespmem:$0x900] =	vst v63  }
0xe4: {  	_ =	swait.ge @!p0 [sflag:s13], $0x80  }
0xe5: {  	vm8 =	vgt.s32 @!p0 v7, v6;
	[sflag:s13] =	ssyncset.done @!p0 $0x0  }
0xe6: {  	v5 =	vsel @!p0 vm8, $0x1, v11;
	[sflag:s13] =	ssyncadd.s32 @!p0 $0xFFFFFF80  }
0xe7: {  	[tilespmem:$0x880] =	vst @!p0 v5  }
0xe8: {  	[hbm4b:s5+s0] =	stream.linear.scatter @!p0 [tilespmem:s12], [sflag:$0x1], $0x80, $0x38;
	[tilespmem:$0x900] =	vst v63  }
0xe9: {  	_ =	swait.ge @!p0 [sflag:s13], $0x80  }
0xea: {  	s11 =	sadd.s32 $0x1, s11;
	[sflag:s13] =	ssyncset.done @!p0 $0x0  }
0xeb: {  	p1 =	sne.s32 s11, s8;
	[sflag:s13] =	ssyncadd.s32 @!p0 $0xFFFFFF80  }
.Ltmp2:
0xec: {  	[tilespmem:$0x880] =	vst @!p0 v7;
	(pc) =	sbr.rel @p1 .LBB2_1-.Ltmp2, $4  }
0xed: {  	[hbm4b:s6+s0] =	stream.linear.scatter @!p0 [tilespmem:s12], [sflag:$0x1], $0x80, $0x38;
	[tilespmem:$0x900] =	vst v63  }
0xee: {  	_ =	swait.ge @!p0 [sflag:s13], $0x80  }
0xef: {  	[sflag:s13] =	ssyncset.done @!p0 $0x0  }
0xf0: {  	[sflag:s13] =	ssyncadd.s32 @!p0 $0xFFFFFF80  }
0xf1: {  	_ =	sfence.sel $0x180000  }
0xf2: {  	[bflag:$0x0] =	sbarrier.arrive $0xFFFF  }
0xf3: {  	_ =	strace $0x90000047  }
0xf4: {  	[bflag:$0x2] =	sbarrier.arrive $0xFFFF  }
0xf5: {  	p0 =	sne.s32 s1, $0x0;
	s0 =	rddreg [dreg:$0x2]  }
0xf6: {  	s0 =	sadd.s32 @!p0 $0x100000, s0  }
0xf7: {  	[sflag:s0] =	ssyncadd.tile.s32 @!p0 $0x1;
	_ =	shalt  }
.Lfunc_end2:
_tile_overlayer_lowered:
.L_overlay_start_2:
0xf8: {  	(tag) =	ssettag $0x2  }
0xf9: {  	s0 =	rddreg [dreg:$0x0];
	s2 =	stileid.u32  }
0xfa: {  	s1 =	rddreg [dreg:$0x1];
	p0 =	sne.s32 s2, $0x0  }
0xfb: {  	s3 =	rddreg [dreg:$0x2];
	[bflag:$0x3] =	sbarrier.arrive $0xFFFF;
	s2 =	simm.s32 @!p0 $0x1C01  }
0xfc: {  	[timem:s3], [sflag:s2] =	dma.local @!p0 [hbm:s0], s1  }
0xfd: {  	s0 =	simm.s32 @!p0 $0x1  }
0xfe: {  	_ =	swait.ge @!p0 [sflag:s0], s1  }
0xff: {  	s1 =	ssub.s32 @!p0 $0x0, s1;
	[sflag:s0] =	ssyncset.done @!p0 $0x0  }
0x100: {  	[sflag:s0] =	ssyncadd.s32 @!p0 s1  }
0x101: {  	[bflag:$0x3] =	sbarrier.arrive $0xFFFF  }
0x102: {  	_ =	shalt  }

</sc_bundles>
